<compile_context>
chip_gen: v7x
topology: tpu7x:2x2x1
jax: 0.10.2.dev20260603
libtpu: 0.0.44.dev20260713+nightly
codegen_flags: <defaults>
</compile_context>

<pallas_src>
import functools

import jax
import jax.numpy as jnp
from jax import lax
from jax.experimental import pallas as pl
from jax.experimental.pallas import tpu as pltpu

jax.config.update("jax_enable_x64", True)

_KS0 = 0x375F238F
_KS1 = 0xCDDB151D
_KS2 = (_KS0 ^ _KS1 ^ 0x1BD11BDA) & 0xFFFFFFFF
_ROT_A = (13, 15, 26, 6)
_ROT_B = (17, 29, 16, 24)
_TWO_PI = 6.283185307179586
_THREE_PI = 9.42477796076938
_NSEM = 8


def _rotl(x, d):
    return lax.shift_left(x, jnp.uint32(d)) | lax.shift_right_logical(
        x, jnp.uint32(32 - d)
    )


def _threefry_y0(x1_ctr):
    ks = (jnp.uint32(_KS0), jnp.uint32(_KS1), jnp.uint32(_KS2))
    x0 = jnp.full(x1_ctr.shape, ks[0], dtype=jnp.uint32)
    x1 = x1_ctr + ks[1]
    rots = (_ROT_A, _ROT_B)
    for i in range(5):
        for r in rots[i % 2]:
            x0 = x0 + x1
            x1 = _rotl(x1, r)
            x1 = x0 ^ x1
        x0 = x0 + ks[(i + 1) % 3]
        x1 = x1 + ks[(i + 2) % 3] + jnp.uint32(i + 1)
    return x0


def _body(M, TM, I, sel_ref, vm_any, samp_ref, bc_any, vmbuf, sem_in, sems):
    j = pl.program_id(0)
    nj = pl.num_programs(0)

    @pl.when(j == 0)
    def _fire():
        cp = pltpu.make_async_copy(vm_any, vmbuf, sem_in)
        cp.start()
        cp.wait()
        for i in range(I):
            pltpu.make_async_copy(
                vmbuf, bc_any.at[pl.ds(i, 1), :], sems.at[jnp.int32(i % _NSEM)]
            ).start()

    row = lax.broadcasted_iota(jnp.uint32, (I, TM), 0)
    col = lax.broadcasted_iota(jnp.uint32, (I, TM), 1) + jnp.uint32(TM) * j.astype(
        jnp.uint32
    )
    ctr = row * jnp.uint32(M) + col

    y0 = _threefry_y0(ctr)
    fbits = lax.shift_right_logical(y0, jnp.uint32(9)) | jnp.uint32(0x3F800000)
    u = lax.bitcast_convert_type(fbits, jnp.float32)
    val = u * jnp.float32(_TWO_PI) - jnp.float32(_THREE_PI)

    samp_ref[...] = jnp.where(sel_ref[...] == 0, val, jnp.float32(0.0))

    @pl.when(j == nj - 1)
    def _drain():
        for i in range(I):
            pltpu.make_async_copy(
                vmbuf, bc_any.at[pl.ds(i, 1), :], sems.at[jnp.int32(i % _NSEM)]
            ).wait()


@jax.jit
def kernel(selected_components, vm_means):
    I, M = selected_components.shape
    D = vm_means.shape[1]
    MD = M * D
    TM = 512
    grid = (M // TM,)

    sel32 = selected_components.astype(jnp.int32)
    vm_flat = vm_means.reshape(1, MD)

    samp32, bc2d = pl.pallas_call(
        functools.partial(_body, M, TM, I),
        grid=grid,
        in_specs=[
            pl.BlockSpec((I, TM), lambda j: (jnp.int32(0), j)),
            pl.BlockSpec(memory_space=pl.ANY),
        ],
        out_specs=[
            pl.BlockSpec((I, TM), lambda j: (jnp.int32(0), j)),
            pl.BlockSpec(memory_space=pl.ANY),
        ],
        out_shape=[
            jax.ShapeDtypeStruct((I, M), jnp.float32),
            jax.ShapeDtypeStruct((I, MD), jnp.float32),
        ],
        scratch_shapes=[
            pltpu.VMEM((1, MD), jnp.float32),
            pltpu.SemaphoreType.DMA,
            pltpu.SemaphoreType.DMA((_NSEM,)),
        ],
    )(sel32, vm_flat)

    sample_set = samp32.astype(jnp.float64)
    reshaped_vm = bc2d.reshape(I, M, D)
    return (sample_set, reshaped_vm)

# --- scband reference (transcript-rebuilt; emitter-appended) ---
"""Pipeline reference for scband-errors-emissions-base-88459146428970 (READ-ONLY COPY).

The authoritative reference and input builder live on the scoring server;
editing this copy changes nothing except your own understanding.
"""

import jax, jax.numpy as jnp
import numpy as np
jax.config.update("jax_enable_x64", True)


def setup_inputs(seed: int = 0) -> dict:
    key = jax.random.key(seed)
    k1, k2 = jax.random.split(key)
    selected_components = jax.random.randint(k1, (128, 16384), 0, 9, dtype=jnp.int64)
    vm_means = jax.random.normal(k2, (16384, 8), dtype=jnp.float32)
    return {"selected_components": selected_components, "vm_means": vm_means}


def reference(selected_components, vm_means):
    # Faithful port of ErrorsEmissionsBase.fill_in_uniform_samples_and_begin_sampling:
    #   sample_set = zeros_like(selected_components).double()
    #   sample_set[selected_components == 0] = Uniform(-pi, pi) samples
    #   reshaped_vm = vm_means.unsqueeze(0).repeat(I, 1, 1)
    I, M = selected_components.shape
    sample_set = jnp.zeros((I, M), dtype=jnp.float64)
    mask = selected_components == 0
    ukey = jax.random.fold_in(jax.random.key(0), 1)
    unif = 2.0 * jnp.pi * jax.random.uniform(ukey, (I, M), dtype=jnp.float64) - jnp.pi
    sample_set = jnp.where(mask, unif, sample_set)
    reshaped_vm = jnp.broadcast_to(vm_means[None, :, :], (I, M, vm_means.shape[1]))
    return (sample_set, reshaped_vm)

if __name__ == "__main__":
    import jax
    _d = setup_inputs()
    print(jax.jit(kernel)(*tuple(_d.values())))

</pallas_src>

<mosaic_0001>
module attributes {stable_mosaic.version = 14 : i64} {
  func.func @_body(%arg0: i32, %arg1: memref<128x512xi32, #tpu.memory_space<vmem>>, %arg2: memref<1x131072xf32, #tpu.memory_space<any>>, %arg3: memref<128x512xf32, #tpu.memory_space<vmem>>, %arg4: memref<128x131072xf32, #tpu.memory_space<any>>, %arg5: memref<1x131072xf32, #tpu.memory_space<vmem>>, %arg6: memref<!tpu.dma_semaphore, #tpu.memory_space<semaphore_mem>>, %arg7: memref<8x!tpu.dma_semaphore, #tpu.memory_space<semaphore_mem>>) attributes {dimension_semantics = [#tpu.dimension_semantics<arbitrary>], iteration_bounds = array<i64: 32>, scalar_prefetch = 0 : i64, scratch_operands = 3 : i64, tpu.core_type = #tpu.core_type<tc>, window_params = [{transform_indices = @transform_0, window_bounds = array<i64: 128, 512>}, {}, {transform_indices = @transform_2, window_bounds = array<i64: 128, 512>}, {}]} {
    %eq3A = arith.constant 0 : i32
    %eq3A_0 = arith.cmpi eq, %arg0, %eq3A : i32
    %convert_element_type3A = arith.extui %eq3A_0 : i1 to i32
    %cond3A = arith.constant 0 : i32
    %cond3A_1 = arith.cmpi ne, %convert_element_type3A, %cond3A : i32
    scf.if %cond3A_1 {
      tpu.enqueue_dma source(%arg2 : memref<1x131072xf32, #tpu.memory_space<any>>) target(%arg5 : memref<1x131072xf32, #tpu.memory_space<vmem>>) target_semaphore(%arg6 : memref<!tpu.dma_semaphore, #tpu.memory_space<semaphore_mem>>)
      tpu.wait_dma2 semaphore(%arg6 : memref<!tpu.dma_semaphore, #tpu.memory_space<semaphore_mem>>) src(%arg2 : memref<1x131072xf32, #tpu.memory_space<any>>) dst(%arg5 : memref<1x131072xf32, #tpu.memory_space<vmem>>)
      %dma_start3A = arith.constant 0 : i32
      %dma_start3A_244 = tpu.memref_slice %arg7[%dma_start3A] : memref<8x!tpu.dma_semaphore, #tpu.memory_space<semaphore_mem>> -> memref<1x!tpu.dma_semaphore, #tpu.memory_space<semaphore_mem>>
      %dma_start3A_245 = tpu.memref_squeeze %dma_start3A_244 : memref<1x!tpu.dma_semaphore, #tpu.memory_space<semaphore_mem>> -> memref<!tpu.dma_semaphore, #tpu.memory_space<semaphore_mem>>
      %dma_start3A_246 = arith.constant 0 : i32
      %dma_start3A_247 = arith.constant 0 : i32
      %dma_start3A_248 = tpu.memref_slice %arg4[%dma_start3A_246, %dma_start3A_247] : memref<128x131072xf32, #tpu.memory_space<any>> -> memref<1x131072xf32, #tpu.memory_space<any>>
      tpu.enqueue_dma source(%arg5 : memref<1x131072xf32, #tpu.memory_space<vmem>>) target(%dma_start3A_248 : memref<1x131072xf32, #tpu.memory_space<any>>) target_semaphore(%dma_start3A_245 : memref<!tpu.dma_semaphore, #tpu.memory_space<semaphore_mem>>)
      %dma_start3A_249 = arith.constant 1 : i32
      %dma_start3A_250 = tpu.memref_slice %arg7[%dma_start3A_249] : memref<8x!tpu.dma_semaphore, #tpu.memory_space<semaphore_mem>> -> memref<1x!tpu.dma_semaphore, #tpu.memory_space<semaphore_mem>>
      %dma_start3A_251 = tpu.memref_squeeze %dma_start3A_250 : memref<1x!tpu.dma_semaphore, #tpu.memory_space<semaphore_mem>> -> memref<!tpu.dma_semaphore, #tpu.memory_space<semaphore_mem>>
      %dma_start3A_252 = arith.constant 1 : i32
      %dma_start3A_253 = arith.constant 0 : i32
      %dma_start3A_254 = tpu.memref_slice %arg4[%dma_start3A_252, %dma_start3A_253] : memref<128x131072xf32, #tpu.memory_space<any>> -> memref<1x131072xf32, #tpu.memory_space<any>>
      tpu.enqueue_dma source(%arg5 : memref<1x131072xf32, #tpu.memory_space<vmem>>) target(%dma_start3A_254 : memref<1x131072xf32, #tpu.memory_space<any>>) target_semaphore(%dma_start3A_251 : memref<!tpu.dma_semaphore, #tpu.memory_space<semaphore_mem>>)
      %dma_start3A_255 = arith.constant 2 : i32
      %dma_start3A_256 = tpu.memref_slice %arg7[%dma_start3A_255] : memref<8x!tpu.dma_semaphore, #tpu.memory_space<semaphore_mem>> -> memref<1x!tpu.dma_semaphore, #tpu.memory_space<semaphore_mem>>
      %dma_start3A_257 = tpu.memref_squeeze %dma_start3A_256 : memref<1x!tpu.dma_semaphore, #tpu.memory_space<semaphore_mem>> -> memref<!tpu.dma_semaphore, #tpu.memory_space<semaphore_mem>>
      %dma_start3A_258 = arith.constant 2 : i32
      %dma_start3A_259 = arith.constant 0 : i32
      %dma_start3A_260 = tpu.memref_slice %arg4[%dma_start3A_258, %dma_start3A_259] : memref<128x131072xf32, #tpu.memory_space<any>> -> memref<1x131072xf32, #tpu.memory_space<any>>
      tpu.enqueue_dma source(%arg5 : memref<1x131072xf32, #tpu.memory_space<vmem>>) target(%dma_start3A_260 : memref<1x131072xf32, #tpu.memory_space<any>>) target_semaphore(%dma_start3A_257 : memref<!tpu.dma_semaphore, #tpu.memory_space<semaphore_mem>>)
      %dma_start3A_261 = arith.constant 3 : i32
      %dma_start3A_262 = tpu.memref_slice %arg7[%dma_start3A_261] : memref<8x!tpu.dma_semaphore, #tpu.memory_space<semaphore_mem>> -> memref<1x!tpu.dma_semaphore, #tpu.memory_space<semaphore_mem>>
      %dma_start3A_263 = tpu.memref_squeeze %dma_start3A_262 : memref<1x!tpu.dma_semaphore, #tpu.memory_space<semaphore_mem>> -> memref<!tpu.dma_semaphore, #tpu.memory_space<semaphore_mem>>
      %dma_start3A_264 = arith.constant 3 : i32
      %dma_start3A_265 = arith.constant 0 : i32
      %dma_start3A_266 = tpu.memref_slice %arg4[%dma_start3A_264, %dma_start3A_265] : memref<128x131072xf32, #tpu.memory_space<any>> -> memref<1x131072xf32, #tpu.memory_space<any>>
      tpu.enqueue_dma source(%arg5 : memref<1x131072xf32, #tpu.memory_space<vmem>>) target(%dma_start3A_266 : memref<1x131072xf32, #tpu.memory_space<any>>) target_semaphore(%dma_start3A_263 : memref<!tpu.dma_semaphore, #tpu.memory_space<semaphore_mem>>)
      %dma_start3A_267 = arith.constant 4 : i32
      %dma_start3A_268 = tpu.memref_slice %arg7[%dma_start3A_267] : memref<8x!tpu.dma_semaphore, #tpu.memory_space<semaphore_mem>> -> memref<1x!tpu.dma_semaphore, #tpu.memory_space<semaphore_mem>>
      %dma_start3A_269 = tpu.memref_squeeze %dma_start3A_268 : memref<1x!tpu.dma_semaphore, #tpu.memory_space<semaphore_mem>> -> memref<!tpu.dma_semaphore, #tpu.memory_space<semaphore_mem>>
      %dma_start3A_270 = arith.constant 4 : i32
      %dma_start3A_271 = arith.constant 0 : i32
      %dma_start3A_272 = tpu.memref_slice %arg4[%dma_start3A_270, %dma_start3A_271] : memref<128x131072xf32, #tpu.memory_space<any>> -> memref<1x131072xf32, #tpu.memory_space<any>>
      tpu.enqueue_dma source(%arg5 : memref<1x131072xf32, #tpu.memory_space<vmem>>) target(%dma_start3A_272 : memref<1x131072xf32, #tpu.memory_space<any>>) target_semaphore(%dma_start3A_269 : memref<!tpu.dma_semaphore, #tpu.memory_space<semaphore_mem>>)
      %dma_start3A_273 = arith.constant 5 : i32
      %dma_start3A_274 = tpu.memref_slice %arg7[%dma_start3A_273] : memref<8x!tpu.dma_semaphore, #tpu.memory_space<semaphore_mem>> -> memref<1x!tpu.dma_semaphore, #tpu.memory_space<semaphore_mem>>
      %dma_start3A_275 = tpu.memref_squeeze %dma_start3A_274 : memref<1x!tpu.dma_semaphore, #tpu.memory_space<semaphore_mem>> -> memref<!tpu.dma_semaphore, #tpu.memory_space<semaphore_mem>>
      %dma_start3A_276 = arith.constant 5 : i32
      %dma_start3A_277 = arith.constant 0 : i32
      %dma_start3A_278 = tpu.memref_slice %arg4[%dma_start3A_276, %dma_start3A_277] : memref<128x131072xf32, #tpu.memory_space<any>> -> memref<1x131072xf32, #tpu.memory_space<any>>
      tpu.enqueue_dma source(%arg5 : memref<1x131072xf32, #tpu.memory_space<vmem>>) target(%dma_start3A_278 : memref<1x131072xf32, #tpu.memory_space<any>>) target_semaphore(%dma_start3A_275 : memref<!tpu.dma_semaphore, #tpu.memory_space<semaphore_mem>>)
      %dma_start3A_279 = arith.constant 6 : i32
      %dma_start3A_280 = tpu.memref_slice %arg7[%dma_start3A_279] : memref<8x!tpu.dma_semaphore, #tpu.memory_space<semaphore_mem>> -> memref<1x!tpu.dma_semaphore, #tpu.memory_space<semaphore_mem>>
      %dma_start3A_281 = tpu.memref_squeeze %dma_start3A_280 : memref<1x!tpu.dma_semaphore, #tpu.memory_space<semaphore_mem>> -> memref<!tpu.dma_semaphore, #tpu.memory_space<semaphore_mem>>
      %dma_start3A_282 = arith.constant 6 : i32
      %dma_start3A_283 = arith.constant 0 : i32
      %dma_start3A_284 = tpu.memref_slice %arg4[%dma_start3A_282, %dma_start3A_283] : memref<128x131072xf32, #tpu.memory_space<any>> -> memref<1x131072xf32, #tpu.memory_space<any>>
      tpu.enqueue_dma source(%arg5 : memref<1x131072xf32, #tpu.memory_space<vmem>>) target(%dma_start3A_284 : memref<1x131072xf32, #tpu.memory_space<any>>) target_semaphore(%dma_start3A_281 : memref<!tpu.dma_semaphore, #tpu.memory_space<semaphore_mem>>)
      %dma_start3A_285 = arith.constant 7 : i32
      %dma_start3A_286 = tpu.memref_slice %arg7[%dma_start3A_285] : memref<8x!tpu.dma_semaphore, #tpu.memory_space<semaphore_mem>> -> memref<1x!tpu.dma_semaphore, #tpu.memory_space<semaphore_mem>>
      %dma_start3A_287 = tpu.memref_squeeze %dma_start3A_286 : memref<1x!tpu.dma_semaphore, #tpu.memory_space<semaphore_mem>> -> memref<!tpu.dma_semaphore, #tpu.memory_space<semaphore_mem>>
      %dma_start3A_288 = arith.constant 7 : i32
      %dma_start3A_289 = arith.constant 0 : i32
      %dma_start3A_290 = tpu.memref_slice %arg4[%dma_start3A_288, %dma_start3A_289] : memref<128x131072xf32, #tpu.memory_space<any>> -> memref<1x131072xf32, #tpu.memory_space<any>>
      tpu.enqueue_dma source(%arg5 : memref<1x131072xf32, #tpu.memory_space<vmem>>) target(%dma_start3A_290 : memref<1x131072xf32, #tpu.memory_space<any>>) target_semaphore(%dma_start3A_287 : memref<!tpu.dma_semaphore, #tpu.memory_space<semaphore_mem>>)
      %dma_start3A_291 = arith.constant 0 : i32
      %dma_start3A_292 = tpu.memref_slice %arg7[%dma_start3A_291] : memref<8x!tpu.dma_semaphore, #tpu.memory_space<semaphore_mem>> -> memref<1x!tpu.dma_semaphore, #tpu.memory_space<semaphore_mem>>
      %dma_start3A_293 = tpu.memref_squeeze %dma_start3A_292 : memref<1x!tpu.dma_semaphore, #tpu.memory_space<semaphore_mem>> -> memref<!tpu.dma_semaphore, #tpu.memory_space<semaphore_mem>>
      %dma_start3A_294 = arith.constant 8 : i32
      %dma_start3A_295 = arith.constant 0 : i32
      %dma_start3A_296 = tpu.memref_slice %arg4[%dma_start3A_294, %dma_start3A_295] : memref<128x131072xf32, #tpu.memory_space<any>> -> memref<1x131072xf32, #tpu.memory_space<any>>
      tpu.enqueue_dma source(%arg5 : memref<1x131072xf32, #tpu.memory_space<vmem>>) target(%dma_start3A_296 : memref<1x131072xf32, #tpu.memory_space<any>>) target_semaphore(%dma_start3A_293 : memref<!tpu.dma_semaphore, #tpu.memory_space<semaphore_mem>>)
      %dma_start3A_297 = arith.constant 1 : i32
      %dma_start3A_298 = tpu.memref_slice %arg7[%dma_start3A_297] : memref<8x!tpu.dma_semaphore, #tpu.memory_space<semaphore_mem>> -> memref<1x!tpu.dma_semaphore, #tpu.memory_space<semaphore_mem>>
      %dma_start3A_299 = tpu.memref_squeeze %dma_start3A_298 : memref<1x!tpu.dma_semaphore, #tpu.memory_space<semaphore_mem>> -> memref<!tpu.dma_semaphore, #tpu.memory_space<semaphore_mem>>
      %dma_start3A_300 = arith.constant 9 : i32
      %dma_start3A_301 = arith.constant 0 : i32
      %dma_start3A_302 = tpu.memref_slice %arg4[%dma_start3A_300, %dma_start3A_301] : memref<128x131072xf32, #tpu.memory_space<any>> -> memref<1x131072xf32, #tpu.memory_space<any>>
      tpu.enqueue_dma source(%arg5 : memref<1x131072xf32, #tpu.memory_space<vmem>>) target(%dma_start3A_302 : memref<1x131072xf32, #tpu.memory_space<any>>) target_semaphore(%dma_start3A_299 : memref<!tpu.dma_semaphore, #tpu.memory_space<semaphore_mem>>)
      %dma_start3A_303 = arith.constant 2 : i32
      %dma_start3A_304 = tpu.memref_slice %arg7[%dma_start3A_303] : memref<8x!tpu.dma_semaphore, #tpu.memory_space<semaphore_mem>> -> memref<1x!tpu.dma_semaphore, #tpu.memory_space<semaphore_mem>>
      %dma_start3A_305 = tpu.memref_squeeze %dma_start3A_304 : memref<1x!tpu.dma_semaphore, #tpu.memory_space<semaphore_mem>> -> memref<!tpu.dma_semaphore, #tpu.memory_space<semaphore_mem>>
      %dma_start3A_306 = arith.constant 10 : i32
      %dma_start3A_307 = arith.constant 0 : i32
      %dma_start3A_308 = tpu.memref_slice %arg4[%dma_start3A_306, %dma_start3A_307] : memref<128x131072xf32, #tpu.memory_space<any>> -> memref<1x131072xf32, #tpu.memory_space<any>>
      tpu.enqueue_dma source(%arg5 : memref<1x131072xf32, #tpu.memory_space<vmem>>) target(%dma_start3A_308 : memref<1x131072xf32, #tpu.memory_space<any>>) target_semaphore(%dma_start3A_305 : memref<!tpu.dma_semaphore, #tpu.memory_space<semaphore_mem>>)
      %dma_start3A_309 = arith.constant 3 : i32
      %dma_start3A_310 = tpu.memref_slice %arg7[%dma_start3A_309] : memref<8x!tpu.dma_semaphore, #tpu.memory_space<semaphore_mem>> -> memref<1x!tpu.dma_semaphore, #tpu.memory_space<semaphore_mem>>
      %dma_start3A_311 = tpu.memref_squeeze %dma_start3A_310 : memref<1x!tpu.dma_semaphore, #tpu.memory_space<semaphore_mem>> -> memref<!tpu.dma_semaphore, #tpu.memory_space<semaphore_mem>>
      %dma_start3A_312 = arith.constant 11 : i32
      %dma_start3A_313 = arith.constant 0 : i32
      %dma_start3A_314 = tpu.memref_slice %arg4[%dma_start3A_312, %dma_start3A_313] : memref<128x131072xf32, #tpu.memory_space<any>> -> memref<1x131072xf32, #tpu.memory_space<any>>
      tpu.enqueue_dma source(%arg5 : memref<1x131072xf32, #tpu.memory_space<vmem>>) target(%dma_start3A_314 : memref<1x131072xf32, #tpu.memory_space<any>>) target_semaphore(%dma_start3A_311 : memref<!tpu.dma_semaphore, #tpu.memory_space<semaphore_mem>>)
      %dma_start3A_315 = arith.constant 4 : i32
      %dma_start3A_316 = tpu.memref_slice %arg7[%dma_start3A_315] : memref<8x!tpu.dma_semaphore, #tpu.memory_space<semaphore_mem>> -> memref<1x!tpu.dma_semaphore, #tpu.memory_space<semaphore_mem>>
      %dma_start3A_317 = tpu.memref_squeeze %dma_start3A_316 : memref<1x!tpu.dma_semaphore, #tpu.memory_space<semaphore_mem>> -> memref<!tpu.dma_semaphore, #tpu.memory_space<semaphore_mem>>
      %dma_start3A_318 = arith.constant 12 : i32
      %dma_start3A_319 = arith.constant 0 : i32
      %dma_start3A_320 = tpu.memref_slice %arg4[%dma_start3A_318, %dma_start3A_319] : memref<128x131072xf32, #tpu.memory_space<any>> -> memref<1x131072xf32, #tpu.memory_space<any>>
      tpu.enqueue_dma source(%arg5 : memref<1x131072xf32, #tpu.memory_space<vmem>>) target(%dma_start3A_320 : memref<1x131072xf32, #tpu.memory_space<any>>) target_semaphore(%dma_start3A_317 : memref<!tpu.dma_semaphore, #tpu.memory_space<semaphore_mem>>)
      %dma_start3A_321 = arith.constant 5 : i32
      %dma_start3A_322 = tpu.memref_slice %arg7[%dma_start3A_321] : memref<8x!tpu.dma_semaphore, #tpu.memory_space<semaphore_mem>> -> memref<1x!tpu.dma_semaphore, #tpu.memory_space<semaphore_mem>>
      %dma_start3A_323 = tpu.memref_squeeze %dma_start3A_322 : memref<1x!tpu.dma_semaphore, #tpu.memory_space<semaphore_mem>> -> memref<!tpu.dma_semaphore, #tpu.memory_space<semaphore_mem>>
      %dma_start3A_324 = arith.constant 13 : i32
      %dma_start3A_325 = arith.constant 0 : i32
      %dma_start3A_326 = tpu.memref_slice %arg4[%dma_start3A_324, %dma_start3A_325] : memref<128x131072xf32, #tpu.memory_space<any>> -> memref<1x131072xf32, #tpu.memory_space<any>>
      tpu.enqueue_dma source(%arg5 : memref<1x131072xf32, #tpu.memory_space<vmem>>) target(%dma_start3A_326 : memref<1x131072xf32, #tpu.memory_space<any>>) target_semaphore(%dma_start3A_323 : memref<!tpu.dma_semaphore, #tpu.memory_space<semaphore_mem>>)
      %dma_start3A_327 = arith.constant 6 : i32
      %dma_start3A_328 = tpu.memref_slice %arg7[%dma_start3A_327] : memref<8x!tpu.dma_semaphore, #tpu.memory_space<semaphore_mem>> -> memref<1x!tpu.dma_semaphore, #tpu.memory_space<semaphore_mem>>
      %dma_start3A_329 = tpu.memref_squeeze %dma_start3A_328 : memref<1x!tpu.dma_semaphore, #tpu.memory_space<semaphore_mem>> -> memref<!tpu.dma_semaphore, #tpu.memory_space<semaphore_mem>>
      %dma_start3A_330 = arith.constant 14 : i32
      %dma_start3A_331 = arith.constant 0 : i32
      %dma_start3A_332 = tpu.memref_slice %arg4[%dma_start3A_330, %dma_start3A_331] : memref<128x131072xf32, #tpu.memory_space<any>> -> memref<1x131072xf32, #tpu.memory_space<any>>
      tpu.enqueue_dma source(%arg5 : memref<1x131072xf32, #tpu.memory_space<vmem>>) target(%dma_start3A_332 : memref<1x131072xf32, #tpu.memory_space<any>>) target_semaphore(%dma_start3A_329 : memref<!tpu.dma_semaphore, #tpu.memory_space<semaphore_mem>>)
      %dma_start3A_333 = arith.constant 7 : i32
      %dma_start3A_334 = tpu.memref_slice %arg7[%dma_start3A_333] : memref<8x!tpu.dma_semaphore, #tpu.memory_space<semaphore_mem>> -> memref<1x!tpu.dma_semaphore, #tpu.memory_space<semaphore_mem>>
      %dma_start3A_335 = tpu.memref_squeeze %dma_start3A_334 : memref<1x!tpu.dma_semaphore, #tpu.memory_space<semaphore_mem>> -> memref<!tpu.dma_semaphore, #tpu.memory_space<semaphore_mem>>
      %dma_start3A_336 = arith.constant 15 : i32
      %dma_start3A_337 = arith.constant 0 : i32
      %dma_start3A_338 = tpu.memref_slice %arg4[%dma_start3A_336, %dma_start3A_337] : memref<128x131072xf32, #tpu.memory_space<any>> -> memref<1x131072xf32, #tpu.memory_space<any>>
      tpu.enqueue_dma source(%arg5 : memref<1x131072xf32, #tpu.memory_space<vmem>>) target(%dma_start3A_338 : memref<1x131072xf32, #tpu.memory_space<any>>) target_semaphore(%dma_start3A_335 : memref<!tpu.dma_semaphore, #tpu.memory_space<semaphore_mem>>)
      %dma_start3A_339 = arith.constant 0 : i32
      %dma_start3A_340 = tpu.memref_slice %arg7[%dma_start3A_339] : memref<8x!tpu.dma_semaphore, #tpu.memory_space<semaphore_mem>> -> memref<1x!tpu.dma_semaphore, #tpu.memory_space<semaphore_mem>>
      %dma_start3A_341 = tpu.memref_squeeze %dma_start3A_340 : memref<1x!tpu.dma_semaphore, #tpu.memory_space<semaphore_mem>> -> memref<!tpu.dma_semaphore, #tpu.memory_space<semaphore_mem>>
      %dma_start3A_342 = arith.constant 16 : i32
      %dma_start3A_343 = arith.constant 0 : i32
      %dma_start3A_344 = tpu.memref_slice %arg4[%dma_start3A_342, %dma_start3A_343] : memref<128x131072xf32, #tpu.memory_space<any>> -> memref<1x131072xf32, #tpu.memory_space<any>>
      tpu.enqueue_dma source(%arg5 : memref<1x131072xf32, #tpu.memory_space<vmem>>) target(%dma_start3A_344 : memref<1x131072xf32, #tpu.memory_space<any>>) target_semaphore(%dma_start3A_341 : memref<!tpu.dma_semaphore, #tpu.memory_space<semaphore_mem>>)
      %dma_start3A_345 = arith.constant 1 : i32
      %dma_start3A_346 = tpu.memref_slice %arg7[%dma_start3A_345] : memref<8x!tpu.dma_semaphore, #tpu.memory_space<semaphore_mem>> -> memref<1x!tpu.dma_semaphore, #tpu.memory_space<semaphore_mem>>
      %dma_start3A_347 = tpu.memref_squeeze %dma_start3A_346 : memref<1x!tpu.dma_semaphore, #tpu.memory_space<semaphore_mem>> -> memref<!tpu.dma_semaphore, #tpu.memory_space<semaphore_mem>>
      %dma_start3A_348 = arith.constant 17 : i32
      %dma_start3A_349 = arith.constant 0 : i32
      %dma_start3A_350 = tpu.memref_slice %arg4[%dma_start3A_348, %dma_start3A_349] : memref<128x131072xf32, #tpu.memory_space<any>> -> memref<1x131072xf32, #tpu.memory_space<any>>
      tpu.enqueue_dma source(%arg5 : memref<1x131072xf32, #tpu.memory_space<vmem>>) target(%dma_start3A_350 : memref<1x131072xf32, #tpu.memory_space<any>>) target_semaphore(%dma_start3A_347 : memref<!tpu.dma_semaphore, #tpu.memory_space<semaphore_mem>>)
      %dma_start3A_351 = arith.constant 2 : i32
      %dma_start3A_352 = tpu.memref_slice %arg7[%dma_start3A_351] : memref<8x!tpu.dma_semaphore, #tpu.memory_space<semaphore_mem>> -> memref<1x!tpu.dma_semaphore, #tpu.memory_space<semaphore_mem>>
      %dma_start3A_353 = tpu.memref_squeeze %dma_start3A_352 : memref<1x!tpu.dma_semaphore, #tpu.memory_space<semaphore_mem>> -> memref<!tpu.dma_semaphore, #tpu.memory_space<semaphore_mem>>
      %dma_start3A_354 = arith.constant 18 : i32
      %dma_start3A_355 = arith.constant 0 : i32
      %dma_start3A_356 = tpu.memref_slice %arg4[%dma_start3A_354, %dma_start3A_355] : memref<128x131072xf32, #tpu.memory_space<any>> -> memref<1x131072xf32, #tpu.memory_space<any>>
      tpu.enqueue_dma source(%arg5 : memref<1x131072xf32, #tpu.memory_space<vmem>>) target(%dma_start3A_356 : memref<1x131072xf32, #tpu.memory_space<any>>) target_semaphore(%dma_start3A_353 : memref<!tpu.dma_semaphore, #tpu.memory_space<semaphore_mem>>)
      %dma_start3A_357 = arith.constant 3 : i32
      %dma_start3A_358 = tpu.memref_slice %arg7[%dma_start3A_357] : memref<8x!tpu.dma_semaphore, #tpu.memory_space<semaphore_mem>> -> memref<1x!tpu.dma_semaphore, #tpu.memory_space<semaphore_mem>>
      %dma_start3A_359 = tpu.memref_squeeze %dma_start3A_358 : memref<1x!tpu.dma_semaphore, #tpu.memory_space<semaphore_mem>> -> memref<!tpu.dma_semaphore, #tpu.memory_space<semaphore_mem>>
      %dma_start3A_360 = arith.constant 19 : i32
      %dma_start3A_361 = arith.constant 0 : i32
      %dma_start3A_362 = tpu.memref_slice %arg4[%dma_start3A_360, %dma_start3A_361] : memref<128x131072xf32, #tpu.memory_space<any>> -> memref<1x131072xf32, #tpu.memory_space<any>>
      tpu.enqueue_dma source(%arg5 : memref<1x131072xf32, #tpu.memory_space<vmem>>) target(%dma_start3A_362 : memref<1x131072xf32, #tpu.memory_space<any>>) target_semaphore(%dma_start3A_359 : memref<!tpu.dma_semaphore, #tpu.memory_space<semaphore_mem>>)
      %dma_start3A_363 = arith.constant 4 : i32
      %dma_start3A_364 = tpu.memref_slice %arg7[%dma_start3A_363] : memref<8x!tpu.dma_semaphore, #tpu.memory_space<semaphore_mem>> -> memref<1x!tpu.dma_semaphore, #tpu.memory_space<semaphore_mem>>
      %dma_start3A_365 = tpu.memref_squeeze %dma_start3A_364 : memref<1x!tpu.dma_semaphore, #tpu.memory_space<semaphore_mem>> -> memref<!tpu.dma_semaphore, #tpu.memory_space<semaphore_mem>>
      %dma_start3A_366 = arith.constant 20 : i32
      %dma_start3A_367 = arith.constant 0 : i32
      %dma_start3A_368 = tpu.memref_slice %arg4[%dma_start3A_366, %dma_start3A_367] : memref<128x131072xf32, #tpu.memory_space<any>> -> memref<1x131072xf32, #tpu.memory_space<any>>
      tpu.enqueue_dma source(%arg5 : memref<1x131072xf32, #tpu.memory_space<vmem>>) target(%dma_start3A_368 : memref<1x131072xf32, #tpu.memory_space<any>>) target_semaphore(%dma_start3A_365 : memref<!tpu.dma_semaphore, #tpu.memory_space<semaphore_mem>>)
      %dma_start3A_369 = arith.constant 5 : i32
      %dma_start3A_370 = tpu.memref_slice %arg7[%dma_start3A_369] : memref<8x!tpu.dma_semaphore, #tpu.memory_space<semaphore_mem>> -> memref<1x!tpu.dma_semaphore, #tpu.memory_space<semaphore_mem>>
      %dma_start3A_371 = tpu.memref_squeeze %dma_start3A_370 : memref<1x!tpu.dma_semaphore, #tpu.memory_space<semaphore_mem>> -> memref<!tpu.dma_semaphore, #tpu.memory_space<semaphore_mem>>
      %dma_start3A_372 = arith.constant 21 : i32
      %dma_start3A_373 = arith.constant 0 : i32
      %dma_start3A_374 = tpu.memref_slice %arg4[%dma_start3A_372, %dma_start3A_373] : memref<128x131072xf32, #tpu.memory_space<any>> -> memref<1x131072xf32, #tpu.memory_space<any>>
      tpu.enqueue_dma source(%arg5 : memref<1x131072xf32, #tpu.memory_space<vmem>>) target(%dma_start3A_374 : memref<1x131072xf32, #tpu.memory_space<any>>) target_semaphore(%dma_start3A_371 : memref<!tpu.dma_semaphore, #tpu.memory_space<semaphore_mem>>)
      %dma_start3A_375 = arith.constant 6 : i32
      %dma_start3A_376 = tpu.memref_slice %arg7[%dma_start3A_375] : memref<8x!tpu.dma_semaphore, #tpu.memory_space<semaphore_mem>> -> memref<1x!tpu.dma_semaphore, #tpu.memory_space<semaphore_mem>>
      %dma_start3A_377 = tpu.memref_squeeze %dma_start3A_376 : memref<1x!tpu.dma_semaphore, #tpu.memory_space<semaphore_mem>> -> memref<!tpu.dma_semaphore, #tpu.memory_space<semaphore_mem>>
      %dma_start3A_378 = arith.constant 22 : i32
      %dma_start3A_379 = arith.constant 0 : i32
      %dma_start3A_380 = tpu.memref_slice %arg4[%dma_start3A_378, %dma_start3A_379] : memref<128x131072xf32, #tpu.memory_space<any>> -> memref<1x131072xf32, #tpu.memory_space<any>>
      tpu.enqueue_dma source(%arg5 : memref<1x131072xf32, #tpu.memory_space<vmem>>) target(%dma_start3A_380 : memref<1x131072xf32, #tpu.memory_space<any>>) target_semaphore(%dma_start3A_377 : memref<!tpu.dma_semaphore, #tpu.memory_space<semaphore_mem>>)
      %dma_start3A_381 = arith.constant 7 : i32
      %dma_start3A_382 = tpu.memref_slice %arg7[%dma_start3A_381] : memref<8x!tpu.dma_semaphore, #tpu.memory_space<semaphore_mem>> -> memref<1x!tpu.dma_semaphore, #tpu.memory_space<semaphore_mem>>
      %dma_start3A_383 = tpu.memref_squeeze %dma_start3A_382 : memref<1x!tpu.dma_semaphore, #tpu.memory_space<semaphore_mem>> -> memref<!tpu.dma_semaphore, #tpu.memory_space<semaphore_mem>>
      %dma_start3A_384 = arith.constant 23 : i32
      %dma_start3A_385 = arith.constant 0 : i32
      %dma_start3A_386 = tpu.memref_slice %arg4[%dma_start3A_384, %dma_start3A_385] : memref<128x131072xf32, #tpu.memory_space<any>> -> memref<1x131072xf32, #tpu.memory_space<any>>
      tpu.enqueue_dma source(%arg5 : memref<1x131072xf32, #tpu.memory_space<vmem>>) target(%dma_start3A_386 : memref<1x131072xf32, #tpu.memory_space<any>>) target_semaphore(%dma_start3A_383 : memref<!tpu.dma_semaphore, #tpu.memory_space<semaphore_mem>>)
      %dma_start3A_387 = arith.constant 0 : i32
      %dma_start3A_388 = tpu.memref_slice %arg7[%dma_start3A_387] : memref<8x!tpu.dma_semaphore, #tpu.memory_space<semaphore_mem>> -> memref<1x!tpu.dma_semaphore, #tpu.memory_space<semaphore_mem>>
      %dma_start3A_389 = tpu.memref_squeeze %dma_start3A_388 : memref<1x!tpu.dma_semaphore, #tpu.memory_space<semaphore_mem>> -> memref<!tpu.dma_semaphore, #tpu.memory_space<semaphore_mem>>
      %dma_start3A_390 = arith.constant 24 : i32
      %dma_start3A_391 = arith.constant 0 : i32
      %dma_start3A_392 = tpu.memref_slice %arg4[%dma_start3A_390, %dma_start3A_391] : memref<128x131072xf32, #tpu.memory_space<any>> -> memref<1x131072xf32, #tpu.memory_space<any>>
      tpu.enqueue_dma source(%arg5 : memref<1x131072xf32, #tpu.memory_space<vmem>>) target(%dma_start3A_392 : memref<1x131072xf32, #tpu.memory_space<any>>) target_semaphore(%dma_start3A_389 : memref<!tpu.dma_semaphore, #tpu.memory_space<semaphore_mem>>)
      %dma_start3A_393 = arith.constant 1 : i32
      %dma_start3A_394 = tpu.memref_slice %arg7[%dma_start3A_393] : memref<8x!tpu.dma_semaphore, #tpu.memory_space<semaphore_mem>> -> memref<1x!tpu.dma_semaphore, #tpu.memory_space<semaphore_mem>>
      %dma_start3A_395 = tpu.memref_squeeze %dma_start3A_394 : memref<1x!tpu.dma_semaphore, #tpu.memory_space<semaphore_mem>> -> memref<!tpu.dma_semaphore, #tpu.memory_space<semaphore_mem>>
      %dma_start3A_396 = arith.constant 25 : i32
      %dma_start3A_397 = arith.constant 0 : i32
      %dma_start3A_398 = tpu.memref_slice %arg4[%dma_start3A_396, %dma_start3A_397] : memref<128x131072xf32, #tpu.memory_space<any>> -> memref<1x131072xf32, #tpu.memory_space<any>>
      tpu.enqueue_dma source(%arg5 : memref<1x131072xf32, #tpu.memory_space<vmem>>) target(%dma_start3A_398 : memref<1x131072xf32, #tpu.memory_space<any>>) target_semaphore(%dma_start3A_395 : memref<!tpu.dma_semaphore, #tpu.memory_space<semaphore_mem>>)
      %dma_start3A_399 = arith.constant 2 : i32
      %dma_start3A_400 = tpu.memref_slice %arg7[%dma_start3A_399] : memref<8x!tpu.dma_semaphore, #tpu.memory_space<semaphore_mem>> -> memref<1x!tpu.dma_semaphore, #tpu.memory_space<semaphore_mem>>
      %dma_start3A_401 = tpu.memref_squeeze %dma_start3A_400 : memref<1x!tpu.dma_semaphore, #tpu.memory_space<semaphore_mem>> -> memref<!tpu.dma_semaphore, #tpu.memory_space<semaphore_mem>>
      %dma_start3A_402 = arith.constant 26 : i32
      %dma_start3A_403 = arith.constant 0 : i32
      %dma_start3A_404 = tpu.memref_slice %arg4[%dma_start3A_402, %dma_start3A_403] : memref<128x131072xf32, #tpu.memory_space<any>> -> memref<1x131072xf32, #tpu.memory_space<any>>
      tpu.enqueue_dma source(%arg5 : memref<1x131072xf32, #tpu.memory_space<vmem>>) target(%dma_start3A_404 : memref<1x131072xf32, #tpu.memory_space<any>>) target_semaphore(%dma_start3A_401 : memref<!tpu.dma_semaphore, #tpu.memory_space<semaphore_mem>>)
      %dma_start3A_405 = arith.constant 3 : i32
      %dma_start3A_406 = tpu.memref_slice %arg7[%dma_start3A_405] : memref<8x!tpu.dma_semaphore, #tpu.memory_space<semaphore_mem>> -> memref<1x!tpu.dma_semaphore, #tpu.memory_space<semaphore_mem>>
      %dma_start3A_407 = tpu.memref_squeeze %dma_start3A_406 : memref<1x!tpu.dma_semaphore, #tpu.memory_space<semaphore_mem>> -> memref<!tpu.dma_semaphore, #tpu.memory_space<semaphore_mem>>
      %dma_start3A_408 = arith.constant 27 : i32
      %dma_start3A_409 = arith.constant 0 : i32
      %dma_start3A_410 = tpu.memref_slice %arg4[%dma_start3A_408, %dma_start3A_409] : memref<128x131072xf32, #tpu.memory_space<any>> -> memref<1x131072xf32, #tpu.memory_space<any>>
      tpu.enqueue_dma source(%arg5 : memref<1x131072xf32, #tpu.memory_space<vmem>>) target(%dma_start3A_410 : memref<1x131072xf32, #tpu.memory_space<any>>) target_semaphore(%dma_start3A_407 : memref<!tpu.dma_semaphore, #tpu.memory_space<semaphore_mem>>)
      %dma_start3A_411 = arith.constant 4 : i32
      %dma_start3A_412 = tpu.memref_slice %arg7[%dma_start3A_411] : memref<8x!tpu.dma_semaphore, #tpu.memory_space<semaphore_mem>> -> memref<1x!tpu.dma_semaphore, #tpu.memory_space<semaphore_mem>>
      %dma_start3A_413 = tpu.memref_squeeze %dma_start3A_412 : memref<1x!tpu.dma_semaphore, #tpu.memory_space<semaphore_mem>> -> memref<!tpu.dma_semaphore, #tpu.memory_space<semaphore_mem>>
      %dma_start3A_414 = arith.constant 28 : i32
      %dma_start3A_415 = arith.constant 0 : i32
      %dma_start3A_416 = tpu.memref_slice %arg4[%dma_start3A_414, %dma_start3A_415] : memref<128x131072xf32, #tpu.memory_space<any>> -> memref<1x131072xf32, #tpu.memory_space<any>>
      tpu.enqueue_dma source(%arg5 : memref<1x131072xf32, #tpu.memory_space<vmem>>) target(%dma_start3A_416 : memref<1x131072xf32, #tpu.memory_space<any>>) target_semaphore(%dma_start3A_413 : memref<!tpu.dma_semaphore, #tpu.memory_space<semaphore_mem>>)
      %dma_start3A_417 = arith.constant 5 : i32
      %dma_start3A_418 = tpu.memref_slice %arg7[%dma_start3A_417] : memref<8x!tpu.dma_semaphore, #tpu.memory_space<semaphore_mem>> -> memref<1x!tpu.dma_semaphore, #tpu.memory_space<semaphore_mem>>
      %dma_start3A_419 = tpu.memref_squeeze %dma_start3A_418 : memref<1x!tpu.dma_semaphore, #tpu.memory_space<semaphore_mem>> -> memref<!tpu.dma_semaphore, #tpu.memory_space<semaphore_mem>>
      %dma_start3A_420 = arith.constant 29 : i32
      %dma_start3A_421 = arith.constant 0 : i32
      %dma_start3A_422 = tpu.memref_slice %arg4[%dma_start3A_420, %dma_start3A_421] : memref<128x131072xf32, #tpu.memory_space<any>> -> memref<1x131072xf32, #tpu.memory_space<any>>
      tpu.enqueue_dma source(%arg5 : memref<1x131072xf32, #tpu.memory_space<vmem>>) target(%dma_start3A_422 : memref<1x131072xf32, #tpu.memory_space<any>>) target_semaphore(%dma_start3A_419 : memref<!tpu.dma_semaphore, #tpu.memory_space<semaphore_mem>>)
      %dma_start3A_423 = arith.constant 6 : i32
      %dma_start3A_424 = tpu.memref_slice %arg7[%dma_start3A_423] : memref<8x!tpu.dma_semaphore, #tpu.memory_space<semaphore_mem>> -> memref<1x!tpu.dma_semaphore, #tpu.memory_space<semaphore_mem>>
      %dma_start3A_425 = tpu.memref_squeeze %dma_start3A_424 : memref<1x!tpu.dma_semaphore, #tpu.memory_space<semaphore_mem>> -> memref<!tpu.dma_semaphore, #tpu.memory_space<semaphore_mem>>
      %dma_start3A_426 = arith.constant 30 : i32
      %dma_start3A_427 = arith.constant 0 : i32
      %dma_start3A_428 = tpu.memref_slice %arg4[%dma_start3A_426, %dma_start3A_427] : memref<128x131072xf32, #tpu.memory_space<any>> -> memref<1x131072xf32, #tpu.memory_space<any>>
      tpu.enqueue_dma source(%arg5 : memref<1x131072xf32, #tpu.memory_space<vmem>>) target(%dma_start3A_428 : memref<1x131072xf32, #tpu.memory_space<any>>) target_semaphore(%dma_start3A_425 : memref<!tpu.dma_semaphore, #tpu.memory_space<semaphore_mem>>)
      %dma_start3A_429 = arith.constant 7 : i32
      %dma_start3A_430 = tpu.memref_slice %arg7[%dma_start3A_429] : memref<8x!tpu.dma_semaphore, #tpu.memory_space<semaphore_mem>> -> memref<1x!tpu.dma_semaphore, #tpu.memory_space<semaphore_mem>>
      %dma_start3A_431 = tpu.memref_squeeze %dma_start3A_430 : memref<1x!tpu.dma_semaphore, #tpu.memory_space<semaphore_mem>> -> memref<!tpu.dma_semaphore, #tpu.memory_space<semaphore_mem>>
      %dma_start3A_432 = arith.constant 31 : i32
      %dma_start3A_433 = arith.constant 0 : i32
      %dma_start3A_434 = tpu.memref_slice %arg4[%dma_start3A_432, %dma_start3A_433] : memref<128x131072xf32, #tpu.memory_space<any>> -> memref<1x131072xf32, #tpu.memory_space<any>>
      tpu.enqueue_dma source(%arg5 : memref<1x131072xf32, #tpu.memory_space<vmem>>) target(%dma_start3A_434 : memref<1x131072xf32, #tpu.memory_space<any>>) target_semaphore(%dma_start3A_431 : memref<!tpu.dma_semaphore, #tpu.memory_space<semaphore_mem>>)
      %dma_start3A_435 = arith.constant 0 : i32
      %dma_start3A_436 = tpu.memref_slice %arg7[%dma_start3A_435] : memref<8x!tpu.dma_semaphore, #tpu.memory_space<semaphore_mem>> -> memref<1x!tpu.dma_semaphore, #tpu.memory_space<semaphore_mem>>
      %dma_start3A_437 = tpu.memref_squeeze %dma_start3A_436 : memref<1x!tpu.dma_semaphore, #tpu.memory_space<semaphore_mem>> -> memref<!tpu.dma_semaphore, #tpu.memory_space<semaphore_mem>>
      %dma_start3A_438 = arith.constant 32 : i32
      %dma_start3A_439 = arith.constant 0 : i32
      %dma_start3A_440 = tpu.memref_slice %arg4[%dma_start3A_438, %dma_start3A_439] : memref<128x131072xf32, #tpu.memory_space<any>> -> memref<1x131072xf32, #tpu.memory_space<any>>
      tpu.enqueue_dma source(%arg5 : memref<1x131072xf32, #tpu.memory_space<vmem>>) target(%dma_start3A_440 : memref<1x131072xf32, #tpu.memory_space<any>>) target_semaphore(%dma_start3A_437 : memref<!tpu.dma_semaphore, #tpu.memory_space<semaphore_mem>>)
      %dma_start3A_441 = arith.constant 1 : i32
      %dma_start3A_442 = tpu.memref_slice %arg7[%dma_start3A_441] : memref<8x!tpu.dma_semaphore, #tpu.memory_space<semaphore_mem>> -> memref<1x!tpu.dma_semaphore, #tpu.memory_space<semaphore_mem>>
      %dma_start3A_443 = tpu.memref_squeeze %dma_start3A_442 : memref<1x!tpu.dma_semaphore, #tpu.memory_space<semaphore_mem>> -> memref<!tpu.dma_semaphore, #tpu.memory_space<semaphore_mem>>
      %dma_start3A_444 = arith.constant 33 : i32
      %dma_start3A_445 = arith.constant 0 : i32
      %dma_start3A_446 = tpu.memref_slice %arg4[%dma_start3A_444, %dma_start3A_445] : memref<128x131072xf32, #tpu.memory_space<any>> -> memref<1x131072xf32, #tpu.memory_space<any>>
      tpu.enqueue_dma source(%arg5 : memref<1x131072xf32, #tpu.memory_space<vmem>>) target(%dma_start3A_446 : memref<1x131072xf32, #tpu.memory_space<any>>) target_semaphore(%dma_start3A_443 : memref<!tpu.dma_semaphore, #tpu.memory_space<semaphore_mem>>)
      %dma_start3A_447 = arith.constant 2 : i32
      %dma_start3A_448 = tpu.memref_slice %arg7[%dma_start3A_447] : memref<8x!tpu.dma_semaphore, #tpu.memory_space<semaphore_mem>> -> memref<1x!tpu.dma_semaphore, #tpu.memory_space<semaphore_mem>>
      %dma_start3A_449 = tpu.memref_squeeze %dma_start3A_448 : memref<1x!tpu.dma_semaphore, #tpu.memory_space<semaphore_mem>> -> memref<!tpu.dma_semaphore, #tpu.memory_space<semaphore_mem>>
      %dma_start3A_450 = arith.constant 34 : i32
      %dma_start3A_451 = arith.constant 0 : i32
      %dma_start3A_452 = tpu.memref_slice %arg4[%dma_start3A_450, %dma_start3A_451] : memref<128x131072xf32, #tpu.memory_space<any>> -> memref<1x131072xf32, #tpu.memory_space<any>>
      tpu.enqueue_dma source(%arg5 : memref<1x131072xf32, #tpu.memory_space<vmem>>) target(%dma_start3A_452 : memref<1x131072xf32, #tpu.memory_space<any>>) target_semaphore(%dma_start3A_449 : memref<!tpu.dma_semaphore, #tpu.memory_space<semaphore_mem>>)
      %dma_start3A_453 = arith.constant 3 : i32
      %dma_start3A_454 = tpu.memref_slice %arg7[%dma_start3A_453] : memref<8x!tpu.dma_semaphore, #tpu.memory_space<semaphore_mem>> -> memref<1x!tpu.dma_semaphore, #tpu.memory_space<semaphore_mem>>
      %dma_start3A_455 = tpu.memref_squeeze %dma_start3A_454 : memref<1x!tpu.dma_semaphore, #tpu.memory_space<semaphore_mem>> -> memref<!tpu.dma_semaphore, #tpu.memory_space<semaphore_mem>>
      %dma_start3A_456 = arith.constant 35 : i32
      %dma_start3A_457 = arith.constant 0 : i32
      %dma_start3A_458 = tpu.memref_slice %arg4[%dma_start3A_456, %dma_start3A_457] : memref<128x131072xf32, #tpu.memory_space<any>> -> memref<1x131072xf32, #tpu.memory_space<any>>
      tpu.enqueue_dma source(%arg5 : memref<1x131072xf32, #tpu.memory_space<vmem>>) target(%dma_start3A_458 : memref<1x131072xf32, #tpu.memory_space<any>>) target_semaphore(%dma_start3A_455 : memref<!tpu.dma_semaphore, #tpu.memory_space<semaphore_mem>>)
      %dma_start3A_459 = arith.constant 4 : i32
      %dma_start3A_460 = tpu.memref_slice %arg7[%dma_start3A_459] : memref<8x!tpu.dma_semaphore, #tpu.memory_space<semaphore_mem>> -> memref<1x!tpu.dma_semaphore, #tpu.memory_space<semaphore_mem>>
      %dma_start3A_461 = tpu.memref_squeeze %dma_start3A_460 : memref<1x!tpu.dma_semaphore, #tpu.memory_space<semaphore_mem>> -> memref<!tpu.dma_semaphore, #tpu.memory_space<semaphore_mem>>
      %dma_start3A_462 = arith.constant 36 : i32
      %dma_start3A_463 = arith.constant 0 : i32
      %dma_start3A_464 = tpu.memref_slice %arg4[%dma_start3A_462, %dma_start3A_463] : memref<128x131072xf32, #tpu.memory_space<any>> -> memref<1x131072xf32, #tpu.memory_space<any>>
      tpu.enqueue_dma source(%arg5 : memref<1x131072xf32, #tpu.memory_space<vmem>>) target(%dma_start3A_464 : memref<1x131072xf32, #tpu.memory_space<any>>) target_semaphore(%dma_start3A_461 : memref<!tpu.dma_semaphore, #tpu.memory_space<semaphore_mem>>)
      %dma_start3A_465 = arith.constant 5 : i32
      %dma_start3A_466 = tpu.memref_slice %arg7[%dma_start3A_465] : memref<8x!tpu.dma_semaphore, #tpu.memory_space<semaphore_mem>> -> memref<1x!tpu.dma_semaphore, #tpu.memory_space<semaphore_mem>>
      %dma_start3A_467 = tpu.memref_squeeze %dma_start3A_466 : memref<1x!tpu.dma_semaphore, #tpu.memory_space<semaphore_mem>> -> memref<!tpu.dma_semaphore, #tpu.memory_space<semaphore_mem>>
      %dma_start3A_468 = arith.constant 37 : i32
      %dma_start3A_469 = arith.constant 0 : i32
      %dma_start3A_470 = tpu.memref_slice %arg4[%dma_start3A_468, %dma_start3A_469] : memref<128x131072xf32, #tpu.memory_space<any>> -> memref<1x131072xf32, #tpu.memory_space<any>>
      tpu.enqueue_dma source(%arg5 : memref<1x131072xf32, #tpu.memory_space<vmem>>) target(%dma_start3A_470 : memref<1x131072xf32, #tpu.memory_space<any>>) target_semaphore(%dma_start3A_467 : memref<!tpu.dma_semaphore, #tpu.memory_space<semaphore_mem>>)
      %dma_start3A_471 = arith.constant 6 : i32
      %dma_start3A_472 = tpu.memref_slice %arg7[%dma_start3A_471] : memref<8x!tpu.dma_semaphore, #tpu.memory_space<semaphore_mem>> -> memref<1x!tpu.dma_semaphore, #tpu.memory_space<semaphore_mem>>
      %dma_start3A_473 = tpu.memref_squeeze %dma_start3A_472 : memref<1x!tpu.dma_semaphore, #tpu.memory_space<semaphore_mem>> -> memref<!tpu.dma_semaphore, #tpu.memory_space<semaphore_mem>>
      %dma_start3A_474 = arith.constant 38 : i32
      %dma_start3A_475 = arith.constant 0 : i32
      %dma_start3A_476 = tpu.memref_slice %arg4[%dma_start3A_474, %dma_start3A_475] : memref<128x131072xf32, #tpu.memory_space<any>> -> memref<1x131072xf32, #tpu.memory_space<any>>
      tpu.enqueue_dma source(%arg5 : memref<1x131072xf32, #tpu.memory_space<vmem>>) target(%dma_start3A_476 : memref<1x131072xf32, #tpu.memory_space<any>>) target_semaphore(%dma_start3A_473 : memref<!tpu.dma_semaphore, #tpu.memory_space<semaphore_mem>>)
      %dma_start3A_477 = arith.constant 7 : i32
      %dma_start3A_478 = tpu.memref_slice %arg7[%dma_start3A_477] : memref<8x!tpu.dma_semaphore, #tpu.memory_space<semaphore_mem>> -> memref<1x!tpu.dma_semaphore, #tpu.memory_space<semaphore_mem>>
      %dma_start3A_479 = tpu.memref_squeeze %dma_start3A_478 : memref<1x!tpu.dma_semaphore, #tpu.memory_space<semaphore_mem>> -> memref<!tpu.dma_semaphore, #tpu.memory_space<semaphore_mem>>
      %dma_start3A_480 = arith.constant 39 : i32
      %dma_start3A_481 = arith.constant 0 : i32
      %dma_start3A_482 = tpu.memref_slice %arg4[%dma_start3A_480, %dma_start3A_481] : memref<128x131072xf32, #tpu.memory_space<any>> -> memref<1x131072xf32, #tpu.memory_space<any>>
      tpu.enqueue_dma source(%arg5 : memref<1x131072xf32, #tpu.memory_space<vmem>>) target(%dma_start3A_482 : memref<1x131072xf32, #tpu.memory_space<any>>) target_semaphore(%dma_start3A_479 : memref<!tpu.dma_semaphore, #tpu.memory_space<semaphore_mem>>)
      %dma_start3A_483 = arith.constant 0 : i32
      %dma_start3A_484 = tpu.memref_slice %arg7[%dma_start3A_483] : memref<8x!tpu.dma_semaphore, #tpu.memory_space<semaphore_mem>> -> memref<1x!tpu.dma_semaphore, #tpu.memory_space<semaphore_mem>>
      %dma_start3A_485 = tpu.memref_squeeze %dma_start3A_484 : memref<1x!tpu.dma_semaphore, #tpu.memory_space<semaphore_mem>> -> memref<!tpu.dma_semaphore, #tpu.memory_space<semaphore_mem>>
      %dma_start3A_486 = arith.constant 40 : i32
      %dma_start3A_487 = arith.constant 0 : i32
      %dma_start3A_488 = tpu.memref_slice %arg4[%dma_start3A_486, %dma_start3A_487] : memref<128x131072xf32, #tpu.memory_space<any>> -> memref<1x131072xf32, #tpu.memory_space<any>>
      tpu.enqueue_dma source(%arg5 : memref<1x131072xf32, #tpu.memory_space<vmem>>) target(%dma_start3A_488 : memref<1x131072xf32, #tpu.memory_space<any>>) target_semaphore(%dma_start3A_485 : memref<!tpu.dma_semaphore, #tpu.memory_space<semaphore_mem>>)
      %dma_start3A_489 = arith.constant 1 : i32
      %dma_start3A_490 = tpu.memref_slice %arg7[%dma_start3A_489] : memref<8x!tpu.dma_semaphore, #tpu.memory_space<semaphore_mem>> -> memref<1x!tpu.dma_semaphore, #tpu.memory_space<semaphore_mem>>
      %dma_start3A_491 = tpu.memref_squeeze %dma_start3A_490 : memref<1x!tpu.dma_semaphore, #tpu.memory_space<semaphore_mem>> -> memref<!tpu.dma_semaphore, #tpu.memory_space<semaphore_mem>>
      %dma_start3A_492 = arith.constant 41 : i32
      %dma_start3A_493 = arith.constant 0 : i32
      %dma_start3A_494 = tpu.memref_slice %arg4[%dma_start3A_492, %dma_start3A_493] : memref<128x131072xf32, #tpu.memory_space<any>> -> memref<1x131072xf32, #tpu.memory_space<any>>
      tpu.enqueue_dma source(%arg5 : memref<1x131072xf32, #tpu.memory_space<vmem>>) target(%dma_start3A_494 : memref<1x131072xf32, #tpu.memory_space<any>>) target_semaphore(%dma_start3A_491 : memref<!tpu.dma_semaphore, #tpu.memory_space<semaphore_mem>>)
      %dma_start3A_495 = arith.constant 2 : i32
      %dma_start3A_496 = tpu.memref_slice %arg7[%dma_start3A_495] : memref<8x!tpu.dma_semaphore, #tpu.memory_space<semaphore_mem>> -> memref<1x!tpu.dma_semaphore, #tpu.memory_space<semaphore_mem>>
      %dma_start3A_497 = tpu.memref_squeeze %dma_start3A_496 : memref<1x!tpu.dma_semaphore, #tpu.memory_space<semaphore_mem>> -> memref<!tpu.dma_semaphore, #tpu.memory_space<semaphore_mem>>
      %dma_start3A_498 = arith.constant 42 : i32
      %dma_start3A_499 = arith.constant 0 : i32
      %dma_start3A_500 = tpu.memref_slice %arg4[%dma_start3A_498, %dma_start3A_499] : memref<128x131072xf32, #tpu.memory_space<any>> -> memref<1x131072xf32, #tpu.memory_space<any>>
      tpu.enqueue_dma source(%arg5 : memref<1x131072xf32, #tpu.memory_space<vmem>>) target(%dma_start3A_500 : memref<1x131072xf32, #tpu.memory_space<any>>) target_semaphore(%dma_start3A_497 : memref<!tpu.dma_semaphore, #tpu.memory_space<semaphore_mem>>)
      %dma_start3A_501 = arith.constant 3 : i32
      %dma_start3A_502 = tpu.memref_slice %arg7[%dma_start3A_501] : memref<8x!tpu.dma_semaphore, #tpu.memory_space<semaphore_mem>> -> memref<1x!tpu.dma_semaphore, #tpu.memory_space<semaphore_mem>>
      %dma_start3A_503 = tpu.memref_squeeze %dma_start3A_502 : memref<1x!tpu.dma_semaphore, #tpu.memory_space<semaphore_mem>> -> memref<!tpu.dma_semaphore, #tpu.memory_space<semaphore_mem>>
      %dma_start3A_504 = arith.constant 43 : i32
      %dma_start3A_505 = arith.constant 0 : i32
      %dma_start3A_506 = tpu.memref_slice %arg4[%dma_start3A_504, %dma_start3A_505] : memref<128x131072xf32, #tpu.memory_space<any>> -> memref<1x131072xf32, #tpu.memory_space<any>>
      tpu.enqueue_dma source(%arg5 : memref<1x131072xf32, #tpu.memory_space<vmem>>) target(%dma_start3A_506 : memref<1x131072xf32, #tpu.memory_space<any>>) target_semaphore(%dma_start3A_503 : memref<!tpu.dma_semaphore, #tpu.memory_space<semaphore_mem>>)
      %dma_start3A_507 = arith.constant 4 : i32
      %dma_start3A_508 = tpu.memref_slice %arg7[%dma_start3A_507] : memref<8x!tpu.dma_semaphore, #tpu.memory_space<semaphore_mem>> -> memref<1x!tpu.dma_semaphore, #tpu.memory_space<semaphore_mem>>
      %dma_start3A_509 = tpu.memref_squeeze %dma_start3A_508 : memref<1x!tpu.dma_semaphore, #tpu.memory_space<semaphore_mem>> -> memref<!tpu.dma_semaphore, #tpu.memory_space<semaphore_mem>>
      %dma_start3A_510 = arith.constant 44 : i32
      %dma_start3A_511 = arith.constant 0 : i32
      %dma_start3A_512 = tpu.memref_slice %arg4[%dma_start3A_510, %dma_start3A_511] : memref<128x131072xf32, #tpu.memory_space<any>> -> memref<1x131072xf32, #tpu.memory_space<any>>
      tpu.enqueue_dma source(%arg5 : memref<1x131072xf32, #tpu.memory_space<vmem>>) target(%dma_start3A_512 : memref<1x131072xf32, #tpu.memory_space<any>>) target_semaphore(%dma_start3A_509 : memref<!tpu.dma_semaphore, #tpu.memory_space<semaphore_mem>>)
      %dma_start3A_513 = arith.constant 5 : i32
      %dma_start3A_514 = tpu.memref_slice %arg7[%dma_start3A_513] : memref<8x!tpu.dma_semaphore, #tpu.memory_space<semaphore_mem>> -> memref<1x!tpu.dma_semaphore, #tpu.memory_space<semaphore_mem>>
      %dma_start3A_515 = tpu.memref_squeeze %dma_start3A_514 : memref<1x!tpu.dma_semaphore, #tpu.memory_space<semaphore_mem>> -> memref<!tpu.dma_semaphore, #tpu.memory_space<semaphore_mem>>
      %dma_start3A_516 = arith.constant 45 : i32
      %dma_start3A_517 = arith.constant 0 : i32
      %dma_start3A_518 = tpu.memref_slice %arg4[%dma_start3A_516, %dma_start3A_517] : memref<128x131072xf32, #tpu.memory_space<any>> -> memref<1x131072xf32, #tpu.memory_space<any>>
      tpu.enqueue_dma source(%arg5 : memref<1x131072xf32, #tpu.memory_space<vmem>>) target(%dma_start3A_518 : memref<1x131072xf32, #tpu.memory_space<any>>) target_semaphore(%dma_start3A_515 : memref<!tpu.dma_semaphore, #tpu.memory_space<semaphore_mem>>)
      %dma_start3A_519 = arith.constant 6 : i32
      %dma_start3A_520 = tpu.memref_slice %arg7[%dma_start3A_519] : memref<8x!tpu.dma_semaphore, #tpu.memory_space<semaphore_mem>> -> memref<1x!tpu.dma_semaphore, #tpu.memory_space<semaphore_mem>>
      %dma_start3A_521 = tpu.memref_squeeze %dma_start3A_520 : memref<1x!tpu.dma_semaphore, #tpu.memory_space<semaphore_mem>> -> memref<!tpu.dma_semaphore, #tpu.memory_space<semaphore_mem>>
      %dma_start3A_522 = arith.constant 46 : i32
      %dma_start3A_523 = arith.constant 0 : i32
      %dma_start3A_524 = tpu.memref_slice %arg4[%dma_start3A_522, %dma_start3A_523] : memref<128x131072xf32, #tpu.memory_space<any>> -> memref<1x131072xf32, #tpu.memory_space<any>>
      tpu.enqueue_dma source(%arg5 : memref<1x131072xf32, #tpu.memory_space<vmem>>) target(%dma_start3A_524 : memref<1x131072xf32, #tpu.memory_space<any>>) target_semaphore(%dma_start3A_521 : memref<!tpu.dma_semaphore, #tpu.memory_space<semaphore_mem>>)
      %dma_start3A_525 = arith.constant 7 : i32
      %dma_start3A_526 = tpu.memref_slice %arg7[%dma_start3A_525] : memref<8x!tpu.dma_semaphore, #tpu.memory_space<semaphore_mem>> -> memref<1x!tpu.dma_semaphore, #tpu.memory_space<semaphore_mem>>
      %dma_start3A_527 = tpu.memref_squeeze %dma_start3A_526 : memref<1x!tpu.dma_semaphore, #tpu.memory_space<semaphore_mem>> -> memref<!tpu.dma_semaphore, #tpu.memory_space<semaphore_mem>>
      %dma_start3A_528 = arith.constant 47 : i32
      %dma_start3A_529 = arith.constant 0 : i32
      %dma_start3A_530 = tpu.memref_slice %arg4[%dma_start3A_528, %dma_start3A_529] : memref<128x131072xf32, #tpu.memory_space<any>> -> memref<1x131072xf32, #tpu.memory_space<any>>
      tpu.enqueue_dma source(%arg5 : memref<1x131072xf32, #tpu.memory_space<vmem>>) target(%dma_start3A_530 : memref<1x131072xf32, #tpu.memory_space<any>>) target_semaphore(%dma_start3A_527 : memref<!tpu.dma_semaphore, #tpu.memory_space<semaphore_mem>>)
      %dma_start3A_531 = arith.constant 0 : i32
      %dma_start3A_532 = tpu.memref_slice %arg7[%dma_start3A_531] : memref<8x!tpu.dma_semaphore, #tpu.memory_space<semaphore_mem>> -> memref<1x!tpu.dma_semaphore, #tpu.memory_space<semaphore_mem>>
      %dma_start3A_533 = tpu.memref_squeeze %dma_start3A_532 : memref<1x!tpu.dma_semaphore, #tpu.memory_space<semaphore_mem>> -> memref<!tpu.dma_semaphore, #tpu.memory_space<semaphore_mem>>
      %dma_start3A_534 = arith.constant 48 : i32
      %dma_start3A_535 = arith.constant 0 : i32
      %dma_start3A_536 = tpu.memref_slice %arg4[%dma_start3A_534, %dma_start3A_535] : memref<128x131072xf32, #tpu.memory_space<any>> -> memref<1x131072xf32, #tpu.memory_space<any>>
      tpu.enqueue_dma source(%arg5 : memref<1x131072xf32, #tpu.memory_space<vmem>>) target(%dma_start3A_536 : memref<1x131072xf32, #tpu.memory_space<any>>) target_semaphore(%dma_start3A_533 : memref<!tpu.dma_semaphore, #tpu.memory_space<semaphore_mem>>)
      %dma_start3A_537 = arith.constant 1 : i32
      %dma_start3A_538 = tpu.memref_slice %arg7[%dma_start3A_537] : memref<8x!tpu.dma_semaphore, #tpu.memory_space<semaphore_mem>> -> memref<1x!tpu.dma_semaphore, #tpu.memory_space<semaphore_mem>>
      %dma_start3A_539 = tpu.memref_squeeze %dma_start3A_538 : memref<1x!tpu.dma_semaphore, #tpu.memory_space<semaphore_mem>> -> memref<!tpu.dma_semaphore, #tpu.memory_space<semaphore_mem>>
      %dma_start3A_540 = arith.constant 49 : i32
      %dma_start3A_541 = arith.constant 0 : i32
      %dma_start3A_542 = tpu.memref_slice %arg4[%dma_start3A_540, %dma_start3A_541] : memref<128x131072xf32, #tpu.memory_space<any>> -> memref<1x131072xf32, #tpu.memory_space<any>>
      tpu.enqueue_dma source(%arg5 : memref<1x131072xf32, #tpu.memory_space<vmem>>) target(%dma_start3A_542 : memref<1x131072xf32, #tpu.memory_space<any>>) target_semaphore(%dma_start3A_539 : memref<!tpu.dma_semaphore, #tpu.memory_space<semaphore_mem>>)
      %dma_start3A_543 = arith.constant 2 : i32
      %dma_start3A_544 = tpu.memref_slice %arg7[%dma_start3A_543] : memref<8x!tpu.dma_semaphore, #tpu.memory_space<semaphore_mem>> -> memref<1x!tpu.dma_semaphore, #tpu.memory_space<semaphore_mem>>
      %dma_start3A_545 = tpu.memref_squeeze %dma_start3A_544 : memref<1x!tpu.dma_semaphore, #tpu.memory_space<semaphore_mem>> -> memref<!tpu.dma_semaphore, #tpu.memory_space<semaphore_mem>>
      %dma_start3A_546 = arith.constant 50 : i32
      %dma_start3A_547 = arith.constant 0 : i32
      %dma_start3A_548 = tpu.memref_slice %arg4[%dma_start3A_546, %dma_start3A_547] : memref<128x131072xf32, #tpu.memory_space<any>> -> memref<1x131072xf32, #tpu.memory_space<any>>
      tpu.enqueue_dma source(%arg5 : memref<1x131072xf32, #tpu.memory_space<vmem>>) target(%dma_start3A_548 : memref<1x131072xf32, #tpu.memory_space<any>>) target_semaphore(%dma_start3A_545 : memref<!tpu.dma_semaphore, #tpu.memory_space<semaphore_mem>>)
      %dma_start3A_549 = arith.constant 3 : i32
      %dma_start3A_550 = tpu.memref_slice %arg7[%dma_start3A_549] : memref<8x!tpu.dma_semaphore, #tpu.memory_space<semaphore_mem>> -> memref<1x!tpu.dma_semaphore, #tpu.memory_space<semaphore_mem>>
      %dma_start3A_551 = tpu.memref_squeeze %dma_start3A_550 : memref<1x!tpu.dma_semaphore, #tpu.memory_space<semaphore_mem>> -> memref<!tpu.dma_semaphore, #tpu.memory_space<semaphore_mem>>
      %dma_start3A_552 = arith.constant 51 : i32
      %dma_start3A_553 = arith.constant 0 : i32
      %dma_start3A_554 = tpu.memref_slice %arg4[%dma_start3A_552, %dma_start3A_553] : memref<128x131072xf32, #tpu.memory_space<any>> -> memref<1x131072xf32, #tpu.memory_space<any>>
      tpu.enqueue_dma source(%arg5 : memref<1x131072xf32, #tpu.memory_space<vmem>>) target(%dma_start3A_554 : memref<1x131072xf32, #tpu.memory_space<any>>) target_semaphore(%dma_start3A_551 : memref<!tpu.dma_semaphore, #tpu.memory_space<semaphore_mem>>)
      %dma_start3A_555 = arith.constant 4 : i32
      %dma_start3A_556 = tpu.memref_slice %arg7[%dma_start3A_555] : memref<8x!tpu.dma_semaphore, #tpu.memory_space<semaphore_mem>> -> memref<1x!tpu.dma_semaphore, #tpu.memory_space<semaphore_mem>>
      %dma_start3A_557 = tpu.memref_squeeze %dma_start3A_556 : memref<1x!tpu.dma_semaphore, #tpu.memory_space<semaphore_mem>> -> memref<!tpu.dma_semaphore, #tpu.memory_space<semaphore_mem>>
      %dma_start3A_558 = arith.constant 52 : i32
      %dma_start3A_559 = arith.constant 0 : i32
      %dma_start3A_560 = tpu.memref_slice %arg4[%dma_start3A_558, %dma_start3A_559] : memref<128x131072xf32, #tpu.memory_space<any>> -> memref<1x131072xf32, #tpu.memory_space<any>>
      tpu.enqueue_dma source(%arg5 : memref<1x131072xf32, #tpu.memory_space<vmem>>) target(%dma_start3A_560 : memref<1x131072xf32, #tpu.memory_space<any>>) target_semaphore(%dma_start3A_557 : memref<!tpu.dma_semaphore, #tpu.memory_space<semaphore_mem>>)
      %dma_start3A_561 = arith.constant 5 : i32
      %dma_start3A_562 = tpu.memref_slice %arg7[%dma_start3A_561] : memref<8x!tpu.dma_semaphore, #tpu.memory_space<semaphore_mem>> -> memref<1x!tpu.dma_semaphore, #tpu.memory_space<semaphore_mem>>
      %dma_start3A_563 = tpu.memref_squeeze %dma_start3A_562 : memref<1x!tpu.dma_semaphore, #tpu.memory_space<semaphore_mem>> -> memref<!tpu.dma_semaphore, #tpu.memory_space<semaphore_mem>>
      %dma_start3A_564 = arith.constant 53 : i32
      %dma_start3A_565 = arith.constant 0 : i32
      %dma_start3A_566 = tpu.memref_slice %arg4[%dma_start3A_564, %dma_start3A_565] : memref<128x131072xf32, #tpu.memory_space<any>> -> memref<1x131072xf32, #tpu.memory_space<any>>
      tpu.enqueue_dma source(%arg5 : memref<1x131072xf32, #tpu.memory_space<vmem>>) target(%dma_start3A_566 : memref<1x131072xf32, #tpu.memory_space<any>>) target_semaphore(%dma_start3A_563 : memref<!tpu.dma_semaphore, #tpu.memory_space<semaphore_mem>>)
      %dma_start3A_567 = arith.constant 6 : i32
      %dma_start3A_568 = tpu.memref_slice %arg7[%dma_start3A_567] : memref<8x!tpu.dma_semaphore, #tpu.memory_space<semaphore_mem>> -> memref<1x!tpu.dma_semaphore, #tpu.memory_space<semaphore_mem>>
      %dma_start3A_569 = tpu.memref_squeeze %dma_start3A_568 : memref<1x!tpu.dma_semaphore, #tpu.memory_space<semaphore_mem>> -> memref<!tpu.dma_semaphore, #tpu.memory_space<semaphore_mem>>
      %dma_start3A_570 = arith.constant 54 : i32
      %dma_start3A_571 = arith.constant 0 : i32
      %dma_start3A_572 = tpu.memref_slice %arg4[%dma_start3A_570, %dma_start3A_571] : memref<128x131072xf32, #tpu.memory_space<any>> -> memref<1x131072xf32, #tpu.memory_space<any>>
      tpu.enqueue_dma source(%arg5 : memref<1x131072xf32, #tpu.memory_space<vmem>>) target(%dma_start3A_572 : memref<1x131072xf32, #tpu.memory_space<any>>) target_semaphore(%dma_start3A_569 : memref<!tpu.dma_semaphore, #tpu.memory_space<semaphore_mem>>)
      %dma_start3A_573 = arith.constant 7 : i32
      %dma_start3A_574 = tpu.memref_slice %arg7[%dma_start3A_573] : memref<8x!tpu.dma_semaphore, #tpu.memory_space<semaphore_mem>> -> memref<1x!tpu.dma_semaphore, #tpu.memory_space<semaphore_mem>>
      %dma_start3A_575 = tpu.memref_squeeze %dma_start3A_574 : memref<1x!tpu.dma_semaphore, #tpu.memory_space<semaphore_mem>> -> memref<!tpu.dma_semaphore, #tpu.memory_space<semaphore_mem>>
      %dma_start3A_576 = arith.constant 55 : i32
      %dma_start3A_577 = arith.constant 0 : i32
      %dma_start3A_578 = tpu.memref_slice %arg4[%dma_start3A_576, %dma_start3A_577] : memref<128x131072xf32, #tpu.memory_space<any>> -> memref<1x131072xf32, #tpu.memory_space<any>>
      tpu.enqueue_dma source(%arg5 : memref<1x131072xf32, #tpu.memory_space<vmem>>) target(%dma_start3A_578 : memref<1x131072xf32, #tpu.memory_space<any>>) target_semaphore(%dma_start3A_575 : memref<!tpu.dma_semaphore, #tpu.memory_space<semaphore_mem>>)
      %dma_start3A_579 = arith.constant 0 : i32
      %dma_start3A_580 = tpu.memref_slice %arg7[%dma_start3A_579] : memref<8x!tpu.dma_semaphore, #tpu.memory_space<semaphore_mem>> -> memref<1x!tpu.dma_semaphore, #tpu.memory_space<semaphore_mem>>
      %dma_start3A_581 = tpu.memref_squeeze %dma_start3A_580 : memref<1x!tpu.dma_semaphore, #tpu.memory_space<semaphore_mem>> -> memref<!tpu.dma_semaphore, #tpu.memory_space<semaphore_mem>>
      %dma_start3A_582 = arith.constant 56 : i32
      %dma_start3A_583 = arith.constant 0 : i32
      %dma_start3A_584 = tpu.memref_slice %arg4[%dma_start3A_582, %dma_start3A_583] : memref<128x131072xf32, #tpu.memory_space<any>> -> memref<1x131072xf32, #tpu.memory_space<any>>
      tpu.enqueue_dma source(%arg5 : memref<1x131072xf32, #tpu.memory_space<vmem>>) target(%dma_start3A_584 : memref<1x131072xf32, #tpu.memory_space<any>>) target_semaphore(%dma_start3A_581 : memref<!tpu.dma_semaphore, #tpu.memory_space<semaphore_mem>>)
      %dma_start3A_585 = arith.constant 1 : i32
      %dma_start3A_586 = tpu.memref_slice %arg7[%dma_start3A_585] : memref<8x!tpu.dma_semaphore, #tpu.memory_space<semaphore_mem>> -> memref<1x!tpu.dma_semaphore, #tpu.memory_space<semaphore_mem>>
      %dma_start3A_587 = tpu.memref_squeeze %dma_start3A_586 : memref<1x!tpu.dma_semaphore, #tpu.memory_space<semaphore_mem>> -> memref<!tpu.dma_semaphore, #tpu.memory_space<semaphore_mem>>
      %dma_start3A_588 = arith.constant 57 : i32
      %dma_start3A_589 = arith.constant 0 : i32
      %dma_start3A_590 = tpu.memref_slice %arg4[%dma_start3A_588, %dma_start3A_589] : memref<128x131072xf32, #tpu.memory_space<any>> -> memref<1x131072xf32, #tpu.memory_space<any>>
      tpu.enqueue_dma source(%arg5 : memref<1x131072xf32, #tpu.memory_space<vmem>>) target(%dma_start3A_590 : memref<1x131072xf32, #tpu.memory_space<any>>) target_semaphore(%dma_start3A_587 : memref<!tpu.dma_semaphore, #tpu.memory_space<semaphore_mem>>)
      %dma_start3A_591 = arith.constant 2 : i32
      %dma_start3A_592 = tpu.memref_slice %arg7[%dma_start3A_591] : memref<8x!tpu.dma_semaphore, #tpu.memory_space<semaphore_mem>> -> memref<1x!tpu.dma_semaphore, #tpu.memory_space<semaphore_mem>>
      %dma_start3A_593 = tpu.memref_squeeze %dma_start3A_592 : memref<1x!tpu.dma_semaphore, #tpu.memory_space<semaphore_mem>> -> memref<!tpu.dma_semaphore, #tpu.memory_space<semaphore_mem>>
      %dma_start3A_594 = arith.constant 58 : i32
      %dma_start3A_595 = arith.constant 0 : i32
      %dma_start3A_596 = tpu.memref_slice %arg4[%dma_start3A_594, %dma_start3A_595] : memref<128x131072xf32, #tpu.memory_space<any>> -> memref<1x131072xf32, #tpu.memory_space<any>>
      tpu.enqueue_dma source(%arg5 : memref<1x131072xf32, #tpu.memory_space<vmem>>) target(%dma_start3A_596 : memref<1x131072xf32, #tpu.memory_space<any>>) target_semaphore(%dma_start3A_593 : memref<!tpu.dma_semaphore, #tpu.memory_space<semaphore_mem>>)
      %dma_start3A_597 = arith.constant 3 : i32
      %dma_start3A_598 = tpu.memref_slice %arg7[%dma_start3A_597] : memref<8x!tpu.dma_semaphore, #tpu.memory_space<semaphore_mem>> -> memref<1x!tpu.dma_semaphore, #tpu.memory_space<semaphore_mem>>
      %dma_start3A_599 = tpu.memref_squeeze %dma_start3A_598 : memref<1x!tpu.dma_semaphore, #tpu.memory_space<semaphore_mem>> -> memref<!tpu.dma_semaphore, #tpu.memory_space<semaphore_mem>>
      %dma_start3A_600 = arith.constant 59 : i32
      %dma_start3A_601 = arith.constant 0 : i32
      %dma_start3A_602 = tpu.memref_slice %arg4[%dma_start3A_600, %dma_start3A_601] : memref<128x131072xf32, #tpu.memory_space<any>> -> memref<1x131072xf32, #tpu.memory_space<any>>
      tpu.enqueue_dma source(%arg5 : memref<1x131072xf32, #tpu.memory_space<vmem>>) target(%dma_start3A_602 : memref<1x131072xf32, #tpu.memory_space<any>>) target_semaphore(%dma_start3A_599 : memref<!tpu.dma_semaphore, #tpu.memory_space<semaphore_mem>>)
      %dma_start3A_603 = arith.constant 4 : i32
      %dma_start3A_604 = tpu.memref_slice %arg7[%dma_start3A_603] : memref<8x!tpu.dma_semaphore, #tpu.memory_space<semaphore_mem>> -> memref<1x!tpu.dma_semaphore, #tpu.memory_space<semaphore_mem>>
      %dma_start3A_605 = tpu.memref_squeeze %dma_start3A_604 : memref<1x!tpu.dma_semaphore, #tpu.memory_space<semaphore_mem>> -> memref<!tpu.dma_semaphore, #tpu.memory_space<semaphore_mem>>
      %dma_start3A_606 = arith.constant 60 : i32
      %dma_start3A_607 = arith.constant 0 : i32
      %dma_start3A_608 = tpu.memref_slice %arg4[%dma_start3A_606, %dma_start3A_607] : memref<128x131072xf32, #tpu.memory_space<any>> -> memref<1x131072xf32, #tpu.memory_space<any>>
      tpu.enqueue_dma source(%arg5 : memref<1x131072xf32, #tpu.memory_space<vmem>>) target(%dma_start3A_608 : memref<1x131072xf32, #tpu.memory_space<any>>) target_semaphore(%dma_start3A_605 : memref<!tpu.dma_semaphore, #tpu.memory_space<semaphore_mem>>)
      %dma_start3A_609 = arith.constant 5 : i32
      %dma_start3A_610 = tpu.memref_slice %arg7[%dma_start3A_609] : memref<8x!tpu.dma_semaphore, #tpu.memory_space<semaphore_mem>> -> memref<1x!tpu.dma_semaphore, #tpu.memory_space<semaphore_mem>>
      %dma_start3A_611 = tpu.memref_squeeze %dma_start3A_610 : memref<1x!tpu.dma_semaphore, #tpu.memory_space<semaphore_mem>> -> memref<!tpu.dma_semaphore, #tpu.memory_space<semaphore_mem>>
      %dma_start3A_612 = arith.constant 61 : i32
      %dma_start3A_613 = arith.constant 0 : i32
      %dma_start3A_614 = tpu.memref_slice %arg4[%dma_start3A_612, %dma_start3A_613] : memref<128x131072xf32, #tpu.memory_space<any>> -> memref<1x131072xf32, #tpu.memory_space<any>>
      tpu.enqueue_dma source(%arg5 : memref<1x131072xf32, #tpu.memory_space<vmem>>) target(%dma_start3A_614 : memref<1x131072xf32, #tpu.memory_space<any>>) target_semaphore(%dma_start3A_611 : memref<!tpu.dma_semaphore, #tpu.memory_space<semaphore_mem>>)
      %dma_start3A_615 = arith.constant 6 : i32
      %dma_start3A_616 = tpu.memref_slice %arg7[%dma_start3A_615] : memref<8x!tpu.dma_semaphore, #tpu.memory_space<semaphore_mem>> -> memref<1x!tpu.dma_semaphore, #tpu.memory_space<semaphore_mem>>
      %dma_start3A_617 = tpu.memref_squeeze %dma_start3A_616 : memref<1x!tpu.dma_semaphore, #tpu.memory_space<semaphore_mem>> -> memref<!tpu.dma_semaphore, #tpu.memory_space<semaphore_mem>>
      %dma_start3A_618 = arith.constant 62 : i32
      %dma_start3A_619 = arith.constant 0 : i32
      %dma_start3A_620 = tpu.memref_slice %arg4[%dma_start3A_618, %dma_start3A_619] : memref<128x131072xf32, #tpu.memory_space<any>> -> memref<1x131072xf32, #tpu.memory_space<any>>
      tpu.enqueue_dma source(%arg5 : memref<1x131072xf32, #tpu.memory_space<vmem>>) target(%dma_start3A_620 : memref<1x131072xf32, #tpu.memory_space<any>>) target_semaphore(%dma_start3A_617 : memref<!tpu.dma_semaphore, #tpu.memory_space<semaphore_mem>>)
      %dma_start3A_621 = arith.constant 7 : i32
      %dma_start3A_622 = tpu.memref_slice %arg7[%dma_start3A_621] : memref<8x!tpu.dma_semaphore, #tpu.memory_space<semaphore_mem>> -> memref<1x!tpu.dma_semaphore, #tpu.memory_space<semaphore_mem>>
      %dma_start3A_623 = tpu.memref_squeeze %dma_start3A_622 : memref<1x!tpu.dma_semaphore, #tpu.memory_space<semaphore_mem>> -> memref<!tpu.dma_semaphore, #tpu.memory_space<semaphore_mem>>
      %dma_start3A_624 = arith.constant 63 : i32
      %dma_start3A_625 = arith.constant 0 : i32
      %dma_start3A_626 = tpu.memref_slice %arg4[%dma_start3A_624, %dma_start3A_625] : memref<128x131072xf32, #tpu.memory_space<any>> -> memref<1x131072xf32, #tpu.memory_space<any>>
      tpu.enqueue_dma source(%arg5 : memref<1x131072xf32, #tpu.memory_space<vmem>>) target(%dma_start3A_626 : memref<1x131072xf32, #tpu.memory_space<any>>) target_semaphore(%dma_start3A_623 : memref<!tpu.dma_semaphore, #tpu.memory_space<semaphore_mem>>)
      %dma_start3A_627 = arith.constant 0 : i32
      %dma_start3A_628 = tpu.memref_slice %arg7[%dma_start3A_627] : memref<8x!tpu.dma_semaphore, #tpu.memory_space<semaphore_mem>> -> memref<1x!tpu.dma_semaphore, #tpu.memory_space<semaphore_mem>>
      %dma_start3A_629 = tpu.memref_squeeze %dma_start3A_628 : memref<1x!tpu.dma_semaphore, #tpu.memory_space<semaphore_mem>> -> memref<!tpu.dma_semaphore, #tpu.memory_space<semaphore_mem>>
      %dma_start3A_630 = arith.constant 64 : i32
      %dma_start3A_631 = arith.constant 0 : i32
      %dma_start3A_632 = tpu.memref_slice %arg4[%dma_start3A_630, %dma_start3A_631] : memref<128x131072xf32, #tpu.memory_space<any>> -> memref<1x131072xf32, #tpu.memory_space<any>>
      tpu.enqueue_dma source(%arg5 : memref<1x131072xf32, #tpu.memory_space<vmem>>) target(%dma_start3A_632 : memref<1x131072xf32, #tpu.memory_space<any>>) target_semaphore(%dma_start3A_629 : memref<!tpu.dma_semaphore, #tpu.memory_space<semaphore_mem>>)
      %dma_start3A_633 = arith.constant 1 : i32
      %dma_start3A_634 = tpu.memref_slice %arg7[%dma_start3A_633] : memref<8x!tpu.dma_semaphore, #tpu.memory_space<semaphore_mem>> -> memref<1x!tpu.dma_semaphore, #tpu.memory_space<semaphore_mem>>
      %dma_start3A_635 = tpu.memref_squeeze %dma_start3A_634 : memref<1x!tpu.dma_semaphore, #tpu.memory_space<semaphore_mem>> -> memref<!tpu.dma_semaphore, #tpu.memory_space<semaphore_mem>>
      %dma_start3A_636 = arith.constant 65 : i32
      %dma_start3A_637 = arith.constant 0 : i32
      %dma_start3A_638 = tpu.memref_slice %arg4[%dma_start3A_636, %dma_start3A_637] : memref<128x131072xf32, #tpu.memory_space<any>> -> memref<1x131072xf32, #tpu.memory_space<any>>
      tpu.enqueue_dma source(%arg5 : memref<1x131072xf32, #tpu.memory_space<vmem>>) target(%dma_start3A_638 : memref<1x131072xf32, #tpu.memory_space<any>>) target_semaphore(%dma_start3A_635 : memref<!tpu.dma_semaphore, #tpu.memory_space<semaphore_mem>>)
      %dma_start3A_639 = arith.constant 2 : i32
      %dma_start3A_640 = tpu.memref_slice %arg7[%dma_start3A_639] : memref<8x!tpu.dma_semaphore, #tpu.memory_space<semaphore_mem>> -> memref<1x!tpu.dma_semaphore, #tpu.memory_space<semaphore_mem>>
      %dma_start3A_641 = tpu.memref_squeeze %dma_start3A_640 : memref<1x!tpu.dma_semaphore, #tpu.memory_space<semaphore_mem>> -> memref<!tpu.dma_semaphore, #tpu.memory_space<semaphore_mem>>
      %dma_start3A_642 = arith.constant 66 : i32
      %dma_start3A_643 = arith.constant 0 : i32
      %dma_start3A_644 = tpu.memref_slice %arg4[%dma_start3A_642, %dma_start3A_643] : memref<128x131072xf32, #tpu.memory_space<any>> -> memref<1x131072xf32, #tpu.memory_space<any>>
      tpu.enqueue_dma source(%arg5 : memref<1x131072xf32, #tpu.memory_space<vmem>>) target(%dma_start3A_644 : memref<1x131072xf32, #tpu.memory_space<any>>) target_semaphore(%dma_start3A_641 : memref<!tpu.dma_semaphore, #tpu.memory_space<semaphore_mem>>)
      %dma_start3A_645 = arith.constant 3 : i32
      %dma_start3A_646 = tpu.memref_slice %arg7[%dma_start3A_645] : memref<8x!tpu.dma_semaphore, #tpu.memory_space<semaphore_mem>> -> memref<1x!tpu.dma_semaphore, #tpu.memory_space<semaphore_mem>>
      %dma_start3A_647 = tpu.memref_squeeze %dma_start3A_646 : memref<1x!tpu.dma_semaphore, #tpu.memory_space<semaphore_mem>> -> memref<!tpu.dma_semaphore, #tpu.memory_space<semaphore_mem>>
      %dma_start3A_648 = arith.constant 67 : i32
      %dma_start3A_649 = arith.constant 0 : i32
      %dma_start3A_650 = tpu.memref_slice %arg4[%dma_start3A_648, %dma_start3A_649] : memref<128x131072xf32, #tpu.memory_space<any>> -> memref<1x131072xf32, #tpu.memory_space<any>>
      tpu.enqueue_dma source(%arg5 : memref<1x131072xf32, #tpu.memory_space<vmem>>) target(%dma_start3A_650 : memref<1x131072xf32, #tpu.memory_space<any>>) target_semaphore(%dma_start3A_647 : memref<!tpu.dma_semaphore, #tpu.memory_space<semaphore_mem>>)
      %dma_start3A_651 = arith.constant 4 : i32
      %dma_start3A_652 = tpu.memref_slice %arg7[%dma_start3A_651] : memref<8x!tpu.dma_semaphore, #tpu.memory_space<semaphore_mem>> -> memref<1x!tpu.dma_semaphore, #tpu.memory_space<semaphore_mem>>
      %dma_start3A_653 = tpu.memref_squeeze %dma_start3A_652 : memref<1x!tpu.dma_semaphore, #tpu.memory_space<semaphore_mem>> -> memref<!tpu.dma_semaphore, #tpu.memory_space<semaphore_mem>>
      %dma_start3A_654 = arith.constant 68 : i32
      %dma_start3A_655 = arith.constant 0 : i32
      %dma_start3A_656 = tpu.memref_slice %arg4[%dma_start3A_654, %dma_start3A_655] : memref<128x131072xf32, #tpu.memory_space<any>> -> memref<1x131072xf32, #tpu.memory_space<any>>
      tpu.enqueue_dma source(%arg5 : memref<1x131072xf32, #tpu.memory_space<vmem>>) target(%dma_start3A_656 : memref<1x131072xf32, #tpu.memory_space<any>>) target_semaphore(%dma_start3A_653 : memref<!tpu.dma_semaphore, #tpu.memory_space<semaphore_mem>>)
      %dma_start3A_657 = arith.constant 5 : i32
      %dma_start3A_658 = tpu.memref_slice %arg7[%dma_start3A_657] : memref<8x!tpu.dma_semaphore, #tpu.memory_space<semaphore_mem>> -> memref<1x!tpu.dma_semaphore, #tpu.memory_space<semaphore_mem>>
      %dma_start3A_659 = tpu.memref_squeeze %dma_start3A_658 : memref<1x!tpu.dma_semaphore, #tpu.memory_space<semaphore_mem>> -> memref<!tpu.dma_semaphore, #tpu.memory_space<semaphore_mem>>
      %dma_start3A_660 = arith.constant 69 : i32
      %dma_start3A_661 = arith.constant 0 : i32
      %dma_start3A_662 = tpu.memref_slice %arg4[%dma_start3A_660, %dma_start3A_661] : memref<128x131072xf32, #tpu.memory_space<any>> -> memref<1x131072xf32, #tpu.memory_space<any>>
      tpu.enqueue_dma source(%arg5 : memref<1x131072xf32, #tpu.memory_space<vmem>>) target(%dma_start3A_662 : memref<1x131072xf32, #tpu.memory_space<any>>) target_semaphore(%dma_start3A_659 : memref<!tpu.dma_semaphore, #tpu.memory_space<semaphore_mem>>)
      %dma_start3A_663 = arith.constant 6 : i32
      %dma_start3A_664 = tpu.memref_slice %arg7[%dma_start3A_663] : memref<8x!tpu.dma_semaphore, #tpu.memory_space<semaphore_mem>> -> memref<1x!tpu.dma_semaphore, #tpu.memory_space<semaphore_mem>>
      %dma_start3A_665 = tpu.memref_squeeze %dma_start3A_664 : memref<1x!tpu.dma_semaphore, #tpu.memory_space<semaphore_mem>> -> memref<!tpu.dma_semaphore, #tpu.memory_space<semaphore_mem>>
      %dma_start3A_666 = arith.constant 70 : i32
      %dma_start3A_667 = arith.constant 0 : i32
      %dma_start3A_668 = tpu.memref_slice %arg4[%dma_start3A_666, %dma_start3A_667] : memref<128x131072xf32, #tpu.memory_space<any>> -> memref<1x131072xf32, #tpu.memory_space<any>>
      tpu.enqueue_dma source(%arg5 : memref<1x131072xf32, #tpu.memory_space<vmem>>) target(%dma_start3A_668 : memref<1x131072xf32, #tpu.memory_space<any>>) target_semaphore(%dma_start3A_665 : memref<!tpu.dma_semaphore, #tpu.memory_space<semaphore_mem>>)
      %dma_start3A_669 = arith.constant 7 : i32
      %dma_start3A_670 = tpu.memref_slice %arg7[%dma_start3A_669] : memref<8x!tpu.dma_semaphore, #tpu.memory_space<semaphore_mem>> -> memref<1x!tpu.dma_semaphore, #tpu.memory_space<semaphore_mem>>
      %dma_start3A_671 = tpu.memref_squeeze %dma_start3A_670 : memref<1x!tpu.dma_semaphore, #tpu.memory_space<semaphore_mem>> -> memref<!tpu.dma_semaphore, #tpu.memory_space<semaphore_mem>>
      %dma_start3A_672 = arith.constant 71 : i32
      %dma_start3A_673 = arith.constant 0 : i32
      %dma_start3A_674 = tpu.memref_slice %arg4[%dma_start3A_672, %dma_start3A_673] : memref<128x131072xf32, #tpu.memory_space<any>> -> memref<1x131072xf32, #tpu.memory_space<any>>
      tpu.enqueue_dma source(%arg5 : memref<1x131072xf32, #tpu.memory_space<vmem>>) target(%dma_start3A_674 : memref<1x131072xf32, #tpu.memory_space<any>>) target_semaphore(%dma_start3A_671 : memref<!tpu.dma_semaphore, #tpu.memory_space<semaphore_mem>>)
      %dma_start3A_675 = arith.constant 0 : i32
      %dma_start3A_676 = tpu.memref_slice %arg7[%dma_start3A_675] : memref<8x!tpu.dma_semaphore, #tpu.memory_space<semaphore_mem>> -> memref<1x!tpu.dma_semaphore, #tpu.memory_space<semaphore_mem>>
      %dma_start3A_677 = tpu.memref_squeeze %dma_start3A_676 : memref<1x!tpu.dma_semaphore, #tpu.memory_space<semaphore_mem>> -> memref<!tpu.dma_semaphore, #tpu.memory_space<semaphore_mem>>
      %dma_start3A_678 = arith.constant 72 : i32
      %dma_start3A_679 = arith.constant 0 : i32
      %dma_start3A_680 = tpu.memref_slice %arg4[%dma_start3A_678, %dma_start3A_679] : memref<128x131072xf32, #tpu.memory_space<any>> -> memref<1x131072xf32, #tpu.memory_space<any>>
      tpu.enqueue_dma source(%arg5 : memref<1x131072xf32, #tpu.memory_space<vmem>>) target(%dma_start3A_680 : memref<1x131072xf32, #tpu.memory_space<any>>) target_semaphore(%dma_start3A_677 : memref<!tpu.dma_semaphore, #tpu.memory_space<semaphore_mem>>)
      %dma_start3A_681 = arith.constant 1 : i32
      %dma_start3A_682 = tpu.memref_slice %arg7[%dma_start3A_681] : memref<8x!tpu.dma_semaphore, #tpu.memory_space<semaphore_mem>> -> memref<1x!tpu.dma_semaphore, #tpu.memory_space<semaphore_mem>>
      %dma_start3A_683 = tpu.memref_squeeze %dma_start3A_682 : memref<1x!tpu.dma_semaphore, #tpu.memory_space<semaphore_mem>> -> memref<!tpu.dma_semaphore, #tpu.memory_space<semaphore_mem>>
      %dma_start3A_684 = arith.constant 73 : i32
      %dma_start3A_685 = arith.constant 0 : i32
      %dma_start3A_686 = tpu.memref_slice %arg4[%dma_start3A_684, %dma_start3A_685] : memref<128x131072xf32, #tpu.memory_space<any>> -> memref<1x131072xf32, #tpu.memory_space<any>>
      tpu.enqueue_dma source(%arg5 : memref<1x131072xf32, #tpu.memory_space<vmem>>) target(%dma_start3A_686 : memref<1x131072xf32, #tpu.memory_space<any>>) target_semaphore(%dma_start3A_683 : memref<!tpu.dma_semaphore, #tpu.memory_space<semaphore_mem>>)
      %dma_start3A_687 = arith.constant 2 : i32
      %dma_start3A_688 = tpu.memref_slice %arg7[%dma_start3A_687] : memref<8x!tpu.dma_semaphore, #tpu.memory_space<semaphore_mem>> -> memref<1x!tpu.dma_semaphore, #tpu.memory_space<semaphore_mem>>
      %dma_start3A_689 = tpu.memref_squeeze %dma_start3A_688 : memref<1x!tpu.dma_semaphore, #tpu.memory_space<semaphore_mem>> -> memref<!tpu.dma_semaphore, #tpu.memory_space<semaphore_mem>>
      %dma_start3A_690 = arith.constant 74 : i32
      %dma_start3A_691 = arith.constant 0 : i32
      %dma_start3A_692 = tpu.memref_slice %arg4[%dma_start3A_690, %dma_start3A_691] : memref<128x131072xf32, #tpu.memory_space<any>> -> memref<1x131072xf32, #tpu.memory_space<any>>
      tpu.enqueue_dma source(%arg5 : memref<1x131072xf32, #tpu.memory_space<vmem>>) target(%dma_start3A_692 : memref<1x131072xf32, #tpu.memory_space<any>>) target_semaphore(%dma_start3A_689 : memref<!tpu.dma_semaphore, #tpu.memory_space<semaphore_mem>>)
      %dma_start3A_693 = arith.constant 3 : i32
      %dma_start3A_694 = tpu.memref_slice %arg7[%dma_start3A_693] : memref<8x!tpu.dma_semaphore, #tpu.memory_space<semaphore_mem>> -> memref<1x!tpu.dma_semaphore, #tpu.memory_space<semaphore_mem>>
      %dma_start3A_695 = tpu.memref_squeeze %dma_start3A_694 : memref<1x!tpu.dma_semaphore, #tpu.memory_space<semaphore_mem>> -> memref<!tpu.dma_semaphore, #tpu.memory_space<semaphore_mem>>
      %dma_start3A_696 = arith.constant 75 : i32
      %dma_start3A_697 = arith.constant 0 : i32
      %dma_start3A_698 = tpu.memref_slice %arg4[%dma_start3A_696, %dma_start3A_697] : memref<128x131072xf32, #tpu.memory_space<any>> -> memref<1x131072xf32, #tpu.memory_space<any>>
      tpu.enqueue_dma source(%arg5 : memref<1x131072xf32, #tpu.memory_space<vmem>>) target(%dma_start3A_698 : memref<1x131072xf32, #tpu.memory_space<any>>) target_semaphore(%dma_start3A_695 : memref<!tpu.dma_semaphore, #tpu.memory_space<semaphore_mem>>)
      %dma_start3A_699 = arith.constant 4 : i32
      %dma_start3A_700 = tpu.memref_slice %arg7[%dma_start3A_699] : memref<8x!tpu.dma_semaphore, #tpu.memory_space<semaphore_mem>> -> memref<1x!tpu.dma_semaphore, #tpu.memory_space<semaphore_mem>>
      %dma_start3A_701 = tpu.memref_squeeze %dma_start3A_700 : memref<1x!tpu.dma_semaphore, #tpu.memory_space<semaphore_mem>> -> memref<!tpu.dma_semaphore, #tpu.memory_space<semaphore_mem>>
      %dma_start3A_702 = arith.constant 76 : i32
      %dma_start3A_703 = arith.constant 0 : i32
      %dma_start3A_704 = tpu.memref_slice %arg4[%dma_start3A_702, %dma_start3A_703] : memref<128x131072xf32, #tpu.memory_space<any>> -> memref<1x131072xf32, #tpu.memory_space<any>>
      tpu.enqueue_dma source(%arg5 : memref<1x131072xf32, #tpu.memory_space<vmem>>) target(%dma_start3A_704 : memref<1x131072xf32, #tpu.memory_space<any>>) target_semaphore(%dma_start3A_701 : memref<!tpu.dma_semaphore, #tpu.memory_space<semaphore_mem>>)
      %dma_start3A_705 = arith.constant 5 : i32
      %dma_start3A_706 = tpu.memref_slice %arg7[%dma_start3A_705] : memref<8x!tpu.dma_semaphore, #tpu.memory_space<semaphore_mem>> -> memref<1x!tpu.dma_semaphore, #tpu.memory_space<semaphore_mem>>
      %dma_start3A_707 = tpu.memref_squeeze %dma_start3A_706 : memref<1x!tpu.dma_semaphore, #tpu.memory_space<semaphore_mem>> -> memref<!tpu.dma_semaphore, #tpu.memory_space<semaphore_mem>>
      %dma_start3A_708 = arith.constant 77 : i32
      %dma_start3A_709 = arith.constant 0 : i32
      %dma_start3A_710 = tpu.memref_slice %arg4[%dma_start3A_708, %dma_start3A_709] : memref<128x131072xf32, #tpu.memory_space<any>> -> memref<1x131072xf32, #tpu.memory_space<any>>
      tpu.enqueue_dma source(%arg5 : memref<1x131072xf32, #tpu.memory_space<vmem>>) target(%dma_start3A_710 : memref<1x131072xf32, #tpu.memory_space<any>>) target_semaphore(%dma_start3A_707 : memref<!tpu.dma_semaphore, #tpu.memory_space<semaphore_mem>>)
      %dma_start3A_711 = arith.constant 6 : i32
      %dma_start3A_712 = tpu.memref_slice %arg7[%dma_start3A_711] : memref<8x!tpu.dma_semaphore, #tpu.memory_space<semaphore_mem>> -> memref<1x!tpu.dma_semaphore, #tpu.memory_space<semaphore_mem>>
      %dma_start3A_713 = tpu.memref_squeeze %dma_start3A_712 : memref<1x!tpu.dma_semaphore, #tpu.memory_space<semaphore_mem>> -> memref<!tpu.dma_semaphore, #tpu.memory_space<semaphore_mem>>
      %dma_start3A_714 = arith.constant 78 : i32
      %dma_start3A_715 = arith.constant 0 : i32
      %dma_start3A_716 = tpu.memref_slice %arg4[%dma_start3A_714, %dma_start3A_715] : memref<128x131072xf32, #tpu.memory_space<any>> -> memref<1x131072xf32, #tpu.memory_space<any>>
      tpu.enqueue_dma source(%arg5 : memref<1x131072xf32, #tpu.memory_space<vmem>>) target(%dma_start3A_716 : memref<1x131072xf32, #tpu.memory_space<any>>) target_semaphore(%dma_start3A_713 : memref<!tpu.dma_semaphore, #tpu.memory_space<semaphore_mem>>)
      %dma_start3A_717 = arith.constant 7 : i32
      %dma_start3A_718 = tpu.memref_slice %arg7[%dma_start3A_717] : memref<8x!tpu.dma_semaphore, #tpu.memory_space<semaphore_mem>> -> memref<1x!tpu.dma_semaphore, #tpu.memory_space<semaphore_mem>>
      %dma_start3A_719 = tpu.memref_squeeze %dma_start3A_718 : memref<1x!tpu.dma_semaphore, #tpu.memory_space<semaphore_mem>> -> memref<!tpu.dma_semaphore, #tpu.memory_space<semaphore_mem>>
      %dma_start3A_720 = arith.constant 79 : i32
      %dma_start3A_721 = arith.constant 0 : i32
      %dma_start3A_722 = tpu.memref_slice %arg4[%dma_start3A_720, %dma_start3A_721] : memref<128x131072xf32, #tpu.memory_space<any>> -> memref<1x131072xf32, #tpu.memory_space<any>>
      tpu.enqueue_dma source(%arg5 : memref<1x131072xf32, #tpu.memory_space<vmem>>) target(%dma_start3A_722 : memref<1x131072xf32, #tpu.memory_space<any>>) target_semaphore(%dma_start3A_719 : memref<!tpu.dma_semaphore, #tpu.memory_space<semaphore_mem>>)
      %dma_start3A_723 = arith.constant 0 : i32
      %dma_start3A_724 = tpu.memref_slice %arg7[%dma_start3A_723] : memref<8x!tpu.dma_semaphore, #tpu.memory_space<semaphore_mem>> -> memref<1x!tpu.dma_semaphore, #tpu.memory_space<semaphore_mem>>
      %dma_start3A_725 = tpu.memref_squeeze %dma_start3A_724 : memref<1x!tpu.dma_semaphore, #tpu.memory_space<semaphore_mem>> -> memref<!tpu.dma_semaphore, #tpu.memory_space<semaphore_mem>>
      %dma_start3A_726 = arith.constant 80 : i32
      %dma_start3A_727 = arith.constant 0 : i32
      %dma_start3A_728 = tpu.memref_slice %arg4[%dma_start3A_726, %dma_start3A_727] : memref<128x131072xf32, #tpu.memory_space<any>> -> memref<1x131072xf32, #tpu.memory_space<any>>
      tpu.enqueue_dma source(%arg5 : memref<1x131072xf32, #tpu.memory_space<vmem>>) target(%dma_start3A_728 : memref<1x131072xf32, #tpu.memory_space<any>>) target_semaphore(%dma_start3A_725 : memref<!tpu.dma_semaphore, #tpu.memory_space<semaphore_mem>>)
      %dma_start3A_729 = arith.constant 1 : i32
      %dma_start3A_730 = tpu.memref_slice %arg7[%dma_start3A_729] : memref<8x!tpu.dma_semaphore, #tpu.memory_space<semaphore_mem>> -> memref<1x!tpu.dma_semaphore, #tpu.memory_space<semaphore_mem>>
      %dma_start3A_731 = tpu.memref_squeeze %dma_start3A_730 : memref<1x!tpu.dma_semaphore, #tpu.memory_space<semaphore_mem>> -> memref<!tpu.dma_semaphore, #tpu.memory_space<semaphore_mem>>
      %dma_start3A_732 = arith.constant 81 : i32
      %dma_start3A_733 = arith.constant 0 : i32
      %dma_start3A_734 = tpu.memref_slice %arg4[%dma_start3A_732, %dma_start3A_733] : memref<128x131072xf32, #tpu.memory_space<any>> -> memref<1x131072xf32, #tpu.memory_space<any>>
      tpu.enqueue_dma source(%arg5 : memref<1x131072xf32, #tpu.memory_space<vmem>>) target(%dma_start3A_734 : memref<1x131072xf32, #tpu.memory_space<any>>) target_semaphore(%dma_start3A_731 : memref<!tpu.dma_semaphore, #tpu.memory_space<semaphore_mem>>)
      %dma_start3A_735 = arith.constant 2 : i32
      %dma_start3A_736 = tpu.memref_slice %arg7[%dma_start3A_735] : memref<8x!tpu.dma_semaphore, #tpu.memory_space<semaphore_mem>> -> memref<1x!tpu.dma_semaphore, #tpu.memory_space<semaphore_mem>>
      %dma_start3A_737 = tpu.memref_squeeze %dma_start3A_736 : memref<1x!tpu.dma_semaphore, #tpu.memory_space<semaphore_mem>> -> memref<!tpu.dma_semaphore, #tpu.memory_space<semaphore_mem>>
      %dma_start3A_738 = arith.constant 82 : i32
      %dma_start3A_739 = arith.constant 0 : i32
      %dma_start3A_740 = tpu.memref_slice %arg4[%dma_start3A_738, %dma_start3A_739] : memref<128x131072xf32, #tpu.memory_space<any>> -> memref<1x131072xf32, #tpu.memory_space<any>>
      tpu.enqueue_dma source(%arg5 : memref<1x131072xf32, #tpu.memory_space<vmem>>) target(%dma_start3A_740 : memref<1x131072xf32, #tpu.memory_space<any>>) target_semaphore(%dma_start3A_737 : memref<!tpu.dma_semaphore, #tpu.memory_space<semaphore_mem>>)
      %dma_start3A_741 = arith.constant 3 : i32
      %dma_start3A_742 = tpu.memref_slice %arg7[%dma_start3A_741] : memref<8x!tpu.dma_semaphore, #tpu.memory_space<semaphore_mem>> -> memref<1x!tpu.dma_semaphore, #tpu.memory_space<semaphore_mem>>
      %dma_start3A_743 = tpu.memref_squeeze %dma_start3A_742 : memref<1x!tpu.dma_semaphore, #tpu.memory_space<semaphore_mem>> -> memref<!tpu.dma_semaphore, #tpu.memory_space<semaphore_mem>>
      %dma_start3A_744 = arith.constant 83 : i32
      %dma_start3A_745 = arith.constant 0 : i32
      %dma_start3A_746 = tpu.memref_slice %arg4[%dma_start3A_744, %dma_start3A_745] : memref<128x131072xf32, #tpu.memory_space<any>> -> memref<1x131072xf32, #tpu.memory_space<any>>
      tpu.enqueue_dma source(%arg5 : memref<1x131072xf32, #tpu.memory_space<vmem>>) target(%dma_start3A_746 : memref<1x131072xf32, #tpu.memory_space<any>>) target_semaphore(%dma_start3A_743 : memref<!tpu.dma_semaphore, #tpu.memory_space<semaphore_mem>>)
      %dma_start3A_747 = arith.constant 4 : i32
      %dma_start3A_748 = tpu.memref_slice %arg7[%dma_start3A_747] : memref<8x!tpu.dma_semaphore, #tpu.memory_space<semaphore_mem>> -> memref<1x!tpu.dma_semaphore, #tpu.memory_space<semaphore_mem>>
      %dma_start3A_749 = tpu.memref_squeeze %dma_start3A_748 : memref<1x!tpu.dma_semaphore, #tpu.memory_space<semaphore_mem>> -> memref<!tpu.dma_semaphore, #tpu.memory_space<semaphore_mem>>
      %dma_start3A_750 = arith.constant 84 : i32
      %dma_start3A_751 = arith.constant 0 : i32
      %dma_start3A_752 = tpu.memref_slice %arg4[%dma_start3A_750, %dma_start3A_751] : memref<128x131072xf32, #tpu.memory_space<any>> -> memref<1x131072xf32, #tpu.memory_space<any>>
      tpu.enqueue_dma source(%arg5 : memref<1x131072xf32, #tpu.memory_space<vmem>>) target(%dma_start3A_752 : memref<1x131072xf32, #tpu.memory_space<any>>) target_semaphore(%dma_start3A_749 : memref<!tpu.dma_semaphore, #tpu.memory_space<semaphore_mem>>)
      %dma_start3A_753 = arith.constant 5 : i32
      %dma_start3A_754 = tpu.memref_slice %arg7[%dma_start3A_753] : memref<8x!tpu.dma_semaphore, #tpu.memory_space<semaphore_mem>> -> memref<1x!tpu.dma_semaphore, #tpu.memory_space<semaphore_mem>>
      %dma_start3A_755 = tpu.memref_squeeze %dma_start3A_754 : memref<1x!tpu.dma_semaphore, #tpu.memory_space<semaphore_mem>> -> memref<!tpu.dma_semaphore, #tpu.memory_space<semaphore_mem>>
      %dma_start3A_756 = arith.constant 85 : i32
      %dma_start3A_757 = arith.constant 0 : i32
      %dma_start3A_758 = tpu.memref_slice %arg4[%dma_start3A_756, %dma_start3A_757] : memref<128x131072xf32, #tpu.memory_space<any>> -> memref<1x131072xf32, #tpu.memory_space<any>>
      tpu.enqueue_dma source(%arg5 : memref<1x131072xf32, #tpu.memory_space<vmem>>) target(%dma_start3A_758 : memref<1x131072xf32, #tpu.memory_space<any>>) target_semaphore(%dma_start3A_755 : memref<!tpu.dma_semaphore, #tpu.memory_space<semaphore_mem>>)
      %dma_start3A_759 = arith.constant 6 : i32
      %dma_start3A_760 = tpu.memref_slice %arg7[%dma_start3A_759] : memref<8x!tpu.dma_semaphore, #tpu.memory_space<semaphore_mem>> -> memref<1x!tpu.dma_semaphore, #tpu.memory_space<semaphore_mem>>
      %dma_start3A_761 = tpu.memref_squeeze %dma_start3A_760 : memref<1x!tpu.dma_semaphore, #tpu.memory_space<semaphore_mem>> -> memref<!tpu.dma_semaphore, #tpu.memory_space<semaphore_mem>>
      %dma_start3A_762 = arith.constant 86 : i32
      %dma_start3A_763 = arith.constant 0 : i32
      %dma_start3A_764 = tpu.memref_slice %arg4[%dma_start3A_762, %dma_start3A_763] : memref<128x131072xf32, #tpu.memory_space<any>> -> memref<1x131072xf32, #tpu.memory_space<any>>
      tpu.enqueue_dma source(%arg5 : memref<1x131072xf32, #tpu.memory_space<vmem>>) target(%dma_start3A_764 : memref<1x131072xf32, #tpu.memory_space<any>>) target_semaphore(%dma_start3A_761 : memref<!tpu.dma_semaphore, #tpu.memory_space<semaphore_mem>>)
      %dma_start3A_765 = arith.constant 7 : i32
      %dma_start3A_766 = tpu.memref_slice %arg7[%dma_start3A_765] : memref<8x!tpu.dma_semaphore, #tpu.memory_space<semaphore_mem>> -> memref<1x!tpu.dma_semaphore, #tpu.memory_space<semaphore_mem>>
      %dma_start3A_767 = tpu.memref_squeeze %dma_start3A_766 : memref<1x!tpu.dma_semaphore, #tpu.memory_space<semaphore_mem>> -> memref<!tpu.dma_semaphore, #tpu.memory_space<semaphore_mem>>
      %dma_start3A_768 = arith.constant 87 : i32
      %dma_start3A_769 = arith.constant 0 : i32
      %dma_start3A_770 = tpu.memref_slice %arg4[%dma_start3A_768, %dma_start3A_769] : memref<128x131072xf32, #tpu.memory_space<any>> -> memref<1x131072xf32, #tpu.memory_space<any>>
      tpu.enqueue_dma source(%arg5 : memref<1x131072xf32, #tpu.memory_space<vmem>>) target(%dma_start3A_770 : memref<1x131072xf32, #tpu.memory_space<any>>) target_semaphore(%dma_start3A_767 : memref<!tpu.dma_semaphore, #tpu.memory_space<semaphore_mem>>)
      %dma_start3A_771 = arith.constant 0 : i32
      %dma_start3A_772 = tpu.memref_slice %arg7[%dma_start3A_771] : memref<8x!tpu.dma_semaphore, #tpu.memory_space<semaphore_mem>> -> memref<1x!tpu.dma_semaphore, #tpu.memory_space<semaphore_mem>>
      %dma_start3A_773 = tpu.memref_squeeze %dma_start3A_772 : memref<1x!tpu.dma_semaphore, #tpu.memory_space<semaphore_mem>> -> memref<!tpu.dma_semaphore, #tpu.memory_space<semaphore_mem>>
      %dma_start3A_774 = arith.constant 88 : i32
      %dma_start3A_775 = arith.constant 0 : i32
      %dma_start3A_776 = tpu.memref_slice %arg4[%dma_start3A_774, %dma_start3A_775] : memref<128x131072xf32, #tpu.memory_space<any>> -> memref<1x131072xf32, #tpu.memory_space<any>>
      tpu.enqueue_dma source(%arg5 : memref<1x131072xf32, #tpu.memory_space<vmem>>) target(%dma_start3A_776 : memref<1x131072xf32, #tpu.memory_space<any>>) target_semaphore(%dma_start3A_773 : memref<!tpu.dma_semaphore, #tpu.memory_space<semaphore_mem>>)
      %dma_start3A_777 = arith.constant 1 : i32
      %dma_start3A_778 = tpu.memref_slice %arg7[%dma_start3A_777] : memref<8x!tpu.dma_semaphore, #tpu.memory_space<semaphore_mem>> -> memref<1x!tpu.dma_semaphore, #tpu.memory_space<semaphore_mem>>
      %dma_start3A_779 = tpu.memref_squeeze %dma_start3A_778 : memref<1x!tpu.dma_semaphore, #tpu.memory_space<semaphore_mem>> -> memref<!tpu.dma_semaphore, #tpu.memory_space<semaphore_mem>>
      %dma_start3A_780 = arith.constant 89 : i32
      %dma_start3A_781 = arith.constant 0 : i32
      %dma_start3A_782 = tpu.memref_slice %arg4[%dma_start3A_780, %dma_start3A_781] : memref<128x131072xf32, #tpu.memory_space<any>> -> memref<1x131072xf32, #tpu.memory_space<any>>
      tpu.enqueue_dma source(%arg5 : memref<1x131072xf32, #tpu.memory_space<vmem>>) target(%dma_start3A_782 : memref<1x131072xf32, #tpu.memory_space<any>>) target_semaphore(%dma_start3A_779 : memref<!tpu.dma_semaphore, #tpu.memory_space<semaphore_mem>>)
      %dma_start3A_783 = arith.constant 2 : i32
      %dma_start3A_784 = tpu.memref_slice %arg7[%dma_start3A_783] : memref<8x!tpu.dma_semaphore, #tpu.memory_space<semaphore_mem>> -> memref<1x!tpu.dma_semaphore, #tpu.memory_space<semaphore_mem>>
      %dma_start3A_785 = tpu.memref_squeeze %dma_start3A_784 : memref<1x!tpu.dma_semaphore, #tpu.memory_space<semaphore_mem>> -> memref<!tpu.dma_semaphore, #tpu.memory_space<semaphore_mem>>
      %dma_start3A_786 = arith.constant 90 : i32
      %dma_start3A_787 = arith.constant 0 : i32
      %dma_start3A_788 = tpu.memref_slice %arg4[%dma_start3A_786, %dma_start3A_787] : memref<128x131072xf32, #tpu.memory_space<any>> -> memref<1x131072xf32, #tpu.memory_space<any>>
      tpu.enqueue_dma source(%arg5 : memref<1x131072xf32, #tpu.memory_space<vmem>>) target(%dma_start3A_788 : memref<1x131072xf32, #tpu.memory_space<any>>) target_semaphore(%dma_start3A_785 : memref<!tpu.dma_semaphore, #tpu.memory_space<semaphore_mem>>)
      %dma_start3A_789 = arith.constant 3 : i32
      %dma_start3A_790 = tpu.memref_slice %arg7[%dma_start3A_789] : memref<8x!tpu.dma_semaphore, #tpu.memory_space<semaphore_mem>> -> memref<1x!tpu.dma_semaphore, #tpu.memory_space<semaphore_mem>>
      %dma_start3A_791 = tpu.memref_squeeze %dma_start3A_790 : memref<1x!tpu.dma_semaphore, #tpu.memory_space<semaphore_mem>> -> memref<!tpu.dma_semaphore, #tpu.memory_space<semaphore_mem>>
      %dma_start3A_792 = arith.constant 91 : i32
      %dma_start3A_793 = arith.constant 0 : i32
      %dma_start3A_794 = tpu.memref_slice %arg4[%dma_start3A_792, %dma_start3A_793] : memref<128x131072xf32, #tpu.memory_space<any>> -> memref<1x131072xf32, #tpu.memory_space<any>>
      tpu.enqueue_dma source(%arg5 : memref<1x131072xf32, #tpu.memory_space<vmem>>) target(%dma_start3A_794 : memref<1x131072xf32, #tpu.memory_space<any>>) target_semaphore(%dma_start3A_791 : memref<!tpu.dma_semaphore, #tpu.memory_space<semaphore_mem>>)
      %dma_start3A_795 = arith.constant 4 : i32
      %dma_start3A_796 = tpu.memref_slice %arg7[%dma_start3A_795] : memref<8x!tpu.dma_semaphore, #tpu.memory_space<semaphore_mem>> -> memref<1x!tpu.dma_semaphore, #tpu.memory_space<semaphore_mem>>
      %dma_start3A_797 = tpu.memref_squeeze %dma_start3A_796 : memref<1x!tpu.dma_semaphore, #tpu.memory_space<semaphore_mem>> -> memref<!tpu.dma_semaphore, #tpu.memory_space<semaphore_mem>>
      %dma_start3A_798 = arith.constant 92 : i32
      %dma_start3A_799 = arith.constant 0 : i32
      %dma_start3A_800 = tpu.memref_slice %arg4[%dma_start3A_798, %dma_start3A_799] : memref<128x131072xf32, #tpu.memory_space<any>> -> memref<1x131072xf32, #tpu.memory_space<any>>
      tpu.enqueue_dma source(%arg5 : memref<1x131072xf32, #tpu.memory_space<vmem>>) target(%dma_start3A_800 : memref<1x131072xf32, #tpu.memory_space<any>>) target_semaphore(%dma_start3A_797 : memref<!tpu.dma_semaphore, #tpu.memory_space<semaphore_mem>>)
      %dma_start3A_801 = arith.constant 5 : i32
      %dma_start3A_802 = tpu.memref_slice %arg7[%dma_start3A_801] : memref<8x!tpu.dma_semaphore, #tpu.memory_space<semaphore_mem>> -> memref<1x!tpu.dma_semaphore, #tpu.memory_space<semaphore_mem>>
      %dma_start3A_803 = tpu.memref_squeeze %dma_start3A_802 : memref<1x!tpu.dma_semaphore, #tpu.memory_space<semaphore_mem>> -> memref<!tpu.dma_semaphore, #tpu.memory_space<semaphore_mem>>
      %dma_start3A_804 = arith.constant 93 : i32
      %dma_start3A_805 = arith.constant 0 : i32
      %dma_start3A_806 = tpu.memref_slice %arg4[%dma_start3A_804, %dma_start3A_805] : memref<128x131072xf32, #tpu.memory_space<any>> -> memref<1x131072xf32, #tpu.memory_space<any>>
      tpu.enqueue_dma source(%arg5 : memref<1x131072xf32, #tpu.memory_space<vmem>>) target(%dma_start3A_806 : memref<1x131072xf32, #tpu.memory_space<any>>) target_semaphore(%dma_start3A_803 : memref<!tpu.dma_semaphore, #tpu.memory_space<semaphore_mem>>)
      %dma_start3A_807 = arith.constant 6 : i32
      %dma_start3A_808 = tpu.memref_slice %arg7[%dma_start3A_807] : memref<8x!tpu.dma_semaphore, #tpu.memory_space<semaphore_mem>> -> memref<1x!tpu.dma_semaphore, #tpu.memory_space<semaphore_mem>>
      %dma_start3A_809 = tpu.memref_squeeze %dma_start3A_808 : memref<1x!tpu.dma_semaphore, #tpu.memory_space<semaphore_mem>> -> memref<!tpu.dma_semaphore, #tpu.memory_space<semaphore_mem>>
      %dma_start3A_810 = arith.constant 94 : i32
      %dma_start3A_811 = arith.constant 0 : i32
      %dma_start3A_812 = tpu.memref_slice %arg4[%dma_start3A_810, %dma_start3A_811] : memref<128x131072xf32, #tpu.memory_space<any>> -> memref<1x131072xf32, #tpu.memory_space<any>>
      tpu.enqueue_dma source(%arg5 : memref<1x131072xf32, #tpu.memory_space<vmem>>) target(%dma_start3A_812 : memref<1x131072xf32, #tpu.memory_space<any>>) target_semaphore(%dma_start3A_809 : memref<!tpu.dma_semaphore, #tpu.memory_space<semaphore_mem>>)
      %dma_start3A_813 = arith.constant 7 : i32
      %dma_start3A_814 = tpu.memref_slice %arg7[%dma_start3A_813] : memref<8x!tpu.dma_semaphore, #tpu.memory_space<semaphore_mem>> -> memref<1x!tpu.dma_semaphore, #tpu.memory_space<semaphore_mem>>
      %dma_start3A_815 = tpu.memref_squeeze %dma_start3A_814 : memref<1x!tpu.dma_semaphore, #tpu.memory_space<semaphore_mem>> -> memref<!tpu.dma_semaphore, #tpu.memory_space<semaphore_mem>>
      %dma_start3A_816 = arith.constant 95 : i32
      %dma_start3A_817 = arith.constant 0 : i32
      %dma_start3A_818 = tpu.memref_slice %arg4[%dma_start3A_816, %dma_start3A_817] : memref<128x131072xf32, #tpu.memory_space<any>> -> memref<1x131072xf32, #tpu.memory_space<any>>
      tpu.enqueue_dma source(%arg5 : memref<1x131072xf32, #tpu.memory_space<vmem>>) target(%dma_start3A_818 : memref<1x131072xf32, #tpu.memory_space<any>>) target_semaphore(%dma_start3A_815 : memref<!tpu.dma_semaphore, #tpu.memory_space<semaphore_mem>>)
      %dma_start3A_819 = arith.constant 0 : i32
      %dma_start3A_820 = tpu.memref_slice %arg7[%dma_start3A_819] : memref<8x!tpu.dma_semaphore, #tpu.memory_space<semaphore_mem>> -> memref<1x!tpu.dma_semaphore, #tpu.memory_space<semaphore_mem>>
      %dma_start3A_821 = tpu.memref_squeeze %dma_start3A_820 : memref<1x!tpu.dma_semaphore, #tpu.memory_space<semaphore_mem>> -> memref<!tpu.dma_semaphore, #tpu.memory_space<semaphore_mem>>
      %dma_start3A_822 = arith.constant 96 : i32
      %dma_start3A_823 = arith.constant 0 : i32
      %dma_start3A_824 = tpu.memref_slice %arg4[%dma_start3A_822, %dma_start3A_823] : memref<128x131072xf32, #tpu.memory_space<any>> -> memref<1x131072xf32, #tpu.memory_space<any>>
      tpu.enqueue_dma source(%arg5 : memref<1x131072xf32, #tpu.memory_space<vmem>>) target(%dma_start3A_824 : memref<1x131072xf32, #tpu.memory_space<any>>) target_semaphore(%dma_start3A_821 : memref<!tpu.dma_semaphore, #tpu.memory_space<semaphore_mem>>)
      %dma_start3A_825 = arith.constant 1 : i32
      %dma_start3A_826 = tpu.memref_slice %arg7[%dma_start3A_825] : memref<8x!tpu.dma_semaphore, #tpu.memory_space<semaphore_mem>> -> memref<1x!tpu.dma_semaphore, #tpu.memory_space<semaphore_mem>>
      %dma_start3A_827 = tpu.memref_squeeze %dma_start3A_826 : memref<1x!tpu.dma_semaphore, #tpu.memory_space<semaphore_mem>> -> memref<!tpu.dma_semaphore, #tpu.memory_space<semaphore_mem>>
      %dma_start3A_828 = arith.constant 97 : i32
      %dma_start3A_829 = arith.constant 0 : i32
      %dma_start3A_830 = tpu.memref_slice %arg4[%dma_start3A_828, %dma_start3A_829] : memref<128x131072xf32, #tpu.memory_space<any>> -> memref<1x131072xf32, #tpu.memory_space<any>>
      tpu.enqueue_dma source(%arg5 : memref<1x131072xf32, #tpu.memory_space<vmem>>) target(%dma_start3A_830 : memref<1x131072xf32, #tpu.memory_space<any>>) target_semaphore(%dma_start3A_827 : memref<!tpu.dma_semaphore, #tpu.memory_space<semaphore_mem>>)
      %dma_start3A_831 = arith.constant 2 : i32
      %dma_start3A_832 = tpu.memref_slice %arg7[%dma_start3A_831] : memref<8x!tpu.dma_semaphore, #tpu.memory_space<semaphore_mem>> -> memref<1x!tpu.dma_semaphore, #tpu.memory_space<semaphore_mem>>
      %dma_start3A_833 = tpu.memref_squeeze %dma_start3A_832 : memref<1x!tpu.dma_semaphore, #tpu.memory_space<semaphore_mem>> -> memref<!tpu.dma_semaphore, #tpu.memory_space<semaphore_mem>>
      %dma_start3A_834 = arith.constant 98 : i32
      %dma_start3A_835 = arith.constant 0 : i32
      %dma_start3A_836 = tpu.memref_slice %arg4[%dma_start3A_834, %dma_start3A_835] : memref<128x131072xf32, #tpu.memory_space<any>> -> memref<1x131072xf32, #tpu.memory_space<any>>
      tpu.enqueue_dma source(%arg5 : memref<1x131072xf32, #tpu.memory_space<vmem>>) target(%dma_start3A_836 : memref<1x131072xf32, #tpu.memory_space<any>>) target_semaphore(%dma_start3A_833 : memref<!tpu.dma_semaphore, #tpu.memory_space<semaphore_mem>>)
      %dma_start3A_837 = arith.constant 3 : i32
      %dma_start3A_838 = tpu.memref_slice %arg7[%dma_start3A_837] : memref<8x!tpu.dma_semaphore, #tpu.memory_space<semaphore_mem>> -> memref<1x!tpu.dma_semaphore, #tpu.memory_space<semaphore_mem>>
      %dma_start3A_839 = tpu.memref_squeeze %dma_start3A_838 : memref<1x!tpu.dma_semaphore, #tpu.memory_space<semaphore_mem>> -> memref<!tpu.dma_semaphore, #tpu.memory_space<semaphore_mem>>
      %dma_start3A_840 = arith.constant 99 : i32
      %dma_start3A_841 = arith.constant 0 : i32
      %dma_start3A_842 = tpu.memref_slice %arg4[%dma_start3A_840, %dma_start3A_841] : memref<128x131072xf32, #tpu.memory_space<any>> -> memref<1x131072xf32, #tpu.memory_space<any>>
      tpu.enqueue_dma source(%arg5 : memref<1x131072xf32, #tpu.memory_space<vmem>>) target(%dma_start3A_842 : memref<1x131072xf32, #tpu.memory_space<any>>) target_semaphore(%dma_start3A_839 : memref<!tpu.dma_semaphore, #tpu.memory_space<semaphore_mem>>)
      %dma_start3A_843 = arith.constant 4 : i32
      %dma_start3A_844 = tpu.memref_slice %arg7[%dma_start3A_843] : memref<8x!tpu.dma_semaphore, #tpu.memory_space<semaphore_mem>> -> memref<1x!tpu.dma_semaphore, #tpu.memory_space<semaphore_mem>>
      %dma_start3A_845 = tpu.memref_squeeze %dma_start3A_844 : memref<1x!tpu.dma_semaphore, #tpu.memory_space<semaphore_mem>> -> memref<!tpu.dma_semaphore, #tpu.memory_space<semaphore_mem>>
      %dma_start3A_846 = arith.constant 100 : i32
      %dma_start3A_847 = arith.constant 0 : i32
      %dma_start3A_848 = tpu.memref_slice %arg4[%dma_start3A_846, %dma_start3A_847] : memref<128x131072xf32, #tpu.memory_space<any>> -> memref<1x131072xf32, #tpu.memory_space<any>>
      tpu.enqueue_dma source(%arg5 : memref<1x131072xf32, #tpu.memory_space<vmem>>) target(%dma_start3A_848 : memref<1x131072xf32, #tpu.memory_space<any>>) target_semaphore(%dma_start3A_845 : memref<!tpu.dma_semaphore, #tpu.memory_space<semaphore_mem>>)
      %dma_start3A_849 = arith.constant 5 : i32
      %dma_start3A_850 = tpu.memref_slice %arg7[%dma_start3A_849] : memref<8x!tpu.dma_semaphore, #tpu.memory_space<semaphore_mem>> -> memref<1x!tpu.dma_semaphore, #tpu.memory_space<semaphore_mem>>
      %dma_start3A_851 = tpu.memref_squeeze %dma_start3A_850 : memref<1x!tpu.dma_semaphore, #tpu.memory_space<semaphore_mem>> -> memref<!tpu.dma_semaphore, #tpu.memory_space<semaphore_mem>>
      %dma_start3A_852 = arith.constant 101 : i32
      %dma_start3A_853 = arith.constant 0 : i32
      %dma_start3A_854 = tpu.memref_slice %arg4[%dma_start3A_852, %dma_start3A_853] : memref<128x131072xf32, #tpu.memory_space<any>> -> memref<1x131072xf32, #tpu.memory_space<any>>
      tpu.enqueue_dma source(%arg5 : memref<1x131072xf32, #tpu.memory_space<vmem>>) target(%dma_start3A_854 : memref<1x131072xf32, #tpu.memory_space<any>>) target_semaphore(%dma_start3A_851 : memref<!tpu.dma_semaphore, #tpu.memory_space<semaphore_mem>>)
      %dma_start3A_855 = arith.constant 6 : i32
      %dma_start3A_856 = tpu.memref_slice %arg7[%dma_start3A_855] : memref<8x!tpu.dma_semaphore, #tpu.memory_space<semaphore_mem>> -> memref<1x!tpu.dma_semaphore, #tpu.memory_space<semaphore_mem>>
      %dma_start3A_857 = tpu.memref_squeeze %dma_start3A_856 : memref<1x!tpu.dma_semaphore, #tpu.memory_space<semaphore_mem>> -> memref<!tpu.dma_semaphore, #tpu.memory_space<semaphore_mem>>
      %dma_start3A_858 = arith.constant 102 : i32
      %dma_start3A_859 = arith.constant 0 : i32
      %dma_start3A_860 = tpu.memref_slice %arg4[%dma_start3A_858, %dma_start3A_859] : memref<128x131072xf32, #tpu.memory_space<any>> -> memref<1x131072xf32, #tpu.memory_space<any>>
      tpu.enqueue_dma source(%arg5 : memref<1x131072xf32, #tpu.memory_space<vmem>>) target(%dma_start3A_860 : memref<1x131072xf32, #tpu.memory_space<any>>) target_semaphore(%dma_start3A_857 : memref<!tpu.dma_semaphore, #tpu.memory_space<semaphore_mem>>)
      %dma_start3A_861 = arith.constant 7 : i32
      %dma_start3A_862 = tpu.memref_slice %arg7[%dma_start3A_861] : memref<8x!tpu.dma_semaphore, #tpu.memory_space<semaphore_mem>> -> memref<1x!tpu.dma_semaphore, #tpu.memory_space<semaphore_mem>>
      %dma_start3A_863 = tpu.memref_squeeze %dma_start3A_862 : memref<1x!tpu.dma_semaphore, #tpu.memory_space<semaphore_mem>> -> memref<!tpu.dma_semaphore, #tpu.memory_space<semaphore_mem>>
      %dma_start3A_864 = arith.constant 103 : i32
      %dma_start3A_865 = arith.constant 0 : i32
      %dma_start3A_866 = tpu.memref_slice %arg4[%dma_start3A_864, %dma_start3A_865] : memref<128x131072xf32, #tpu.memory_space<any>> -> memref<1x131072xf32, #tpu.memory_space<any>>
      tpu.enqueue_dma source(%arg5 : memref<1x131072xf32, #tpu.memory_space<vmem>>) target(%dma_start3A_866 : memref<1x131072xf32, #tpu.memory_space<any>>) target_semaphore(%dma_start3A_863 : memref<!tpu.dma_semaphore, #tpu.memory_space<semaphore_mem>>)
      %dma_start3A_867 = arith.constant 0 : i32
      %dma_start3A_868 = tpu.memref_slice %arg7[%dma_start3A_867] : memref<8x!tpu.dma_semaphore, #tpu.memory_space<semaphore_mem>> -> memref<1x!tpu.dma_semaphore, #tpu.memory_space<semaphore_mem>>
      %dma_start3A_869 = tpu.memref_squeeze %dma_start3A_868 : memref<1x!tpu.dma_semaphore, #tpu.memory_space<semaphore_mem>> -> memref<!tpu.dma_semaphore, #tpu.memory_space<semaphore_mem>>
      %dma_start3A_870 = arith.constant 104 : i32
      %dma_start3A_871 = arith.constant 0 : i32
      %dma_start3A_872 = tpu.memref_slice %arg4[%dma_start3A_870, %dma_start3A_871] : memref<128x131072xf32, #tpu.memory_space<any>> -> memref<1x131072xf32, #tpu.memory_space<any>>
      tpu.enqueue_dma source(%arg5 : memref<1x131072xf32, #tpu.memory_space<vmem>>) target(%dma_start3A_872 : memref<1x131072xf32, #tpu.memory_space<any>>) target_semaphore(%dma_start3A_869 : memref<!tpu.dma_semaphore, #tpu.memory_space<semaphore_mem>>)
      %dma_start3A_873 = arith.constant 1 : i32
      %dma_start3A_874 = tpu.memref_slice %arg7[%dma_start3A_873] : memref<8x!tpu.dma_semaphore, #tpu.memory_space<semaphore_mem>> -> memref<1x!tpu.dma_semaphore, #tpu.memory_space<semaphore_mem>>
      %dma_start3A_875 = tpu.memref_squeeze %dma_start3A_874 : memref<1x!tpu.dma_semaphore, #tpu.memory_space<semaphore_mem>> -> memref<!tpu.dma_semaphore, #tpu.memory_space<semaphore_mem>>
      %dma_start3A_876 = arith.constant 105 : i32
      %dma_start3A_877 = arith.constant 0 : i32
      %dma_start3A_878 = tpu.memref_slice %arg4[%dma_start3A_876, %dma_start3A_877] : memref<128x131072xf32, #tpu.memory_space<any>> -> memref<1x131072xf32, #tpu.memory_space<any>>
      tpu.enqueue_dma source(%arg5 : memref<1x131072xf32, #tpu.memory_space<vmem>>) target(%dma_start3A_878 : memref<1x131072xf32, #tpu.memory_space<any>>) target_semaphore(%dma_start3A_875 : memref<!tpu.dma_semaphore, #tpu.memory_space<semaphore_mem>>)
      %dma_start3A_879 = arith.constant 2 : i32
      %dma_start3A_880 = tpu.memref_slice %arg7[%dma_start3A_879] : memref<8x!tpu.dma_semaphore, #tpu.memory_space<semaphore_mem>> -> memref<1x!tpu.dma_semaphore, #tpu.memory_space<semaphore_mem>>
      %dma_start3A_881 = tpu.memref_squeeze %dma_start3A_880 : memref<1x!tpu.dma_semaphore, #tpu.memory_space<semaphore_mem>> -> memref<!tpu.dma_semaphore, #tpu.memory_space<semaphore_mem>>
      %dma_start3A_882 = arith.constant 106 : i32
      %dma_start3A_883 = arith.constant 0 : i32
      %dma_start3A_884 = tpu.memref_slice %arg4[%dma_start3A_882, %dma_start3A_883] : memref<128x131072xf32, #tpu.memory_space<any>> -> memref<1x131072xf32, #tpu.memory_space<any>>
      tpu.enqueue_dma source(%arg5 : memref<1x131072xf32, #tpu.memory_space<vmem>>) target(%dma_start3A_884 : memref<1x131072xf32, #tpu.memory_space<any>>) target_semaphore(%dma_start3A_881 : memref<!tpu.dma_semaphore, #tpu.memory_space<semaphore_mem>>)
      %dma_start3A_885 = arith.constant 3 : i32
      %dma_start3A_886 = tpu.memref_slice %arg7[%dma_start3A_885] : memref<8x!tpu.dma_semaphore, #tpu.memory_space<semaphore_mem>> -> memref<1x!tpu.dma_semaphore, #tpu.memory_space<semaphore_mem>>
      %dma_start3A_887 = tpu.memref_squeeze %dma_start3A_886 : memref<1x!tpu.dma_semaphore, #tpu.memory_space<semaphore_mem>> -> memref<!tpu.dma_semaphore, #tpu.memory_space<semaphore_mem>>
      %dma_start3A_888 = arith.constant 107 : i32
      %dma_start3A_889 = arith.constant 0 : i32
      %dma_start3A_890 = tpu.memref_slice %arg4[%dma_start3A_888, %dma_start3A_889] : memref<128x131072xf32, #tpu.memory_space<any>> -> memref<1x131072xf32, #tpu.memory_space<any>>
      tpu.enqueue_dma source(%arg5 : memref<1x131072xf32, #tpu.memory_space<vmem>>) target(%dma_start3A_890 : memref<1x131072xf32, #tpu.memory_space<any>>) target_semaphore(%dma_start3A_887 : memref<!tpu.dma_semaphore, #tpu.memory_space<semaphore_mem>>)
      %dma_start3A_891 = arith.constant 4 : i32
      %dma_start3A_892 = tpu.memref_slice %arg7[%dma_start3A_891] : memref<8x!tpu.dma_semaphore, #tpu.memory_space<semaphore_mem>> -> memref<1x!tpu.dma_semaphore, #tpu.memory_space<semaphore_mem>>
      %dma_start3A_893 = tpu.memref_squeeze %dma_start3A_892 : memref<1x!tpu.dma_semaphore, #tpu.memory_space<semaphore_mem>> -> memref<!tpu.dma_semaphore, #tpu.memory_space<semaphore_mem>>
      %dma_start3A_894 = arith.constant 108 : i32
      %dma_start3A_895 = arith.constant 0 : i32
      %dma_start3A_896 = tpu.memref_slice %arg4[%dma_start3A_894, %dma_start3A_895] : memref<128x131072xf32, #tpu.memory_space<any>> -> memref<1x131072xf32, #tpu.memory_space<any>>
      tpu.enqueue_dma source(%arg5 : memref<1x131072xf32, #tpu.memory_space<vmem>>) target(%dma_start3A_896 : memref<1x131072xf32, #tpu.memory_space<any>>) target_semaphore(%dma_start3A_893 : memref<!tpu.dma_semaphore, #tpu.memory_space<semaphore_mem>>)
      %dma_start3A_897 = arith.constant 5 : i32
      %dma_start3A_898 = tpu.memref_slice %arg7[%dma_start3A_897] : memref<8x!tpu.dma_semaphore, #tpu.memory_space<semaphore_mem>> -> memref<1x!tpu.dma_semaphore, #tpu.memory_space<semaphore_mem>>
      %dma_start3A_899 = tpu.memref_squeeze %dma_start3A_898 : memref<1x!tpu.dma_semaphore, #tpu.memory_space<semaphore_mem>> -> memref<!tpu.dma_semaphore, #tpu.memory_space<semaphore_mem>>
      %dma_start3A_900 = arith.constant 109 : i32
      %dma_start3A_901 = arith.constant 0 : i32
      %dma_start3A_902 = tpu.memref_slice %arg4[%dma_start3A_900, %dma_start3A_901] : memref<128x131072xf32, #tpu.memory_space<any>> -> memref<1x131072xf32, #tpu.memory_space<any>>
      tpu.enqueue_dma source(%arg5 : memref<1x131072xf32, #tpu.memory_space<vmem>>) target(%dma_start3A_902 : memref<1x131072xf32, #tpu.memory_space<any>>) target_semaphore(%dma_start3A_899 : memref<!tpu.dma_semaphore, #tpu.memory_space<semaphore_mem>>)
      %dma_start3A_903 = arith.constant 6 : i32
      %dma_start3A_904 = tpu.memref_slice %arg7[%dma_start3A_903] : memref<8x!tpu.dma_semaphore, #tpu.memory_space<semaphore_mem>> -> memref<1x!tpu.dma_semaphore, #tpu.memory_space<semaphore_mem>>
      %dma_start3A_905 = tpu.memref_squeeze %dma_start3A_904 : memref<1x!tpu.dma_semaphore, #tpu.memory_space<semaphore_mem>> -> memref<!tpu.dma_semaphore, #tpu.memory_space<semaphore_mem>>
      %dma_start3A_906 = arith.constant 110 : i32
      %dma_start3A_907 = arith.constant 0 : i32
      %dma_start3A_908 = tpu.memref_slice %arg4[%dma_start3A_906, %dma_start3A_907] : memref<128x131072xf32, #tpu.memory_space<any>> -> memref<1x131072xf32, #tpu.memory_space<any>>
      tpu.enqueue_dma source(%arg5 : memref<1x131072xf32, #tpu.memory_space<vmem>>) target(%dma_start3A_908 : memref<1x131072xf32, #tpu.memory_space<any>>) target_semaphore(%dma_start3A_905 : memref<!tpu.dma_semaphore, #tpu.memory_space<semaphore_mem>>)
      %dma_start3A_909 = arith.constant 7 : i32
      %dma_start3A_910 = tpu.memref_slice %arg7[%dma_start3A_909] : memref<8x!tpu.dma_semaphore, #tpu.memory_space<semaphore_mem>> -> memref<1x!tpu.dma_semaphore, #tpu.memory_space<semaphore_mem>>
      %dma_start3A_911 = tpu.memref_squeeze %dma_start3A_910 : memref<1x!tpu.dma_semaphore, #tpu.memory_space<semaphore_mem>> -> memref<!tpu.dma_semaphore, #tpu.memory_space<semaphore_mem>>
      %dma_start3A_912 = arith.constant 111 : i32
      %dma_start3A_913 = arith.constant 0 : i32
      %dma_start3A_914 = tpu.memref_slice %arg4[%dma_start3A_912, %dma_start3A_913] : memref<128x131072xf32, #tpu.memory_space<any>> -> memref<1x131072xf32, #tpu.memory_space<any>>
      tpu.enqueue_dma source(%arg5 : memref<1x131072xf32, #tpu.memory_space<vmem>>) target(%dma_start3A_914 : memref<1x131072xf32, #tpu.memory_space<any>>) target_semaphore(%dma_start3A_911 : memref<!tpu.dma_semaphore, #tpu.memory_space<semaphore_mem>>)
      %dma_start3A_915 = arith.constant 0 : i32
      %dma_start3A_916 = tpu.memref_slice %arg7[%dma_start3A_915] : memref<8x!tpu.dma_semaphore, #tpu.memory_space<semaphore_mem>> -> memref<1x!tpu.dma_semaphore, #tpu.memory_space<semaphore_mem>>
      %dma_start3A_917 = tpu.memref_squeeze %dma_start3A_916 : memref<1x!tpu.dma_semaphore, #tpu.memory_space<semaphore_mem>> -> memref<!tpu.dma_semaphore, #tpu.memory_space<semaphore_mem>>
      %dma_start3A_918 = arith.constant 112 : i32
      %dma_start3A_919 = arith.constant 0 : i32
      %dma_start3A_920 = tpu.memref_slice %arg4[%dma_start3A_918, %dma_start3A_919] : memref<128x131072xf32, #tpu.memory_space<any>> -> memref<1x131072xf32, #tpu.memory_space<any>>
      tpu.enqueue_dma source(%arg5 : memref<1x131072xf32, #tpu.memory_space<vmem>>) target(%dma_start3A_920 : memref<1x131072xf32, #tpu.memory_space<any>>) target_semaphore(%dma_start3A_917 : memref<!tpu.dma_semaphore, #tpu.memory_space<semaphore_mem>>)
      %dma_start3A_921 = arith.constant 1 : i32
      %dma_start3A_922 = tpu.memref_slice %arg7[%dma_start3A_921] : memref<8x!tpu.dma_semaphore, #tpu.memory_space<semaphore_mem>> -> memref<1x!tpu.dma_semaphore, #tpu.memory_space<semaphore_mem>>
      %dma_start3A_923 = tpu.memref_squeeze %dma_start3A_922 : memref<1x!tpu.dma_semaphore, #tpu.memory_space<semaphore_mem>> -> memref<!tpu.dma_semaphore, #tpu.memory_space<semaphore_mem>>
      %dma_start3A_924 = arith.constant 113 : i32
      %dma_start3A_925 = arith.constant 0 : i32
      %dma_start3A_926 = tpu.memref_slice %arg4[%dma_start3A_924, %dma_start3A_925] : memref<128x131072xf32, #tpu.memory_space<any>> -> memref<1x131072xf32, #tpu.memory_space<any>>
      tpu.enqueue_dma source(%arg5 : memref<1x131072xf32, #tpu.memory_space<vmem>>) target(%dma_start3A_926 : memref<1x131072xf32, #tpu.memory_space<any>>) target_semaphore(%dma_start3A_923 : memref<!tpu.dma_semaphore, #tpu.memory_space<semaphore_mem>>)
      %dma_start3A_927 = arith.constant 2 : i32
      %dma_start3A_928 = tpu.memref_slice %arg7[%dma_start3A_927] : memref<8x!tpu.dma_semaphore, #tpu.memory_space<semaphore_mem>> -> memref<1x!tpu.dma_semaphore, #tpu.memory_space<semaphore_mem>>
      %dma_start3A_929 = tpu.memref_squeeze %dma_start3A_928 : memref<1x!tpu.dma_semaphore, #tpu.memory_space<semaphore_mem>> -> memref<!tpu.dma_semaphore, #tpu.memory_space<semaphore_mem>>
      %dma_start3A_930 = arith.constant 114 : i32
      %dma_start3A_931 = arith.constant 0 : i32
      %dma_start3A_932 = tpu.memref_slice %arg4[%dma_start3A_930, %dma_start3A_931] : memref<128x131072xf32, #tpu.memory_space<any>> -> memref<1x131072xf32, #tpu.memory_space<any>>
      tpu.enqueue_dma source(%arg5 : memref<1x131072xf32, #tpu.memory_space<vmem>>) target(%dma_start3A_932 : memref<1x131072xf32, #tpu.memory_space<any>>) target_semaphore(%dma_start3A_929 : memref<!tpu.dma_semaphore, #tpu.memory_space<semaphore_mem>>)
      %dma_start3A_933 = arith.constant 3 : i32
      %dma_start3A_934 = tpu.memref_slice %arg7[%dma_start3A_933] : memref<8x!tpu.dma_semaphore, #tpu.memory_space<semaphore_mem>> -> memref<1x!tpu.dma_semaphore, #tpu.memory_space<semaphore_mem>>
      %dma_start3A_935 = tpu.memref_squeeze %dma_start3A_934 : memref<1x!tpu.dma_semaphore, #tpu.memory_space<semaphore_mem>> -> memref<!tpu.dma_semaphore, #tpu.memory_space<semaphore_mem>>
      %dma_start3A_936 = arith.constant 115 : i32
      %dma_start3A_937 = arith.constant 0 : i32
      %dma_start3A_938 = tpu.memref_slice %arg4[%dma_start3A_936, %dma_start3A_937] : memref<128x131072xf32, #tpu.memory_space<any>> -> memref<1x131072xf32, #tpu.memory_space<any>>
      tpu.enqueue_dma source(%arg5 : memref<1x131072xf32, #tpu.memory_space<vmem>>) target(%dma_start3A_938 : memref<1x131072xf32, #tpu.memory_space<any>>) target_semaphore(%dma_start3A_935 : memref<!tpu.dma_semaphore, #tpu.memory_space<semaphore_mem>>)
      %dma_start3A_939 = arith.constant 4 : i32
      %dma_start3A_940 = tpu.memref_slice %arg7[%dma_start3A_939] : memref<8x!tpu.dma_semaphore, #tpu.memory_space<semaphore_mem>> -> memref<1x!tpu.dma_semaphore, #tpu.memory_space<semaphore_mem>>
      %dma_start3A_941 = tpu.memref_squeeze %dma_start3A_940 : memref<1x!tpu.dma_semaphore, #tpu.memory_space<semaphore_mem>> -> memref<!tpu.dma_semaphore, #tpu.memory_space<semaphore_mem>>
      %dma_start3A_942 = arith.constant 116 : i32
      %dma_start3A_943 = arith.constant 0 : i32
      %dma_start3A_944 = tpu.memref_slice %arg4[%dma_start3A_942, %dma_start3A_943] : memref<128x131072xf32, #tpu.memory_space<any>> -> memref<1x131072xf32, #tpu.memory_space<any>>
      tpu.enqueue_dma source(%arg5 : memref<1x131072xf32, #tpu.memory_space<vmem>>) target(%dma_start3A_944 : memref<1x131072xf32, #tpu.memory_space<any>>) target_semaphore(%dma_start3A_941 : memref<!tpu.dma_semaphore, #tpu.memory_space<semaphore_mem>>)
      %dma_start3A_945 = arith.constant 5 : i32
      %dma_start3A_946 = tpu.memref_slice %arg7[%dma_start3A_945] : memref<8x!tpu.dma_semaphore, #tpu.memory_space<semaphore_mem>> -> memref<1x!tpu.dma_semaphore, #tpu.memory_space<semaphore_mem>>
      %dma_start3A_947 = tpu.memref_squeeze %dma_start3A_946 : memref<1x!tpu.dma_semaphore, #tpu.memory_space<semaphore_mem>> -> memref<!tpu.dma_semaphore, #tpu.memory_space<semaphore_mem>>
      %dma_start3A_948 = arith.constant 117 : i32
      %dma_start3A_949 = arith.constant 0 : i32
      %dma_start3A_950 = tpu.memref_slice %arg4[%dma_start3A_948, %dma_start3A_949] : memref<128x131072xf32, #tpu.memory_space<any>> -> memref<1x131072xf32, #tpu.memory_space<any>>
      tpu.enqueue_dma source(%arg5 : memref<1x131072xf32, #tpu.memory_space<vmem>>) target(%dma_start3A_950 : memref<1x131072xf32, #tpu.memory_space<any>>) target_semaphore(%dma_start3A_947 : memref<!tpu.dma_semaphore, #tpu.memory_space<semaphore_mem>>)
      %dma_start3A_951 = arith.constant 6 : i32
      %dma_start3A_952 = tpu.memref_slice %arg7[%dma_start3A_951] : memref<8x!tpu.dma_semaphore, #tpu.memory_space<semaphore_mem>> -> memref<1x!tpu.dma_semaphore, #tpu.memory_space<semaphore_mem>>
      %dma_start3A_953 = tpu.memref_squeeze %dma_start3A_952 : memref<1x!tpu.dma_semaphore, #tpu.memory_space<semaphore_mem>> -> memref<!tpu.dma_semaphore, #tpu.memory_space<semaphore_mem>>
      %dma_start3A_954 = arith.constant 118 : i32
      %dma_start3A_955 = arith.constant 0 : i32
      %dma_start3A_956 = tpu.memref_slice %arg4[%dma_start3A_954, %dma_start3A_955] : memref<128x131072xf32, #tpu.memory_space<any>> -> memref<1x131072xf32, #tpu.memory_space<any>>
      tpu.enqueue_dma source(%arg5 : memref<1x131072xf32, #tpu.memory_space<vmem>>) target(%dma_start3A_956 : memref<1x131072xf32, #tpu.memory_space<any>>) target_semaphore(%dma_start3A_953 : memref<!tpu.dma_semaphore, #tpu.memory_space<semaphore_mem>>)
      %dma_start3A_957 = arith.constant 7 : i32
      %dma_start3A_958 = tpu.memref_slice %arg7[%dma_start3A_957] : memref<8x!tpu.dma_semaphore, #tpu.memory_space<semaphore_mem>> -> memref<1x!tpu.dma_semaphore, #tpu.memory_space<semaphore_mem>>
      %dma_start3A_959 = tpu.memref_squeeze %dma_start3A_958 : memref<1x!tpu.dma_semaphore, #tpu.memory_space<semaphore_mem>> -> memref<!tpu.dma_semaphore, #tpu.memory_space<semaphore_mem>>
      %dma_start3A_960 = arith.constant 119 : i32
      %dma_start3A_961 = arith.constant 0 : i32
      %dma_start3A_962 = tpu.memref_slice %arg4[%dma_start3A_960, %dma_start3A_961] : memref<128x131072xf32, #tpu.memory_space<any>> -> memref<1x131072xf32, #tpu.memory_space<any>>
      tpu.enqueue_dma source(%arg5 : memref<1x131072xf32, #tpu.memory_space<vmem>>) target(%dma_start3A_962 : memref<1x131072xf32, #tpu.memory_space<any>>) target_semaphore(%dma_start3A_959 : memref<!tpu.dma_semaphore, #tpu.memory_space<semaphore_mem>>)
      %dma_start3A_963 = arith.constant 0 : i32
      %dma_start3A_964 = tpu.memref_slice %arg7[%dma_start3A_963] : memref<8x!tpu.dma_semaphore, #tpu.memory_space<semaphore_mem>> -> memref<1x!tpu.dma_semaphore, #tpu.memory_space<semaphore_mem>>
      %dma_start3A_965 = tpu.memref_squeeze %dma_start3A_964 : memref<1x!tpu.dma_semaphore, #tpu.memory_space<semaphore_mem>> -> memref<!tpu.dma_semaphore, #tpu.memory_space<semaphore_mem>>
      %dma_start3A_966 = arith.constant 120 : i32
      %dma_start3A_967 = arith.constant 0 : i32
      %dma_start3A_968 = tpu.memref_slice %arg4[%dma_start3A_966, %dma_start3A_967] : memref<128x131072xf32, #tpu.memory_space<any>> -> memref<1x131072xf32, #tpu.memory_space<any>>
      tpu.enqueue_dma source(%arg5 : memref<1x131072xf32, #tpu.memory_space<vmem>>) target(%dma_start3A_968 : memref<1x131072xf32, #tpu.memory_space<any>>) target_semaphore(%dma_start3A_965 : memref<!tpu.dma_semaphore, #tpu.memory_space<semaphore_mem>>)
      %dma_start3A_969 = arith.constant 1 : i32
      %dma_start3A_970 = tpu.memref_slice %arg7[%dma_start3A_969] : memref<8x!tpu.dma_semaphore, #tpu.memory_space<semaphore_mem>> -> memref<1x!tpu.dma_semaphore, #tpu.memory_space<semaphore_mem>>
      %dma_start3A_971 = tpu.memref_squeeze %dma_start3A_970 : memref<1x!tpu.dma_semaphore, #tpu.memory_space<semaphore_mem>> -> memref<!tpu.dma_semaphore, #tpu.memory_space<semaphore_mem>>
      %dma_start3A_972 = arith.constant 121 : i32
      %dma_start3A_973 = arith.constant 0 : i32
      %dma_start3A_974 = tpu.memref_slice %arg4[%dma_start3A_972, %dma_start3A_973] : memref<128x131072xf32, #tpu.memory_space<any>> -> memref<1x131072xf32, #tpu.memory_space<any>>
      tpu.enqueue_dma source(%arg5 : memref<1x131072xf32, #tpu.memory_space<vmem>>) target(%dma_start3A_974 : memref<1x131072xf32, #tpu.memory_space<any>>) target_semaphore(%dma_start3A_971 : memref<!tpu.dma_semaphore, #tpu.memory_space<semaphore_mem>>)
      %dma_start3A_975 = arith.constant 2 : i32
      %dma_start3A_976 = tpu.memref_slice %arg7[%dma_start3A_975] : memref<8x!tpu.dma_semaphore, #tpu.memory_space<semaphore_mem>> -> memref<1x!tpu.dma_semaphore, #tpu.memory_space<semaphore_mem>>
      %dma_start3A_977 = tpu.memref_squeeze %dma_start3A_976 : memref<1x!tpu.dma_semaphore, #tpu.memory_space<semaphore_mem>> -> memref<!tpu.dma_semaphore, #tpu.memory_space<semaphore_mem>>
      %dma_start3A_978 = arith.constant 122 : i32
      %dma_start3A_979 = arith.constant 0 : i32
      %dma_start3A_980 = tpu.memref_slice %arg4[%dma_start3A_978, %dma_start3A_979] : memref<128x131072xf32, #tpu.memory_space<any>> -> memref<1x131072xf32, #tpu.memory_space<any>>
      tpu.enqueue_dma source(%arg5 : memref<1x131072xf32, #tpu.memory_space<vmem>>) target(%dma_start3A_980 : memref<1x131072xf32, #tpu.memory_space<any>>) target_semaphore(%dma_start3A_977 : memref<!tpu.dma_semaphore, #tpu.memory_space<semaphore_mem>>)
      %dma_start3A_981 = arith.constant 3 : i32
      %dma_start3A_982 = tpu.memref_slice %arg7[%dma_start3A_981] : memref<8x!tpu.dma_semaphore, #tpu.memory_space<semaphore_mem>> -> memref<1x!tpu.dma_semaphore, #tpu.memory_space<semaphore_mem>>
      %dma_start3A_983 = tpu.memref_squeeze %dma_start3A_982 : memref<1x!tpu.dma_semaphore, #tpu.memory_space<semaphore_mem>> -> memref<!tpu.dma_semaphore, #tpu.memory_space<semaphore_mem>>
      %dma_start3A_984 = arith.constant 123 : i32
      %dma_start3A_985 = arith.constant 0 : i32
      %dma_start3A_986 = tpu.memref_slice %arg4[%dma_start3A_984, %dma_start3A_985] : memref<128x131072xf32, #tpu.memory_space<any>> -> memref<1x131072xf32, #tpu.memory_space<any>>
      tpu.enqueue_dma source(%arg5 : memref<1x131072xf32, #tpu.memory_space<vmem>>) target(%dma_start3A_986 : memref<1x131072xf32, #tpu.memory_space<any>>) target_semaphore(%dma_start3A_983 : memref<!tpu.dma_semaphore, #tpu.memory_space<semaphore_mem>>)
      %dma_start3A_987 = arith.constant 4 : i32
      %dma_start3A_988 = tpu.memref_slice %arg7[%dma_start3A_987] : memref<8x!tpu.dma_semaphore, #tpu.memory_space<semaphore_mem>> -> memref<1x!tpu.dma_semaphore, #tpu.memory_space<semaphore_mem>>
      %dma_start3A_989 = tpu.memref_squeeze %dma_start3A_988 : memref<1x!tpu.dma_semaphore, #tpu.memory_space<semaphore_mem>> -> memref<!tpu.dma_semaphore, #tpu.memory_space<semaphore_mem>>
      %dma_start3A_990 = arith.constant 124 : i32
      %dma_start3A_991 = arith.constant 0 : i32
      %dma_start3A_992 = tpu.memref_slice %arg4[%dma_start3A_990, %dma_start3A_991] : memref<128x131072xf32, #tpu.memory_space<any>> -> memref<1x131072xf32, #tpu.memory_space<any>>
      tpu.enqueue_dma source(%arg5 : memref<1x131072xf32, #tpu.memory_space<vmem>>) target(%dma_start3A_992 : memref<1x131072xf32, #tpu.memory_space<any>>) target_semaphore(%dma_start3A_989 : memref<!tpu.dma_semaphore, #tpu.memory_space<semaphore_mem>>)
      %dma_start3A_993 = arith.constant 5 : i32
      %dma_start3A_994 = tpu.memref_slice %arg7[%dma_start3A_993] : memref<8x!tpu.dma_semaphore, #tpu.memory_space<semaphore_mem>> -> memref<1x!tpu.dma_semaphore, #tpu.memory_space<semaphore_mem>>
      %dma_start3A_995 = tpu.memref_squeeze %dma_start3A_994 : memref<1x!tpu.dma_semaphore, #tpu.memory_space<semaphore_mem>> -> memref<!tpu.dma_semaphore, #tpu.memory_space<semaphore_mem>>
      %dma_start3A_996 = arith.constant 125 : i32
      %dma_start3A_997 = arith.constant 0 : i32
      %dma_start3A_998 = tpu.memref_slice %arg4[%dma_start3A_996, %dma_start3A_997] : memref<128x131072xf32, #tpu.memory_space<any>> -> memref<1x131072xf32, #tpu.memory_space<any>>
      tpu.enqueue_dma source(%arg5 : memref<1x131072xf32, #tpu.memory_space<vmem>>) target(%dma_start3A_998 : memref<1x131072xf32, #tpu.memory_space<any>>) target_semaphore(%dma_start3A_995 : memref<!tpu.dma_semaphore, #tpu.memory_space<semaphore_mem>>)
      %dma_start3A_999 = arith.constant 6 : i32
      %dma_start3A_1000 = tpu.memref_slice %arg7[%dma_start3A_999] : memref<8x!tpu.dma_semaphore, #tpu.memory_space<semaphore_mem>> -> memref<1x!tpu.dma_semaphore, #tpu.memory_space<semaphore_mem>>
      %dma_start3A_1001 = tpu.memref_squeeze %dma_start3A_1000 : memref<1x!tpu.dma_semaphore, #tpu.memory_space<semaphore_mem>> -> memref<!tpu.dma_semaphore, #tpu.memory_space<semaphore_mem>>
      %dma_start3A_1002 = arith.constant 126 : i32
      %dma_start3A_1003 = arith.constant 0 : i32
      %dma_start3A_1004 = tpu.memref_slice %arg4[%dma_start3A_1002, %dma_start3A_1003] : memref<128x131072xf32, #tpu.memory_space<any>> -> memref<1x131072xf32, #tpu.memory_space<any>>
      tpu.enqueue_dma source(%arg5 : memref<1x131072xf32, #tpu.memory_space<vmem>>) target(%dma_start3A_1004 : memref<1x131072xf32, #tpu.memory_space<any>>) target_semaphore(%dma_start3A_1001 : memref<!tpu.dma_semaphore, #tpu.memory_space<semaphore_mem>>)
      %dma_start3A_1005 = arith.constant 7 : i32
      %dma_start3A_1006 = tpu.memref_slice %arg7[%dma_start3A_1005] : memref<8x!tpu.dma_semaphore, #tpu.memory_space<semaphore_mem>> -> memref<1x!tpu.dma_semaphore, #tpu.memory_space<semaphore_mem>>
      %dma_start3A_1007 = tpu.memref_squeeze %dma_start3A_1006 : memref<1x!tpu.dma_semaphore, #tpu.memory_space<semaphore_mem>> -> memref<!tpu.dma_semaphore, #tpu.memory_space<semaphore_mem>>
      %dma_start3A_1008 = arith.constant 127 : i32
      %dma_start3A_1009 = arith.constant 0 : i32
      %dma_start3A_1010 = tpu.memref_slice %arg4[%dma_start3A_1008, %dma_start3A_1009] : memref<128x131072xf32, #tpu.memory_space<any>> -> memref<1x131072xf32, #tpu.memory_space<any>>
      tpu.enqueue_dma source(%arg5 : memref<1x131072xf32, #tpu.memory_space<vmem>>) target(%dma_start3A_1010 : memref<1x131072xf32, #tpu.memory_space<any>>) target_semaphore(%dma_start3A_1007 : memref<!tpu.dma_semaphore, #tpu.memory_space<semaphore_mem>>)
    } else {
    }
    %iota3A = tpu.iota {dimensions = array<i32: 0>} : vector<128x512xi32>
    %iota3A_2 = tpu.iota {dimensions = array<i32: 1>} : vector<128x512xi32>
    %mul3A = arith.constant 512 : i32
    %mul3A_3 = arith.muli %mul3A, %arg0 : i32
    %add3A = vector.broadcast %mul3A_3 : i32 to vector<128x512xi32>
    %add3A_4 = arith.addi %iota3A_2, %add3A : vector<128x512xi32>
    %mul3A_5 = arith.constant 16384 : i32
    %mul3A_6 = vector.broadcast %mul3A_5 : i32 to vector<128x512xi32>
    %mul3A_7 = arith.muli %iota3A, %mul3A_6 : vector<128x512xi32>
    %add3A_8 = arith.addi %mul3A_7, %add3A_4 : vector<128x512xi32>
    %broadcast_in_dim3A = arith.constant 928981903 : i32
    %broadcast_in_dim3A_9 = vector.broadcast %broadcast_in_dim3A : i32 to vector<128x512xi32>
    %add3A_10 = arith.constant -841280227 : i32
    %add3A_11 = vector.broadcast %add3A_10 : i32 to vector<128x512xi32>
    %add3A_12 = arith.addi %add3A_8, %add3A_11 : vector<128x512xi32>
    %add3A_13 = arith.addi %broadcast_in_dim3A_9, %add3A_12 : vector<128x512xi32>
    %shift_left3A = arith.constant 13 : i32
    %shift_left3A_14 = vector.broadcast %shift_left3A : i32 to vector<128x512xi32>
    %shift_left3A_15 = arith.shli %add3A_12, %shift_left3A_14 : vector<128x512xi32>
    %shift_right_logical3A = arith.constant 19 : i32
    %shift_right_logical3A_16 = vector.broadcast %shift_right_logical3A : i32 to vector<128x512xi32>
    %shift_right_logical3A_17 = arith.shrui %add3A_12, %shift_right_logical3A_16 : vector<128x512xi32>
    %or3A = arith.ori %shift_left3A_15, %shift_right_logical3A_17 : vector<128x512xi32>
    %xor3A = arith.xori %add3A_13, %or3A : vector<128x512xi32>
    %add3A_18 = arith.addi %add3A_13, %xor3A : vector<128x512xi32>
    %shift_left3A_19 = arith.constant 15 : i32
    %shift_left3A_20 = vector.broadcast %shift_left3A_19 : i32 to vector<128x512xi32>
    %shift_left3A_21 = arith.shli %xor3A, %shift_left3A_20 : vector<128x512xi32>
    %shift_right_logical3A_22 = arith.constant 17 : i32
    %shift_right_logical3A_23 = vector.broadcast %shift_right_logical3A_22 : i32 to vector<128x512xi32>
    %shift_right_logical3A_24 = arith.shrui %xor3A, %shift_right_logical3A_23 : vector<128x512xi32>
    %or3A_25 = arith.ori %shift_left3A_21, %shift_right_logical3A_24 : vector<128x512xi32>
    %xor3A_26 = arith.xori %add3A_18, %or3A_25 : vector<128x512xi32>
    %add3A_27 = arith.addi %add3A_18, %xor3A_26 : vector<128x512xi32>
    %shift_left3A_28 = arith.constant 26 : i32
    %shift_left3A_29 = vector.broadcast %shift_left3A_28 : i32 to vector<128x512xi32>
    %shift_left3A_30 = arith.shli %xor3A_26, %shift_left3A_29 : vector<128x512xi32>
    %shift_right_logical3A_31 = arith.constant 6 : i32
    %shift_right_logical3A_32 = vector.broadcast %shift_right_logical3A_31 : i32 to vector<128x512xi32>
    %shift_right_logical3A_33 = arith.shrui %xor3A_26, %shift_right_logical3A_32 : vector<128x512xi32>
    %or3A_34 = arith.ori %shift_left3A_30, %shift_right_logical3A_33 : vector<128x512xi32>
    %xor3A_35 = arith.xori %add3A_27, %or3A_34 : vector<128x512xi32>
    %add3A_36 = arith.addi %add3A_27, %xor3A_35 : vector<128x512xi32>
    %shift_left3A_37 = arith.constant 6 : i32
    %shift_left3A_38 = vector.broadcast %shift_left3A_37 : i32 to vector<128x512xi32>
    %shift_left3A_39 = arith.shli %xor3A_35, %shift_left3A_38 : vector<128x512xi32>
    %shift_right_logical3A_40 = arith.constant 26 : i32
    %shift_right_logical3A_41 = vector.broadcast %shift_right_logical3A_40 : i32 to vector<128x512xi32>
    %shift_right_logical3A_42 = arith.shrui %xor3A_35, %shift_right_logical3A_41 : vector<128x512xi32>
    %or3A_43 = arith.ori %shift_left3A_39, %shift_right_logical3A_42 : vector<128x512xi32>
    %xor3A_44 = arith.xori %add3A_36, %or3A_43 : vector<128x512xi32>
    %add3A_45 = arith.constant -841280227 : i32
    %add3A_46 = vector.broadcast %add3A_45 : i32 to vector<128x512xi32>
    %add3A_47 = arith.addi %add3A_36, %add3A_46 : vector<128x512xi32>
    %add3A_48 = arith.constant -514511544 : i32
    %add3A_49 = vector.broadcast %add3A_48 : i32 to vector<128x512xi32>
    %add3A_50 = arith.addi %xor3A_44, %add3A_49 : vector<128x512xi32>
    %add3A_51 = arith.constant 1 : i32
    %add3A_52 = vector.broadcast %add3A_51 : i32 to vector<128x512xi32>
    %add3A_53 = arith.addi %add3A_50, %add3A_52 : vector<128x512xi32>
    %add3A_54 = arith.addi %add3A_47, %add3A_53 : vector<128x512xi32>
    %shift_left3A_55 = arith.constant 17 : i32
    %shift_left3A_56 = vector.broadcast %shift_left3A_55 : i32 to vector<128x512xi32>
    %shift_left3A_57 = arith.shli %add3A_53, %shift_left3A_56 : vector<128x512xi32>
    %shift_right_logical3A_58 = arith.constant 15 : i32
    %shift_right_logical3A_59 = vector.broadcast %shift_right_logical3A_58 : i32 to vector<128x512xi32>
    %shift_right_logical3A_60 = arith.shrui %add3A_53, %shift_right_logical3A_59 : vector<128x512xi32>
    %or3A_61 = arith.ori %shift_left3A_57, %shift_right_logical3A_60 : vector<128x512xi32>
    %xor3A_62 = arith.xori %add3A_54, %or3A_61 : vector<128x512xi32>
    %add3A_63 = arith.addi %add3A_54, %xor3A_62 : vector<128x512xi32>
    %shift_left3A_64 = arith.constant 29 : i32
    %shift_left3A_65 = vector.broadcast %shift_left3A_64 : i32 to vector<128x512xi32>
    %shift_left3A_66 = arith.shli %xor3A_62, %shift_left3A_65 : vector<128x512xi32>
    %shift_right_logical3A_67 = arith.constant 3 : i32
    %shift_right_logical3A_68 = vector.broadcast %shift_right_logical3A_67 : i32 to vector<128x512xi32>
    %shift_right_logical3A_69 = arith.shrui %xor3A_62, %shift_right_logical3A_68 : vector<128x512xi32>
    %or3A_70 = arith.ori %shift_left3A_66, %shift_right_logical3A_69 : vector<128x512xi32>
    %xor3A_71 = arith.xori %add3A_63, %or3A_70 : vector<128x512xi32>
    %add3A_72 = arith.addi %add3A_63, %xor3A_71 : vector<128x512xi32>
    %shift_left3A_73 = arith.constant 16 : i32
    %shift_left3A_74 = vector.broadcast %shift_left3A_73 : i32 to vector<128x512xi32>
    %shift_left3A_75 = arith.shli %xor3A_71, %shift_left3A_74 : vector<128x512xi32>
    %shift_right_logical3A_76 = arith.constant 16 : i32
    %shift_right_logical3A_77 = vector.broadcast %shift_right_logical3A_76 : i32 to vector<128x512xi32>
    %shift_right_logical3A_78 = arith.shrui %xor3A_71, %shift_right_logical3A_77 : vector<128x512xi32>
    %or3A_79 = arith.ori %shift_left3A_75, %shift_right_logical3A_78 : vector<128x512xi32>
    %xor3A_80 = arith.xori %add3A_72, %or3A_79 : vector<128x512xi32>
    %add3A_81 = arith.addi %add3A_72, %xor3A_80 : vector<128x512xi32>
    %shift_left3A_82 = arith.constant 24 : i32
    %shift_left3A_83 = vector.broadcast %shift_left3A_82 : i32 to vector<128x512xi32>
    %shift_left3A_84 = arith.shli %xor3A_80, %shift_left3A_83 : vector<128x512xi32>
    %shift_right_logical3A_85 = arith.constant 8 : i32
    %shift_right_logical3A_86 = vector.broadcast %shift_right_logical3A_85 : i32 to vector<128x512xi32>
    %shift_right_logical3A_87 = arith.shrui %xor3A_80, %shift_right_logical3A_86 : vector<128x512xi32>
    %or3A_88 = arith.ori %shift_left3A_84, %shift_right_logical3A_87 : vector<128x512xi32>
    %xor3A_89 = arith.xori %add3A_81, %or3A_88 : vector<128x512xi32>
    %add3A_90 = arith.constant -514511544 : i32
    %add3A_91 = vector.broadcast %add3A_90 : i32 to vector<128x512xi32>
    %add3A_92 = arith.addi %add3A_81, %add3A_91 : vector<128x512xi32>
    %add3A_93 = arith.constant 928981903 : i32
    %add3A_94 = vector.broadcast %add3A_93 : i32 to vector<128x512xi32>
    %add3A_95 = arith.addi %xor3A_89, %add3A_94 : vector<128x512xi32>
    %add3A_96 = arith.constant 2 : i32
    %add3A_97 = vector.broadcast %add3A_96 : i32 to vector<128x512xi32>
    %add3A_98 = arith.addi %add3A_95, %add3A_97 : vector<128x512xi32>
    %add3A_99 = arith.addi %add3A_92, %add3A_98 : vector<128x512xi32>
    %shift_left3A_100 = arith.constant 13 : i32
    %shift_left3A_101 = vector.broadcast %shift_left3A_100 : i32 to vector<128x512xi32>
    %shift_left3A_102 = arith.shli %add3A_98, %shift_left3A_101 : vector<128x512xi32>
    %shift_right_logical3A_103 = arith.constant 19 : i32
    %shift_right_logical3A_104 = vector.broadcast %shift_right_logical3A_103 : i32 to vector<128x512xi32>
    %shift_right_logical3A_105 = arith.shrui %add3A_98, %shift_right_logical3A_104 : vector<128x512xi32>
    %or3A_106 = arith.ori %shift_left3A_102, %shift_right_logical3A_105 : vector<128x512xi32>
    %xor3A_107 = arith.xori %add3A_99, %or3A_106 : vector<128x512xi32>
    %add3A_108 = arith.addi %add3A_99, %xor3A_107 : vector<128x512xi32>
    %shift_left3A_109 = arith.constant 15 : i32
    %shift_left3A_110 = vector.broadcast %shift_left3A_109 : i32 to vector<128x512xi32>
    %shift_left3A_111 = arith.shli %xor3A_107, %shift_left3A_110 : vector<128x512xi32>
    %shift_right_logical3A_112 = arith.constant 17 : i32
    %shift_right_logical3A_113 = vector.broadcast %shift_right_logical3A_112 : i32 to vector<128x512xi32>
    %shift_right_logical3A_114 = arith.shrui %xor3A_107, %shift_right_logical3A_113 : vector<128x512xi32>
    %or3A_115 = arith.ori %shift_left3A_111, %shift_right_logical3A_114 : vector<128x512xi32>
    %xor3A_116 = arith.xori %add3A_108, %or3A_115 : vector<128x512xi32>
    %add3A_117 = arith.addi %add3A_108, %xor3A_116 : vector<128x512xi32>
    %shift_left3A_118 = arith.constant 26 : i32
    %shift_left3A_119 = vector.broadcast %shift_left3A_118 : i32 to vector<128x512xi32>
    %shift_left3A_120 = arith.shli %xor3A_116, %shift_left3A_119 : vector<128x512xi32>
    %shift_right_logical3A_121 = arith.constant 6 : i32
    %shift_right_logical3A_122 = vector.broadcast %shift_right_logical3A_121 : i32 to vector<128x512xi32>
    %shift_right_logical3A_123 = arith.shrui %xor3A_116, %shift_right_logical3A_122 : vector<128x512xi32>
    %or3A_124 = arith.ori %shift_left3A_120, %shift_right_logical3A_123 : vector<128x512xi32>
    %xor3A_125 = arith.xori %add3A_117, %or3A_124 : vector<128x512xi32>
    %add3A_126 = arith.addi %add3A_117, %xor3A_125 : vector<128x512xi32>
    %shift_left3A_127 = arith.constant 6 : i32
    %shift_left3A_128 = vector.broadcast %shift_left3A_127 : i32 to vector<128x512xi32>
    %shift_left3A_129 = arith.shli %xor3A_125, %shift_left3A_128 : vector<128x512xi32>
    %shift_right_logical3A_130 = arith.constant 26 : i32
    %shift_right_logical3A_131 = vector.broadcast %shift_right_logical3A_130 : i32 to vector<128x512xi32>
    %shift_right_logical3A_132 = arith.shrui %xor3A_125, %shift_right_logical3A_131 : vector<128x512xi32>
    %or3A_133 = arith.ori %shift_left3A_129, %shift_right_logical3A_132 : vector<128x512xi32>
    %xor3A_134 = arith.xori %add3A_126, %or3A_133 : vector<128x512xi32>
    %add3A_135 = arith.constant 928981903 : i32
    %add3A_136 = vector.broadcast %add3A_135 : i32 to vector<128x512xi32>
    %add3A_137 = arith.addi %add3A_126, %add3A_136 : vector<128x512xi32>
    %add3A_138 = arith.constant -841280227 : i32
    %add3A_139 = vector.broadcast %add3A_138 : i32 to vector<128x512xi32>
    %add3A_140 = arith.addi %xor3A_134, %add3A_139 : vector<128x512xi32>
    %add3A_141 = arith.constant 3 : i32
    %add3A_142 = vector.broadcast %add3A_141 : i32 to vector<128x512xi32>
    %add3A_143 = arith.addi %add3A_140, %add3A_142 : vector<128x512xi32>
    %add3A_144 = arith.addi %add3A_137, %add3A_143 : vector<128x512xi32>
    %shift_left3A_145 = arith.constant 17 : i32
    %shift_left3A_146 = vector.broadcast %shift_left3A_145 : i32 to vector<128x512xi32>
    %shift_left3A_147 = arith.shli %add3A_143, %shift_left3A_146 : vector<128x512xi32>
    %shift_right_logical3A_148 = arith.constant 15 : i32
    %shift_right_logical3A_149 = vector.broadcast %shift_right_logical3A_148 : i32 to vector<128x512xi32>
    %shift_right_logical3A_150 = arith.shrui %add3A_143, %shift_right_logical3A_149 : vector<128x512xi32>
    %or3A_151 = arith.ori %shift_left3A_147, %shift_right_logical3A_150 : vector<128x512xi32>
    %xor3A_152 = arith.xori %add3A_144, %or3A_151 : vector<128x512xi32>
    %add3A_153 = arith.addi %add3A_144, %xor3A_152 : vector<128x512xi32>
    %shift_left3A_154 = arith.constant 29 : i32
    %shift_left3A_155 = vector.broadcast %shift_left3A_154 : i32 to vector<128x512xi32>
    %shift_left3A_156 = arith.shli %xor3A_152, %shift_left3A_155 : vector<128x512xi32>
    %shift_right_logical3A_157 = arith.constant 3 : i32
    %shift_right_logical3A_158 = vector.broadcast %shift_right_logical3A_157 : i32 to vector<128x512xi32>
    %shift_right_logical3A_159 = arith.shrui %xor3A_152, %shift_right_logical3A_158 : vector<128x512xi32>
    %or3A_160 = arith.ori %shift_left3A_156, %shift_right_logical3A_159 : vector<128x512xi32>
    %xor3A_161 = arith.xori %add3A_153, %or3A_160 : vector<128x512xi32>
    %add3A_162 = arith.addi %add3A_153, %xor3A_161 : vector<128x512xi32>
    %shift_left3A_163 = arith.constant 16 : i32
    %shift_left3A_164 = vector.broadcast %shift_left3A_163 : i32 to vector<128x512xi32>
    %shift_left3A_165 = arith.shli %xor3A_161, %shift_left3A_164 : vector<128x512xi32>
    %shift_right_logical3A_166 = arith.constant 16 : i32
    %shift_right_logical3A_167 = vector.broadcast %shift_right_logical3A_166 : i32 to vector<128x512xi32>
    %shift_right_logical3A_168 = arith.shrui %xor3A_161, %shift_right_logical3A_167 : vector<128x512xi32>
    %or3A_169 = arith.ori %shift_left3A_165, %shift_right_logical3A_168 : vector<128x512xi32>
    %xor3A_170 = arith.xori %add3A_162, %or3A_169 : vector<128x512xi32>
    %add3A_171 = arith.addi %add3A_162, %xor3A_170 : vector<128x512xi32>
    %shift_left3A_172 = arith.constant 24 : i32
    %shift_left3A_173 = vector.broadcast %shift_left3A_172 : i32 to vector<128x512xi32>
    %shift_left3A_174 = arith.shli %xor3A_170, %shift_left3A_173 : vector<128x512xi32>
    %shift_right_logical3A_175 = arith.constant 8 : i32
    %shift_right_logical3A_176 = vector.broadcast %shift_right_logical3A_175 : i32 to vector<128x512xi32>
    %shift_right_logical3A_177 = arith.shrui %xor3A_170, %shift_right_logical3A_176 : vector<128x512xi32>
    %or3A_178 = arith.ori %shift_left3A_174, %shift_right_logical3A_177 : vector<128x512xi32>
    %xor3A_179 = arith.xori %add3A_171, %or3A_178 : vector<128x512xi32>
    %add3A_180 = arith.constant -841280227 : i32
    %add3A_181 = vector.broadcast %add3A_180 : i32 to vector<128x512xi32>
    %add3A_182 = arith.addi %add3A_171, %add3A_181 : vector<128x512xi32>
    %add3A_183 = arith.constant -514511544 : i32
    %add3A_184 = vector.broadcast %add3A_183 : i32 to vector<128x512xi32>
    %add3A_185 = arith.addi %xor3A_179, %add3A_184 : vector<128x512xi32>
    %add3A_186 = arith.constant 4 : i32
    %add3A_187 = vector.broadcast %add3A_186 : i32 to vector<128x512xi32>
    %add3A_188 = arith.addi %add3A_185, %add3A_187 : vector<128x512xi32>
    %add3A_189 = arith.addi %add3A_182, %add3A_188 : vector<128x512xi32>
    %shift_left3A_190 = arith.constant 13 : i32
    %shift_left3A_191 = vector.broadcast %shift_left3A_190 : i32 to vector<128x512xi32>
    %shift_left3A_192 = arith.shli %add3A_188, %shift_left3A_191 : vector<128x512xi32>
    %shift_right_logical3A_193 = arith.constant 19 : i32
    %shift_right_logical3A_194 = vector.broadcast %shift_right_logical3A_193 : i32 to vector<128x512xi32>
    %shift_right_logical3A_195 = arith.shrui %add3A_188, %shift_right_logical3A_194 : vector<128x512xi32>
    %or3A_196 = arith.ori %shift_left3A_192, %shift_right_logical3A_195 : vector<128x512xi32>
    %xor3A_197 = arith.xori %add3A_189, %or3A_196 : vector<128x512xi32>
    %add3A_198 = arith.addi %add3A_189, %xor3A_197 : vector<128x512xi32>
    %shift_left3A_199 = arith.constant 15 : i32
    %shift_left3A_200 = vector.broadcast %shift_left3A_199 : i32 to vector<128x512xi32>
    %shift_left3A_201 = arith.shli %xor3A_197, %shift_left3A_200 : vector<128x512xi32>
    %shift_right_logical3A_202 = arith.constant 17 : i32
    %shift_right_logical3A_203 = vector.broadcast %shift_right_logical3A_202 : i32 to vector<128x512xi32>
    %shift_right_logical3A_204 = arith.shrui %xor3A_197, %shift_right_logical3A_203 : vector<128x512xi32>
    %or3A_205 = arith.ori %shift_left3A_201, %shift_right_logical3A_204 : vector<128x512xi32>
    %xor3A_206 = arith.xori %add3A_198, %or3A_205 : vector<128x512xi32>
    %add3A_207 = arith.addi %add3A_198, %xor3A_206 : vector<128x512xi32>
    %shift_left3A_208 = arith.constant 26 : i32
    %shift_left3A_209 = vector.broadcast %shift_left3A_208 : i32 to vector<128x512xi32>
    %shift_left3A_210 = arith.shli %xor3A_206, %shift_left3A_209 : vector<128x512xi32>
    %shift_right_logical3A_211 = arith.constant 6 : i32
    %shift_right_logical3A_212 = vector.broadcast %shift_right_logical3A_211 : i32 to vector<128x512xi32>
    %shift_right_logical3A_213 = arith.shrui %xor3A_206, %shift_right_logical3A_212 : vector<128x512xi32>
    %or3A_214 = arith.ori %shift_left3A_210, %shift_right_logical3A_213 : vector<128x512xi32>
    %xor3A_215 = arith.xori %add3A_207, %or3A_214 : vector<128x512xi32>
    %add3A_216 = arith.addi %add3A_207, %xor3A_215 : vector<128x512xi32>
    %add3A_217 = arith.constant -514511544 : i32
    %add3A_218 = vector.broadcast %add3A_217 : i32 to vector<128x512xi32>
    %add3A_219 = arith.addi %add3A_216, %add3A_218 : vector<128x512xi32>
    %shift_right_logical3A_220 = arith.constant 9 : i32
    %shift_right_logical3A_221 = vector.broadcast %shift_right_logical3A_220 : i32 to vector<128x512xi32>
    %shift_right_logical3A_222 = arith.shrui %add3A_219, %shift_right_logical3A_221 : vector<128x512xi32>
    %or3A_223 = arith.constant 1065353216 : i32
    %or3A_224 = vector.broadcast %or3A_223 : i32 to vector<128x512xi32>
    %or3A_225 = arith.ori %shift_right_logical3A_222, %or3A_224 : vector<128x512xi32>
    %bitcast_convert_type3A = tpu.bitcast %or3A_225 : vector<128x512xi32> -> vector<128x512xf32>
    %mul3A_226 = arith.constant 6.28318548 : f32
    %mul3A_227 = vector.broadcast %mul3A_226 : f32 to vector<128x512xf32>
    %mul3A_228 = arith.mulf %bitcast_convert_type3A, %mul3A_227 : vector<128x512xf32>
    %sub3A = arith.constant 9.42477798 : f32
    %sub3A_229 = vector.broadcast %sub3A : f32 to vector<128x512xf32>
    %sub3A_230 = arith.subf %mul3A_228, %sub3A_229 : vector<128x512xf32>
    %get3A = arith.constant 0 : index
    %get3A_231 = arith.constant 0 : index
    %get3A_232 = vector.load %arg1[%get3A, %get3A_231] : memref<128x512xi32, #tpu.memory_space<vmem>>, vector<128x512xi32>
    %eq3A_233 = arith.constant 0 : i32
    %eq3A_234 = vector.broadcast %eq3A_233 : i32 to vector<128x512xi32>
    %eq3A_235 = arith.cmpi eq, %get3A_232, %eq3A_234 : vector<128x512xi32>
    %jit3A = arith.constant 0.000000e+00 : f32
    %broadcast_in_dim3A_236 = vector.broadcast %jit3A : f32 to vector<128x512xf32>
    %select_n3A = arith.select %eq3A_235, %sub3A_230, %broadcast_in_dim3A_236 : vector<128x512xi1>, vector<128x512xf32>
    %swap3A = arith.constant 0 : index
    %swap3A_237 = arith.constant 0 : index
    %swap3A_238 = vector.load %arg3[%swap3A, %swap3A_237] : memref<128x512xf32, #tpu.memory_space<vmem>>, vector<128x512xf32>
    tpu.vector_store %arg3[%swap3A, %swap3A_237], %select_n3A {strides = array<i32>} : memref<128x512xf32, #tpu.memory_space<vmem>>, vector<128x512xf32>,
    %eq3A_239 = arith.constant 31 : i32
    %eq3A_240 = arith.cmpi eq, %arg0, %eq3A_239 : i32
    %convert_element_type3A_241 = arith.extui %eq3A_240 : i1 to i32
    %cond3A_242 = arith.constant 0 : i32
    %cond3A_243 = arith.cmpi ne, %convert_element_type3A_241, %cond3A_242 : i32
    scf.if %cond3A_243 {
      %dma_wait3A = arith.constant 0 : i32
      %dma_wait3A_244 = tpu.memref_slice %arg7[%dma_wait3A] : memref<8x!tpu.dma_semaphore, #tpu.memory_space<semaphore_mem>> -> memref<1x!tpu.dma_semaphore, #tpu.memory_space<semaphore_mem>>
      %dma_wait3A_245 = tpu.memref_squeeze %dma_wait3A_244 : memref<1x!tpu.dma_semaphore, #tpu.memory_space<semaphore_mem>> -> memref<!tpu.dma_semaphore, #tpu.memory_space<semaphore_mem>>
      %dma_wait3A_246 = arith.constant 0 : i32
      %dma_wait3A_247 = arith.constant 0 : i32
      %dma_wait3A_248 = tpu.memref_slice %arg4[%dma_wait3A_246, %dma_wait3A_247] : memref<128x131072xf32, #tpu.memory_space<any>> -> memref<1x131072xf32, #tpu.memory_space<any>>
      tpu.wait_dma2 semaphore(%dma_wait3A_245 : memref<!tpu.dma_semaphore, #tpu.memory_space<semaphore_mem>>) src(%arg5 : memref<1x131072xf32, #tpu.memory_space<vmem>>) dst(%dma_wait3A_248 : memref<1x131072xf32, #tpu.memory_space<any>>)
      %dma_wait3A_249 = arith.constant 1 : i32
      %dma_wait3A_250 = tpu.memref_slice %arg7[%dma_wait3A_249] : memref<8x!tpu.dma_semaphore, #tpu.memory_space<semaphore_mem>> -> memref<1x!tpu.dma_semaphore, #tpu.memory_space<semaphore_mem>>
      %dma_wait3A_251 = tpu.memref_squeeze %dma_wait3A_250 : memref<1x!tpu.dma_semaphore, #tpu.memory_space<semaphore_mem>> -> memref<!tpu.dma_semaphore, #tpu.memory_space<semaphore_mem>>
      %dma_wait3A_252 = arith.constant 1 : i32
      %dma_wait3A_253 = arith.constant 0 : i32
      %dma_wait3A_254 = tpu.memref_slice %arg4[%dma_wait3A_252, %dma_wait3A_253] : memref<128x131072xf32, #tpu.memory_space<any>> -> memref<1x131072xf32, #tpu.memory_space<any>>
      tpu.wait_dma2 semaphore(%dma_wait3A_251 : memref<!tpu.dma_semaphore, #tpu.memory_space<semaphore_mem>>) src(%arg5 : memref<1x131072xf32, #tpu.memory_space<vmem>>) dst(%dma_wait3A_254 : memref<1x131072xf32, #tpu.memory_space<any>>)
      %dma_wait3A_255 = arith.constant 2 : i32
      %dma_wait3A_256 = tpu.memref_slice %arg7[%dma_wait3A_255] : memref<8x!tpu.dma_semaphore, #tpu.memory_space<semaphore_mem>> -> memref<1x!tpu.dma_semaphore, #tpu.memory_space<semaphore_mem>>
      %dma_wait3A_257 = tpu.memref_squeeze %dma_wait3A_256 : memref<1x!tpu.dma_semaphore, #tpu.memory_space<semaphore_mem>> -> memref<!tpu.dma_semaphore, #tpu.memory_space<semaphore_mem>>
      %dma_wait3A_258 = arith.constant 2 : i32
      %dma_wait3A_259 = arith.constant 0 : i32
      %dma_wait3A_260 = tpu.memref_slice %arg4[%dma_wait3A_258, %dma_wait3A_259] : memref<128x131072xf32, #tpu.memory_space<any>> -> memref<1x131072xf32, #tpu.memory_space<any>>
      tpu.wait_dma2 semaphore(%dma_wait3A_257 : memref<!tpu.dma_semaphore, #tpu.memory_space<semaphore_mem>>) src(%arg5 : memref<1x131072xf32, #tpu.memory_space<vmem>>) dst(%dma_wait3A_260 : memref<1x131072xf32, #tpu.memory_space<any>>)
      %dma_wait3A_261 = arith.constant 3 : i32
      %dma_wait3A_262 = tpu.memref_slice %arg7[%dma_wait3A_261] : memref<8x!tpu.dma_semaphore, #tpu.memory_space<semaphore_mem>> -> memref<1x!tpu.dma_semaphore, #tpu.memory_space<semaphore_mem>>
      %dma_wait3A_263 = tpu.memref_squeeze %dma_wait3A_262 : memref<1x!tpu.dma_semaphore, #tpu.memory_space<semaphore_mem>> -> memref<!tpu.dma_semaphore, #tpu.memory_space<semaphore_mem>>
      %dma_wait3A_264 = arith.constant 3 : i32
      %dma_wait3A_265 = arith.constant 0 : i32
      %dma_wait3A_266 = tpu.memref_slice %arg4[%dma_wait3A_264, %dma_wait3A_265] : memref<128x131072xf32, #tpu.memory_space<any>> -> memref<1x131072xf32, #tpu.memory_space<any>>
      tpu.wait_dma2 semaphore(%dma_wait3A_263 : memref<!tpu.dma_semaphore, #tpu.memory_space<semaphore_mem>>) src(%arg5 : memref<1x131072xf32, #tpu.memory_space<vmem>>) dst(%dma_wait3A_266 : memref<1x131072xf32, #tpu.memory_space<any>>)
      %dma_wait3A_267 = arith.constant 4 : i32
      %dma_wait3A_268 = tpu.memref_slice %arg7[%dma_wait3A_267] : memref<8x!tpu.dma_semaphore, #tpu.memory_space<semaphore_mem>> -> memref<1x!tpu.dma_semaphore, #tpu.memory_space<semaphore_mem>>
      %dma_wait3A_269 = tpu.memref_squeeze %dma_wait3A_268 : memref<1x!tpu.dma_semaphore, #tpu.memory_space<semaphore_mem>> -> memref<!tpu.dma_semaphore, #tpu.memory_space<semaphore_mem>>
      %dma_wait3A_270 = arith.constant 4 : i32
      %dma_wait3A_271 = arith.constant 0 : i32
      %dma_wait3A_272 = tpu.memref_slice %arg4[%dma_wait3A_270, %dma_wait3A_271] : memref<128x131072xf32, #tpu.memory_space<any>> -> memref<1x131072xf32, #tpu.memory_space<any>>
      tpu.wait_dma2 semaphore(%dma_wait3A_269 : memref<!tpu.dma_semaphore, #tpu.memory_space<semaphore_mem>>) src(%arg5 : memref<1x131072xf32, #tpu.memory_space<vmem>>) dst(%dma_wait3A_272 : memref<1x131072xf32, #tpu.memory_space<any>>)
      %dma_wait3A_273 = arith.constant 5 : i32
      %dma_wait3A_274 = tpu.memref_slice %arg7[%dma_wait3A_273] : memref<8x!tpu.dma_semaphore, #tpu.memory_space<semaphore_mem>> -> memref<1x!tpu.dma_semaphore, #tpu.memory_space<semaphore_mem>>
      %dma_wait3A_275 = tpu.memref_squeeze %dma_wait3A_274 : memref<1x!tpu.dma_semaphore, #tpu.memory_space<semaphore_mem>> -> memref<!tpu.dma_semaphore, #tpu.memory_space<semaphore_mem>>
      %dma_wait3A_276 = arith.constant 5 : i32
      %dma_wait3A_277 = arith.constant 0 : i32
      %dma_wait3A_278 = tpu.memref_slice %arg4[%dma_wait3A_276, %dma_wait3A_277] : memref<128x131072xf32, #tpu.memory_space<any>> -> memref<1x131072xf32, #tpu.memory_space<any>>
      tpu.wait_dma2 semaphore(%dma_wait3A_275 : memref<!tpu.dma_semaphore, #tpu.memory_space<semaphore_mem>>) src(%arg5 : memref<1x131072xf32, #tpu.memory_space<vmem>>) dst(%dma_wait3A_278 : memref<1x131072xf32, #tpu.memory_space<any>>)
      %dma_wait3A_279 = arith.constant 6 : i32
      %dma_wait3A_280 = tpu.memref_slice %arg7[%dma_wait3A_279] : memref<8x!tpu.dma_semaphore, #tpu.memory_space<semaphore_mem>> -> memref<1x!tpu.dma_semaphore, #tpu.memory_space<semaphore_mem>>
      %dma_wait3A_281 = tpu.memref_squeeze %dma_wait3A_280 : memref<1x!tpu.dma_semaphore, #tpu.memory_space<semaphore_mem>> -> memref<!tpu.dma_semaphore, #tpu.memory_space<semaphore_mem>>
      %dma_wait3A_282 = arith.constant 6 : i32
      %dma_wait3A_283 = arith.constant 0 : i32
      %dma_wait3A_284 = tpu.memref_slice %arg4[%dma_wait3A_282, %dma_wait3A_283] : memref<128x131072xf32, #tpu.memory_space<any>> -> memref<1x131072xf32, #tpu.memory_space<any>>
      tpu.wait_dma2 semaphore(%dma_wait3A_281 : memref<!tpu.dma_semaphore, #tpu.memory_space<semaphore_mem>>) src(%arg5 : memref<1x131072xf32, #tpu.memory_space<vmem>>) dst(%dma_wait3A_284 : memref<1x131072xf32, #tpu.memory_space<any>>)
      %dma_wait3A_285 = arith.constant 7 : i32
      %dma_wait3A_286 = tpu.memref_slice %arg7[%dma_wait3A_285] : memref<8x!tpu.dma_semaphore, #tpu.memory_space<semaphore_mem>> -> memref<1x!tpu.dma_semaphore, #tpu.memory_space<semaphore_mem>>
      %dma_wait3A_287 = tpu.memref_squeeze %dma_wait3A_286 : memref<1x!tpu.dma_semaphore, #tpu.memory_space<semaphore_mem>> -> memref<!tpu.dma_semaphore, #tpu.memory_space<semaphore_mem>>
      %dma_wait3A_288 = arith.constant 7 : i32
      %dma_wait3A_289 = arith.constant 0 : i32
      %dma_wait3A_290 = tpu.memref_slice %arg4[%dma_wait3A_288, %dma_wait3A_289] : memref<128x131072xf32, #tpu.memory_space<any>> -> memref<1x131072xf32, #tpu.memory_space<any>>
      tpu.wait_dma2 semaphore(%dma_wait3A_287 : memref<!tpu.dma_semaphore, #tpu.memory_space<semaphore_mem>>) src(%arg5 : memref<1x131072xf32, #tpu.memory_space<vmem>>) dst(%dma_wait3A_290 : memref<1x131072xf32, #tpu.memory_space<any>>)
      %dma_wait3A_291 = arith.constant 0 : i32
      %dma_wait3A_292 = tpu.memref_slice %arg7[%dma_wait3A_291] : memref<8x!tpu.dma_semaphore, #tpu.memory_space<semaphore_mem>> -> memref<1x!tpu.dma_semaphore, #tpu.memory_space<semaphore_mem>>
      %dma_wait3A_293 = tpu.memref_squeeze %dma_wait3A_292 : memref<1x!tpu.dma_semaphore, #tpu.memory_space<semaphore_mem>> -> memref<!tpu.dma_semaphore, #tpu.memory_space<semaphore_mem>>
      %dma_wait3A_294 = arith.constant 8 : i32
      %dma_wait3A_295 = arith.constant 0 : i32
      %dma_wait3A_296 = tpu.memref_slice %arg4[%dma_wait3A_294, %dma_wait3A_295] : memref<128x131072xf32, #tpu.memory_space<any>> -> memref<1x131072xf32, #tpu.memory_space<any>>
      tpu.wait_dma2 semaphore(%dma_wait3A_293 : memref<!tpu.dma_semaphore, #tpu.memory_space<semaphore_mem>>) src(%arg5 : memref<1x131072xf32, #tpu.memory_space<vmem>>) dst(%dma_wait3A_296 : memref<1x131072xf32, #tpu.memory_space<any>>)
      %dma_wait3A_297 = arith.constant 1 : i32
      %dma_wait3A_298 = tpu.memref_slice %arg7[%dma_wait3A_297] : memref<8x!tpu.dma_semaphore, #tpu.memory_space<semaphore_mem>> -> memref<1x!tpu.dma_semaphore, #tpu.memory_space<semaphore_mem>>
      %dma_wait3A_299 = tpu.memref_squeeze %dma_wait3A_298 : memref<1x!tpu.dma_semaphore, #tpu.memory_space<semaphore_mem>> -> memref<!tpu.dma_semaphore, #tpu.memory_space<semaphore_mem>>
      %dma_wait3A_300 = arith.constant 9 : i32
      %dma_wait3A_301 = arith.constant 0 : i32
      %dma_wait3A_302 = tpu.memref_slice %arg4[%dma_wait3A_300, %dma_wait3A_301] : memref<128x131072xf32, #tpu.memory_space<any>> -> memref<1x131072xf32, #tpu.memory_space<any>>
      tpu.wait_dma2 semaphore(%dma_wait3A_299 : memref<!tpu.dma_semaphore, #tpu.memory_space<semaphore_mem>>) src(%arg5 : memref<1x131072xf32, #tpu.memory_space<vmem>>) dst(%dma_wait3A_302 : memref<1x131072xf32, #tpu.memory_space<any>>)
      %dma_wait3A_303 = arith.constant 2 : i32
      %dma_wait3A_304 = tpu.memref_slice %arg7[%dma_wait3A_303] : memref<8x!tpu.dma_semaphore, #tpu.memory_space<semaphore_mem>> -> memref<1x!tpu.dma_semaphore, #tpu.memory_space<semaphore_mem>>
      %dma_wait3A_305 = tpu.memref_squeeze %dma_wait3A_304 : memref<1x!tpu.dma_semaphore, #tpu.memory_space<semaphore_mem>> -> memref<!tpu.dma_semaphore, #tpu.memory_space<semaphore_mem>>
      %dma_wait3A_306 = arith.constant 10 : i32
      %dma_wait3A_307 = arith.constant 0 : i32
      %dma_wait3A_308 = tpu.memref_slice %arg4[%dma_wait3A_306, %dma_wait3A_307] : memref<128x131072xf32, #tpu.memory_space<any>> -> memref<1x131072xf32, #tpu.memory_space<any>>
      tpu.wait_dma2 semaphore(%dma_wait3A_305 : memref<!tpu.dma_semaphore, #tpu.memory_space<semaphore_mem>>) src(%arg5 : memref<1x131072xf32, #tpu.memory_space<vmem>>) dst(%dma_wait3A_308 : memref<1x131072xf32, #tpu.memory_space<any>>)
      %dma_wait3A_309 = arith.constant 3 : i32
      %dma_wait3A_310 = tpu.memref_slice %arg7[%dma_wait3A_309] : memref<8x!tpu.dma_semaphore, #tpu.memory_space<semaphore_mem>> -> memref<1x!tpu.dma_semaphore, #tpu.memory_space<semaphore_mem>>
      %dma_wait3A_311 = tpu.memref_squeeze %dma_wait3A_310 : memref<1x!tpu.dma_semaphore, #tpu.memory_space<semaphore_mem>> -> memref<!tpu.dma_semaphore, #tpu.memory_space<semaphore_mem>>
      %dma_wait3A_312 = arith.constant 11 : i32
      %dma_wait3A_313 = arith.constant 0 : i32
      %dma_wait3A_314 = tpu.memref_slice %arg4[%dma_wait3A_312, %dma_wait3A_313] : memref<128x131072xf32, #tpu.memory_space<any>> -> memref<1x131072xf32, #tpu.memory_space<any>>
      tpu.wait_dma2 semaphore(%dma_wait3A_311 : memref<!tpu.dma_semaphore, #tpu.memory_space<semaphore_mem>>) src(%arg5 : memref<1x131072xf32, #tpu.memory_space<vmem>>) dst(%dma_wait3A_314 : memref<1x131072xf32, #tpu.memory_space<any>>)
      %dma_wait3A_315 = arith.constant 4 : i32
      %dma_wait3A_316 = tpu.memref_slice %arg7[%dma_wait3A_315] : memref<8x!tpu.dma_semaphore, #tpu.memory_space<semaphore_mem>> -> memref<1x!tpu.dma_semaphore, #tpu.memory_space<semaphore_mem>>
      %dma_wait3A_317 = tpu.memref_squeeze %dma_wait3A_316 : memref<1x!tpu.dma_semaphore, #tpu.memory_space<semaphore_mem>> -> memref<!tpu.dma_semaphore, #tpu.memory_space<semaphore_mem>>
      %dma_wait3A_318 = arith.constant 12 : i32
      %dma_wait3A_319 = arith.constant 0 : i32
      %dma_wait3A_320 = tpu.memref_slice %arg4[%dma_wait3A_318, %dma_wait3A_319] : memref<128x131072xf32, #tpu.memory_space<any>> -> memref<1x131072xf32, #tpu.memory_space<any>>
      tpu.wait_dma2 semaphore(%dma_wait3A_317 : memref<!tpu.dma_semaphore, #tpu.memory_space<semaphore_mem>>) src(%arg5 : memref<1x131072xf32, #tpu.memory_space<vmem>>) dst(%dma_wait3A_320 : memref<1x131072xf32, #tpu.memory_space<any>>)
      %dma_wait3A_321 = arith.constant 5 : i32
      %dma_wait3A_322 = tpu.memref_slice %arg7[%dma_wait3A_321] : memref<8x!tpu.dma_semaphore, #tpu.memory_space<semaphore_mem>> -> memref<1x!tpu.dma_semaphore, #tpu.memory_space<semaphore_mem>>
      %dma_wait3A_323 = tpu.memref_squeeze %dma_wait3A_322 : memref<1x!tpu.dma_semaphore, #tpu.memory_space<semaphore_mem>> -> memref<!tpu.dma_semaphore, #tpu.memory_space<semaphore_mem>>
      %dma_wait3A_324 = arith.constant 13 : i32
      %dma_wait3A_325 = arith.constant 0 : i32
      %dma_wait3A_326 = tpu.memref_slice %arg4[%dma_wait3A_324, %dma_wait3A_325] : memref<128x131072xf32, #tpu.memory_space<any>> -> memref<1x131072xf32, #tpu.memory_space<any>>
      tpu.wait_dma2 semaphore(%dma_wait3A_323 : memref<!tpu.dma_semaphore, #tpu.memory_space<semaphore_mem>>) src(%arg5 : memref<1x131072xf32, #tpu.memory_space<vmem>>) dst(%dma_wait3A_326 : memref<1x131072xf32, #tpu.memory_space<any>>)
      %dma_wait3A_327 = arith.constant 6 : i32
      %dma_wait3A_328 = tpu.memref_slice %arg7[%dma_wait3A_327] : memref<8x!tpu.dma_semaphore, #tpu.memory_space<semaphore_mem>> -> memref<1x!tpu.dma_semaphore, #tpu.memory_space<semaphore_mem>>
      %dma_wait3A_329 = tpu.memref_squeeze %dma_wait3A_328 : memref<1x!tpu.dma_semaphore, #tpu.memory_space<semaphore_mem>> -> memref<!tpu.dma_semaphore, #tpu.memory_space<semaphore_mem>>
      %dma_wait3A_330 = arith.constant 14 : i32
      %dma_wait3A_331 = arith.constant 0 : i32
      %dma_wait3A_332 = tpu.memref_slice %arg4[%dma_wait3A_330, %dma_wait3A_331] : memref<128x131072xf32, #tpu.memory_space<any>> -> memref<1x131072xf32, #tpu.memory_space<any>>
      tpu.wait_dma2 semaphore(%dma_wait3A_329 : memref<!tpu.dma_semaphore, #tpu.memory_space<semaphore_mem>>) src(%arg5 : memref<1x131072xf32, #tpu.memory_space<vmem>>) dst(%dma_wait3A_332 : memref<1x131072xf32, #tpu.memory_space<any>>)
      %dma_wait3A_333 = arith.constant 7 : i32
      %dma_wait3A_334 = tpu.memref_slice %arg7[%dma_wait3A_333] : memref<8x!tpu.dma_semaphore, #tpu.memory_space<semaphore_mem>> -> memref<1x!tpu.dma_semaphore, #tpu.memory_space<semaphore_mem>>
      %dma_wait3A_335 = tpu.memref_squeeze %dma_wait3A_334 : memref<1x!tpu.dma_semaphore, #tpu.memory_space<semaphore_mem>> -> memref<!tpu.dma_semaphore, #tpu.memory_space<semaphore_mem>>
      %dma_wait3A_336 = arith.constant 15 : i32
      %dma_wait3A_337 = arith.constant 0 : i32
      %dma_wait3A_338 = tpu.memref_slice %arg4[%dma_wait3A_336, %dma_wait3A_337] : memref<128x131072xf32, #tpu.memory_space<any>> -> memref<1x131072xf32, #tpu.memory_space<any>>
      tpu.wait_dma2 semaphore(%dma_wait3A_335 : memref<!tpu.dma_semaphore, #tpu.memory_space<semaphore_mem>>) src(%arg5 : memref<1x131072xf32, #tpu.memory_space<vmem>>) dst(%dma_wait3A_338 : memref<1x131072xf32, #tpu.memory_space<any>>)
      %dma_wait3A_339 = arith.constant 0 : i32
      %dma_wait3A_340 = tpu.memref_slice %arg7[%dma_wait3A_339] : memref<8x!tpu.dma_semaphore, #tpu.memory_space<semaphore_mem>> -> memref<1x!tpu.dma_semaphore, #tpu.memory_space<semaphore_mem>>
      %dma_wait3A_341 = tpu.memref_squeeze %dma_wait3A_340 : memref<1x!tpu.dma_semaphore, #tpu.memory_space<semaphore_mem>> -> memref<!tpu.dma_semaphore, #tpu.memory_space<semaphore_mem>>
      %dma_wait3A_342 = arith.constant 16 : i32
      %dma_wait3A_343 = arith.constant 0 : i32
      %dma_wait3A_344 = tpu.memref_slice %arg4[%dma_wait3A_342, %dma_wait3A_343] : memref<128x131072xf32, #tpu.memory_space<any>> -> memref<1x131072xf32, #tpu.memory_space<any>>
      tpu.wait_dma2 semaphore(%dma_wait3A_341 : memref<!tpu.dma_semaphore, #tpu.memory_space<semaphore_mem>>) src(%arg5 : memref<1x131072xf32, #tpu.memory_space<vmem>>) dst(%dma_wait3A_344 : memref<1x131072xf32, #tpu.memory_space<any>>)
      %dma_wait3A_345 = arith.constant 1 : i32
      %dma_wait3A_346 = tpu.memref_slice %arg7[%dma_wait3A_345] : memref<8x!tpu.dma_semaphore, #tpu.memory_space<semaphore_mem>> -> memref<1x!tpu.dma_semaphore, #tpu.memory_space<semaphore_mem>>
      %dma_wait3A_347 = tpu.memref_squeeze %dma_wait3A_346 : memref<1x!tpu.dma_semaphore, #tpu.memory_space<semaphore_mem>> -> memref<!tpu.dma_semaphore, #tpu.memory_space<semaphore_mem>>
      %dma_wait3A_348 = arith.constant 17 : i32
      %dma_wait3A_349 = arith.constant 0 : i32
      %dma_wait3A_350 = tpu.memref_slice %arg4[%dma_wait3A_348, %dma_wait3A_349] : memref<128x131072xf32, #tpu.memory_space<any>> -> memref<1x131072xf32, #tpu.memory_space<any>>
      tpu.wait_dma2 semaphore(%dma_wait3A_347 : memref<!tpu.dma_semaphore, #tpu.memory_space<semaphore_mem>>) src(%arg5 : memref<1x131072xf32, #tpu.memory_space<vmem>>) dst(%dma_wait3A_350 : memref<1x131072xf32, #tpu.memory_space<any>>)
      %dma_wait3A_351 = arith.constant 2 : i32
      %dma_wait3A_352 = tpu.memref_slice %arg7[%dma_wait3A_351] : memref<8x!tpu.dma_semaphore, #tpu.memory_space<semaphore_mem>> -> memref<1x!tpu.dma_semaphore, #tpu.memory_space<semaphore_mem>>
      %dma_wait3A_353 = tpu.memref_squeeze %dma_wait3A_352 : memref<1x!tpu.dma_semaphore, #tpu.memory_space<semaphore_mem>> -> memref<!tpu.dma_semaphore, #tpu.memory_space<semaphore_mem>>
      %dma_wait3A_354 = arith.constant 18 : i32
      %dma_wait3A_355 = arith.constant 0 : i32
      %dma_wait3A_356 = tpu.memref_slice %arg4[%dma_wait3A_354, %dma_wait3A_355] : memref<128x131072xf32, #tpu.memory_space<any>> -> memref<1x131072xf32, #tpu.memory_space<any>>
      tpu.wait_dma2 semaphore(%dma_wait3A_353 : memref<!tpu.dma_semaphore, #tpu.memory_space<semaphore_mem>>) src(%arg5 : memref<1x131072xf32, #tpu.memory_space<vmem>>) dst(%dma_wait3A_356 : memref<1x131072xf32, #tpu.memory_space<any>>)
      %dma_wait3A_357 = arith.constant 3 : i32
      %dma_wait3A_358 = tpu.memref_slice %arg7[%dma_wait3A_357] : memref<8x!tpu.dma_semaphore, #tpu.memory_space<semaphore_mem>> -> memref<1x!tpu.dma_semaphore, #tpu.memory_space<semaphore_mem>>
      %dma_wait3A_359 = tpu.memref_squeeze %dma_wait3A_358 : memref<1x!tpu.dma_semaphore, #tpu.memory_space<semaphore_mem>> -> memref<!tpu.dma_semaphore, #tpu.memory_space<semaphore_mem>>
      %dma_wait3A_360 = arith.constant 19 : i32
      %dma_wait3A_361 = arith.constant 0 : i32
      %dma_wait3A_362 = tpu.memref_slice %arg4[%dma_wait3A_360, %dma_wait3A_361] : memref<128x131072xf32, #tpu.memory_space<any>> -> memref<1x131072xf32, #tpu.memory_space<any>>
      tpu.wait_dma2 semaphore(%dma_wait3A_359 : memref<!tpu.dma_semaphore, #tpu.memory_space<semaphore_mem>>) src(%arg5 : memref<1x131072xf32, #tpu.memory_space<vmem>>) dst(%dma_wait3A_362 : memref<1x131072xf32, #tpu.memory_space<any>>)
      %dma_wait3A_363 = arith.constant 4 : i32
      %dma_wait3A_364 = tpu.memref_slice %arg7[%dma_wait3A_363] : memref<8x!tpu.dma_semaphore, #tpu.memory_space<semaphore_mem>> -> memref<1x!tpu.dma_semaphore, #tpu.memory_space<semaphore_mem>>
      %dma_wait3A_365 = tpu.memref_squeeze %dma_wait3A_364 : memref<1x!tpu.dma_semaphore, #tpu.memory_space<semaphore_mem>> -> memref<!tpu.dma_semaphore, #tpu.memory_space<semaphore_mem>>
      %dma_wait3A_366 = arith.constant 20 : i32
      %dma_wait3A_367 = arith.constant 0 : i32
      %dma_wait3A_368 = tpu.memref_slice %arg4[%dma_wait3A_366, %dma_wait3A_367] : memref<128x131072xf32, #tpu.memory_space<any>> -> memref<1x131072xf32, #tpu.memory_space<any>>
      tpu.wait_dma2 semaphore(%dma_wait3A_365 : memref<!tpu.dma_semaphore, #tpu.memory_space<semaphore_mem>>) src(%arg5 : memref<1x131072xf32, #tpu.memory_space<vmem>>) dst(%dma_wait3A_368 : memref<1x131072xf32, #tpu.memory_space<any>>)
      %dma_wait3A_369 = arith.constant 5 : i32
      %dma_wait3A_370 = tpu.memref_slice %arg7[%dma_wait3A_369] : memref<8x!tpu.dma_semaphore, #tpu.memory_space<semaphore_mem>> -> memref<1x!tpu.dma_semaphore, #tpu.memory_space<semaphore_mem>>
      %dma_wait3A_371 = tpu.memref_squeeze %dma_wait3A_370 : memref<1x!tpu.dma_semaphore, #tpu.memory_space<semaphore_mem>> -> memref<!tpu.dma_semaphore, #tpu.memory_space<semaphore_mem>>
      %dma_wait3A_372 = arith.constant 21 : i32
      %dma_wait3A_373 = arith.constant 0 : i32
      %dma_wait3A_374 = tpu.memref_slice %arg4[%dma_wait3A_372, %dma_wait3A_373] : memref<128x131072xf32, #tpu.memory_space<any>> -> memref<1x131072xf32, #tpu.memory_space<any>>
      tpu.wait_dma2 semaphore(%dma_wait3A_371 : memref<!tpu.dma_semaphore, #tpu.memory_space<semaphore_mem>>) src(%arg5 : memref<1x131072xf32, #tpu.memory_space<vmem>>) dst(%dma_wait3A_374 : memref<1x131072xf32, #tpu.memory_space<any>>)
      %dma_wait3A_375 = arith.constant 6 : i32
      %dma_wait3A_376 = tpu.memref_slice %arg7[%dma_wait3A_375] : memref<8x!tpu.dma_semaphore, #tpu.memory_space<semaphore_mem>> -> memref<1x!tpu.dma_semaphore, #tpu.memory_space<semaphore_mem>>
      %dma_wait3A_377 = tpu.memref_squeeze %dma_wait3A_376 : memref<1x!tpu.dma_semaphore, #tpu.memory_space<semaphore_mem>> -> memref<!tpu.dma_semaphore, #tpu.memory_space<semaphore_mem>>
      %dma_wait3A_378 = arith.constant 22 : i32
      %dma_wait3A_379 = arith.constant 0 : i32
      %dma_wait3A_380 = tpu.memref_slice %arg4[%dma_wait3A_378, %dma_wait3A_379] : memref<128x131072xf32, #tpu.memory_space<any>> -> memref<1x131072xf32, #tpu.memory_space<any>>
      tpu.wait_dma2 semaphore(%dma_wait3A_377 : memref<!tpu.dma_semaphore, #tpu.memory_space<semaphore_mem>>) src(%arg5 : memref<1x131072xf32, #tpu.memory_space<vmem>>) dst(%dma_wait3A_380 : memref<1x131072xf32, #tpu.memory_space<any>>)
      %dma_wait3A_381 = arith.constant 7 : i32
      %dma_wait3A_382 = tpu.memref_slice %arg7[%dma_wait3A_381] : memref<8x!tpu.dma_semaphore, #tpu.memory_space<semaphore_mem>> -> memref<1x!tpu.dma_semaphore, #tpu.memory_space<semaphore_mem>>
      %dma_wait3A_383 = tpu.memref_squeeze %dma_wait3A_382 : memref<1x!tpu.dma_semaphore, #tpu.memory_space<semaphore_mem>> -> memref<!tpu.dma_semaphore, #tpu.memory_space<semaphore_mem>>
      %dma_wait3A_384 = arith.constant 23 : i32
      %dma_wait3A_385 = arith.constant 0 : i32
      %dma_wait3A_386 = tpu.memref_slice %arg4[%dma_wait3A_384, %dma_wait3A_385] : memref<128x131072xf32, #tpu.memory_space<any>> -> memref<1x131072xf32, #tpu.memory_space<any>>
      tpu.wait_dma2 semaphore(%dma_wait3A_383 : memref<!tpu.dma_semaphore, #tpu.memory_space<semaphore_mem>>) src(%arg5 : memref<1x131072xf32, #tpu.memory_space<vmem>>) dst(%dma_wait3A_386 : memref<1x131072xf32, #tpu.memory_space<any>>)
      %dma_wait3A_387 = arith.constant 0 : i32
      %dma_wait3A_388 = tpu.memref_slice %arg7[%dma_wait3A_387] : memref<8x!tpu.dma_semaphore, #tpu.memory_space<semaphore_mem>> -> memref<1x!tpu.dma_semaphore, #tpu.memory_space<semaphore_mem>>
      %dma_wait3A_389 = tpu.memref_squeeze %dma_wait3A_388 : memref<1x!tpu.dma_semaphore, #tpu.memory_space<semaphore_mem>> -> memref<!tpu.dma_semaphore, #tpu.memory_space<semaphore_mem>>
      %dma_wait3A_390 = arith.constant 24 : i32
      %dma_wait3A_391 = arith.constant 0 : i32
      %dma_wait3A_392 = tpu.memref_slice %arg4[%dma_wait3A_390, %dma_wait3A_391] : memref<128x131072xf32, #tpu.memory_space<any>> -> memref<1x131072xf32, #tpu.memory_space<any>>
      tpu.wait_dma2 semaphore(%dma_wait3A_389 : memref<!tpu.dma_semaphore, #tpu.memory_space<semaphore_mem>>) src(%arg5 : memref<1x131072xf32, #tpu.memory_space<vmem>>) dst(%dma_wait3A_392 : memref<1x131072xf32, #tpu.memory_space<any>>)
      %dma_wait3A_393 = arith.constant 1 : i32
      %dma_wait3A_394 = tpu.memref_slice %arg7[%dma_wait3A_393] : memref<8x!tpu.dma_semaphore, #tpu.memory_space<semaphore_mem>> -> memref<1x!tpu.dma_semaphore, #tpu.memory_space<semaphore_mem>>
      %dma_wait3A_395 = tpu.memref_squeeze %dma_wait3A_394 : memref<1x!tpu.dma_semaphore, #tpu.memory_space<semaphore_mem>> -> memref<!tpu.dma_semaphore, #tpu.memory_space<semaphore_mem>>
      %dma_wait3A_396 = arith.constant 25 : i32
      %dma_wait3A_397 = arith.constant 0 : i32
      %dma_wait3A_398 = tpu.memref_slice %arg4[%dma_wait3A_396, %dma_wait3A_397] : memref<128x131072xf32, #tpu.memory_space<any>> -> memref<1x131072xf32, #tpu.memory_space<any>>
      tpu.wait_dma2 semaphore(%dma_wait3A_395 : memref<!tpu.dma_semaphore, #tpu.memory_space<semaphore_mem>>) src(%arg5 : memref<1x131072xf32, #tpu.memory_space<vmem>>) dst(%dma_wait3A_398 : memref<1x131072xf32, #tpu.memory_space<any>>)
      %dma_wait3A_399 = arith.constant 2 : i32
      %dma_wait3A_400 = tpu.memref_slice %arg7[%dma_wait3A_399] : memref<8x!tpu.dma_semaphore, #tpu.memory_space<semaphore_mem>> -> memref<1x!tpu.dma_semaphore, #tpu.memory_space<semaphore_mem>>
      %dma_wait3A_401 = tpu.memref_squeeze %dma_wait3A_400 : memref<1x!tpu.dma_semaphore, #tpu.memory_space<semaphore_mem>> -> memref<!tpu.dma_semaphore, #tpu.memory_space<semaphore_mem>>
      %dma_wait3A_402 = arith.constant 26 : i32
      %dma_wait3A_403 = arith.constant 0 : i32
      %dma_wait3A_404 = tpu.memref_slice %arg4[%dma_wait3A_402, %dma_wait3A_403] : memref<128x131072xf32, #tpu.memory_space<any>> -> memref<1x131072xf32, #tpu.memory_space<any>>
      tpu.wait_dma2 semaphore(%dma_wait3A_401 : memref<!tpu.dma_semaphore, #tpu.memory_space<semaphore_mem>>) src(%arg5 : memref<1x131072xf32, #tpu.memory_space<vmem>>) dst(%dma_wait3A_404 : memref<1x131072xf32, #tpu.memory_space<any>>)
      %dma_wait3A_405 = arith.constant 3 : i32
      %dma_wait3A_406 = tpu.memref_slice %arg7[%dma_wait3A_405] : memref<8x!tpu.dma_semaphore, #tpu.memory_space<semaphore_mem>> -> memref<1x!tpu.dma_semaphore, #tpu.memory_space<semaphore_mem>>
      %dma_wait3A_407 = tpu.memref_squeeze %dma_wait3A_406 : memref<1x!tpu.dma_semaphore, #tpu.memory_space<semaphore_mem>> -> memref<!tpu.dma_semaphore, #tpu.memory_space<semaphore_mem>>
      %dma_wait3A_408 = arith.constant 27 : i32
      %dma_wait3A_409 = arith.constant 0 : i32
      %dma_wait3A_410 = tpu.memref_slice %arg4[%dma_wait3A_408, %dma_wait3A_409] : memref<128x131072xf32, #tpu.memory_space<any>> -> memref<1x131072xf32, #tpu.memory_space<any>>
      tpu.wait_dma2 semaphore(%dma_wait3A_407 : memref<!tpu.dma_semaphore, #tpu.memory_space<semaphore_mem>>) src(%arg5 : memref<1x131072xf32, #tpu.memory_space<vmem>>) dst(%dma_wait3A_410 : memref<1x131072xf32, #tpu.memory_space<any>>)
      %dma_wait3A_411 = arith.constant 4 : i32
      %dma_wait3A_412 = tpu.memref_slice %arg7[%dma_wait3A_411] : memref<8x!tpu.dma_semaphore, #tpu.memory_space<semaphore_mem>> -> memref<1x!tpu.dma_semaphore, #tpu.memory_space<semaphore_mem>>
      %dma_wait3A_413 = tpu.memref_squeeze %dma_wait3A_412 : memref<1x!tpu.dma_semaphore, #tpu.memory_space<semaphore_mem>> -> memref<!tpu.dma_semaphore, #tpu.memory_space<semaphore_mem>>
      %dma_wait3A_414 = arith.constant 28 : i32
      %dma_wait3A_415 = arith.constant 0 : i32
      %dma_wait3A_416 = tpu.memref_slice %arg4[%dma_wait3A_414, %dma_wait3A_415] : memref<128x131072xf32, #tpu.memory_space<any>> -> memref<1x131072xf32, #tpu.memory_space<any>>
      tpu.wait_dma2 semaphore(%dma_wait3A_413 : memref<!tpu.dma_semaphore, #tpu.memory_space<semaphore_mem>>) src(%arg5 : memref<1x131072xf32, #tpu.memory_space<vmem>>) dst(%dma_wait3A_416 : memref<1x131072xf32, #tpu.memory_space<any>>)
      %dma_wait3A_417 = arith.constant 5 : i32
      %dma_wait3A_418 = tpu.memref_slice %arg7[%dma_wait3A_417] : memref<8x!tpu.dma_semaphore, #tpu.memory_space<semaphore_mem>> -> memref<1x!tpu.dma_semaphore, #tpu.memory_space<semaphore_mem>>
      %dma_wait3A_419 = tpu.memref_squeeze %dma_wait3A_418 : memref<1x!tpu.dma_semaphore, #tpu.memory_space<semaphore_mem>> -> memref<!tpu.dma_semaphore, #tpu.memory_space<semaphore_mem>>
      %dma_wait3A_420 = arith.constant 29 : i32
      %dma_wait3A_421 = arith.constant 0 : i32
      %dma_wait3A_422 = tpu.memref_slice %arg4[%dma_wait3A_420, %dma_wait3A_421] : memref<128x131072xf32, #tpu.memory_space<any>> -> memref<1x131072xf32, #tpu.memory_space<any>>
      tpu.wait_dma2 semaphore(%dma_wait3A_419 : memref<!tpu.dma_semaphore, #tpu.memory_space<semaphore_mem>>) src(%arg5 : memref<1x131072xf32, #tpu.memory_space<vmem>>) dst(%dma_wait3A_422 : memref<1x131072xf32, #tpu.memory_space<any>>)
      %dma_wait3A_423 = arith.constant 6 : i32
      %dma_wait3A_424 = tpu.memref_slice %arg7[%dma_wait3A_423] : memref<8x!tpu.dma_semaphore, #tpu.memory_space<semaphore_mem>> -> memref<1x!tpu.dma_semaphore, #tpu.memory_space<semaphore_mem>>
      %dma_wait3A_425 = tpu.memref_squeeze %dma_wait3A_424 : memref<1x!tpu.dma_semaphore, #tpu.memory_space<semaphore_mem>> -> memref<!tpu.dma_semaphore, #tpu.memory_space<semaphore_mem>>
      %dma_wait3A_426 = arith.constant 30 : i32
      %dma_wait3A_427 = arith.constant 0 : i32
      %dma_wait3A_428 = tpu.memref_slice %arg4[%dma_wait3A_426, %dma_wait3A_427] : memref<128x131072xf32, #tpu.memory_space<any>> -> memref<1x131072xf32, #tpu.memory_space<any>>
      tpu.wait_dma2 semaphore(%dma_wait3A_425 : memref<!tpu.dma_semaphore, #tpu.memory_space<semaphore_mem>>) src(%arg5 : memref<1x131072xf32, #tpu.memory_space<vmem>>) dst(%dma_wait3A_428 : memref<1x131072xf32, #tpu.memory_space<any>>)
      %dma_wait3A_429 = arith.constant 7 : i32
      %dma_wait3A_430 = tpu.memref_slice %arg7[%dma_wait3A_429] : memref<8x!tpu.dma_semaphore, #tpu.memory_space<semaphore_mem>> -> memref<1x!tpu.dma_semaphore, #tpu.memory_space<semaphore_mem>>
      %dma_wait3A_431 = tpu.memref_squeeze %dma_wait3A_430 : memref<1x!tpu.dma_semaphore, #tpu.memory_space<semaphore_mem>> -> memref<!tpu.dma_semaphore, #tpu.memory_space<semaphore_mem>>
      %dma_wait3A_432 = arith.constant 31 : i32
      %dma_wait3A_433 = arith.constant 0 : i32
      %dma_wait3A_434 = tpu.memref_slice %arg4[%dma_wait3A_432, %dma_wait3A_433] : memref<128x131072xf32, #tpu.memory_space<any>> -> memref<1x131072xf32, #tpu.memory_space<any>>
      tpu.wait_dma2 semaphore(%dma_wait3A_431 : memref<!tpu.dma_semaphore, #tpu.memory_space<semaphore_mem>>) src(%arg5 : memref<1x131072xf32, #tpu.memory_space<vmem>>) dst(%dma_wait3A_434 : memref<1x131072xf32, #tpu.memory_space<any>>)
      %dma_wait3A_435 = arith.constant 0 : i32
      %dma_wait3A_436 = tpu.memref_slice %arg7[%dma_wait3A_435] : memref<8x!tpu.dma_semaphore, #tpu.memory_space<semaphore_mem>> -> memref<1x!tpu.dma_semaphore, #tpu.memory_space<semaphore_mem>>
      %dma_wait3A_437 = tpu.memref_squeeze %dma_wait3A_436 : memref<1x!tpu.dma_semaphore, #tpu.memory_space<semaphore_mem>> -> memref<!tpu.dma_semaphore, #tpu.memory_space<semaphore_mem>>
      %dma_wait3A_438 = arith.constant 32 : i32
      %dma_wait3A_439 = arith.constant 0 : i32
      %dma_wait3A_440 = tpu.memref_slice %arg4[%dma_wait3A_438, %dma_wait3A_439] : memref<128x131072xf32, #tpu.memory_space<any>> -> memref<1x131072xf32, #tpu.memory_space<any>>
      tpu.wait_dma2 semaphore(%dma_wait3A_437 : memref<!tpu.dma_semaphore, #tpu.memory_space<semaphore_mem>>) src(%arg5 : memref<1x131072xf32, #tpu.memory_space<vmem>>) dst(%dma_wait3A_440 : memref<1x131072xf32, #tpu.memory_space<any>>)
      %dma_wait3A_441 = arith.constant 1 : i32
      %dma_wait3A_442 = tpu.memref_slice %arg7[%dma_wait3A_441] : memref<8x!tpu.dma_semaphore, #tpu.memory_space<semaphore_mem>> -> memref<1x!tpu.dma_semaphore, #tpu.memory_space<semaphore_mem>>
      %dma_wait3A_443 = tpu.memref_squeeze %dma_wait3A_442 : memref<1x!tpu.dma_semaphore, #tpu.memory_space<semaphore_mem>> -> memref<!tpu.dma_semaphore, #tpu.memory_space<semaphore_mem>>
      %dma_wait3A_444 = arith.constant 33 : i32
      %dma_wait3A_445 = arith.constant 0 : i32
      %dma_wait3A_446 = tpu.memref_slice %arg4[%dma_wait3A_444, %dma_wait3A_445] : memref<128x131072xf32, #tpu.memory_space<any>> -> memref<1x131072xf32, #tpu.memory_space<any>>
      tpu.wait_dma2 semaphore(%dma_wait3A_443 : memref<!tpu.dma_semaphore, #tpu.memory_space<semaphore_mem>>) src(%arg5 : memref<1x131072xf32, #tpu.memory_space<vmem>>) dst(%dma_wait3A_446 : memref<1x131072xf32, #tpu.memory_space<any>>)
      %dma_wait3A_447 = arith.constant 2 : i32
      %dma_wait3A_448 = tpu.memref_slice %arg7[%dma_wait3A_447] : memref<8x!tpu.dma_semaphore, #tpu.memory_space<semaphore_mem>> -> memref<1x!tpu.dma_semaphore, #tpu.memory_space<semaphore_mem>>
      %dma_wait3A_449 = tpu.memref_squeeze %dma_wait3A_448 : memref<1x!tpu.dma_semaphore, #tpu.memory_space<semaphore_mem>> -> memref<!tpu.dma_semaphore, #tpu.memory_space<semaphore_mem>>
      %dma_wait3A_450 = arith.constant 34 : i32
      %dma_wait3A_451 = arith.constant 0 : i32
      %dma_wait3A_452 = tpu.memref_slice %arg4[%dma_wait3A_450, %dma_wait3A_451] : memref<128x131072xf32, #tpu.memory_space<any>> -> memref<1x131072xf32, #tpu.memory_space<any>>
      tpu.wait_dma2 semaphore(%dma_wait3A_449 : memref<!tpu.dma_semaphore, #tpu.memory_space<semaphore_mem>>) src(%arg5 : memref<1x131072xf32, #tpu.memory_space<vmem>>) dst(%dma_wait3A_452 : memref<1x131072xf32, #tpu.memory_space<any>>)
      %dma_wait3A_453 = arith.constant 3 : i32
      %dma_wait3A_454 = tpu.memref_slice %arg7[%dma_wait3A_453] : memref<8x!tpu.dma_semaphore, #tpu.memory_space<semaphore_mem>> -> memref<1x!tpu.dma_semaphore, #tpu.memory_space<semaphore_mem>>
      %dma_wait3A_455 = tpu.memref_squeeze %dma_wait3A_454 : memref<1x!tpu.dma_semaphore, #tpu.memory_space<semaphore_mem>> -> memref<!tpu.dma_semaphore, #tpu.memory_space<semaphore_mem>>
      %dma_wait3A_456 = arith.constant 35 : i32
      %dma_wait3A_457 = arith.constant 0 : i32
      %dma_wait3A_458 = tpu.memref_slice %arg4[%dma_wait3A_456, %dma_wait3A_457] : memref<128x131072xf32, #tpu.memory_space<any>> -> memref<1x131072xf32, #tpu.memory_space<any>>
      tpu.wait_dma2 semaphore(%dma_wait3A_455 : memref<!tpu.dma_semaphore, #tpu.memory_space<semaphore_mem>>) src(%arg5 : memref<1x131072xf32, #tpu.memory_space<vmem>>) dst(%dma_wait3A_458 : memref<1x131072xf32, #tpu.memory_space<any>>)
      %dma_wait3A_459 = arith.constant 4 : i32
      %dma_wait3A_460 = tpu.memref_slice %arg7[%dma_wait3A_459] : memref<8x!tpu.dma_semaphore, #tpu.memory_space<semaphore_mem>> -> memref<1x!tpu.dma_semaphore, #tpu.memory_space<semaphore_mem>>
      %dma_wait3A_461 = tpu.memref_squeeze %dma_wait3A_460 : memref<1x!tpu.dma_semaphore, #tpu.memory_space<semaphore_mem>> -> memref<!tpu.dma_semaphore, #tpu.memory_space<semaphore_mem>>
      %dma_wait3A_462 = arith.constant 36 : i32
      %dma_wait3A_463 = arith.constant 0 : i32
      %dma_wait3A_464 = tpu.memref_slice %arg4[%dma_wait3A_462, %dma_wait3A_463] : memref<128x131072xf32, #tpu.memory_space<any>> -> memref<1x131072xf32, #tpu.memory_space<any>>
      tpu.wait_dma2 semaphore(%dma_wait3A_461 : memref<!tpu.dma_semaphore, #tpu.memory_space<semaphore_mem>>) src(%arg5 : memref<1x131072xf32, #tpu.memory_space<vmem>>) dst(%dma_wait3A_464 : memref<1x131072xf32, #tpu.memory_space<any>>)
      %dma_wait3A_465 = arith.constant 5 : i32
      %dma_wait3A_466 = tpu.memref_slice %arg7[%dma_wait3A_465] : memref<8x!tpu.dma_semaphore, #tpu.memory_space<semaphore_mem>> -> memref<1x!tpu.dma_semaphore, #tpu.memory_space<semaphore_mem>>
      %dma_wait3A_467 = tpu.memref_squeeze %dma_wait3A_466 : memref<1x!tpu.dma_semaphore, #tpu.memory_space<semaphore_mem>> -> memref<!tpu.dma_semaphore, #tpu.memory_space<semaphore_mem>>
      %dma_wait3A_468 = arith.constant 37 : i32
      %dma_wait3A_469 = arith.constant 0 : i32
      %dma_wait3A_470 = tpu.memref_slice %arg4[%dma_wait3A_468, %dma_wait3A_469] : memref<128x131072xf32, #tpu.memory_space<any>> -> memref<1x131072xf32, #tpu.memory_space<any>>
      tpu.wait_dma2 semaphore(%dma_wait3A_467 : memref<!tpu.dma_semaphore, #tpu.memory_space<semaphore_mem>>) src(%arg5 : memref<1x131072xf32, #tpu.memory_space<vmem>>) dst(%dma_wait3A_470 : memref<1x131072xf32, #tpu.memory_space<any>>)
      %dma_wait3A_471 = arith.constant 6 : i32
      %dma_wait3A_472 = tpu.memref_slice %arg7[%dma_wait3A_471] : memref<8x!tpu.dma_semaphore, #tpu.memory_space<semaphore_mem>> -> memref<1x!tpu.dma_semaphore, #tpu.memory_space<semaphore_mem>>
      %dma_wait3A_473 = tpu.memref_squeeze %dma_wait3A_472 : memref<1x!tpu.dma_semaphore, #tpu.memory_space<semaphore_mem>> -> memref<!tpu.dma_semaphore, #tpu.memory_space<semaphore_mem>>
      %dma_wait3A_474 = arith.constant 38 : i32
      %dma_wait3A_475 = arith.constant 0 : i32
      %dma_wait3A_476 = tpu.memref_slice %arg4[%dma_wait3A_474, %dma_wait3A_475] : memref<128x131072xf32, #tpu.memory_space<any>> -> memref<1x131072xf32, #tpu.memory_space<any>>
      tpu.wait_dma2 semaphore(%dma_wait3A_473 : memref<!tpu.dma_semaphore, #tpu.memory_space<semaphore_mem>>) src(%arg5 : memref<1x131072xf32, #tpu.memory_space<vmem>>) dst(%dma_wait3A_476 : memref<1x131072xf32, #tpu.memory_space<any>>)
      %dma_wait3A_477 = arith.constant 7 : i32
      %dma_wait3A_478 = tpu.memref_slice %arg7[%dma_wait3A_477] : memref<8x!tpu.dma_semaphore, #tpu.memory_space<semaphore_mem>> -> memref<1x!tpu.dma_semaphore, #tpu.memory_space<semaphore_mem>>
      %dma_wait3A_479 = tpu.memref_squeeze %dma_wait3A_478 : memref<1x!tpu.dma_semaphore, #tpu.memory_space<semaphore_mem>> -> memref<!tpu.dma_semaphore, #tpu.memory_space<semaphore_mem>>
      %dma_wait3A_480 = arith.constant 39 : i32
      %dma_wait3A_481 = arith.constant 0 : i32
      %dma_wait3A_482 = tpu.memref_slice %arg4[%dma_wait3A_480, %dma_wait3A_481] : memref<128x131072xf32, #tpu.memory_space<any>> -> memref<1x131072xf32, #tpu.memory_space<any>>
      tpu.wait_dma2 semaphore(%dma_wait3A_479 : memref<!tpu.dma_semaphore, #tpu.memory_space<semaphore_mem>>) src(%arg5 : memref<1x131072xf32, #tpu.memory_space<vmem>>) dst(%dma_wait3A_482 : memref<1x131072xf32, #tpu.memory_space<any>>)
      %dma_wait3A_483 = arith.constant 0 : i32
      %dma_wait3A_484 = tpu.memref_slice %arg7[%dma_wait3A_483] : memref<8x!tpu.dma_semaphore, #tpu.memory_space<semaphore_mem>> -> memref<1x!tpu.dma_semaphore, #tpu.memory_space<semaphore_mem>>
      %dma_wait3A_485 = tpu.memref_squeeze %dma_wait3A_484 : memref<1x!tpu.dma_semaphore, #tpu.memory_space<semaphore_mem>> -> memref<!tpu.dma_semaphore, #tpu.memory_space<semaphore_mem>>
      %dma_wait3A_486 = arith.constant 40 : i32
      %dma_wait3A_487 = arith.constant 0 : i32
      %dma_wait3A_488 = tpu.memref_slice %arg4[%dma_wait3A_486, %dma_wait3A_487] : memref<128x131072xf32, #tpu.memory_space<any>> -> memref<1x131072xf32, #tpu.memory_space<any>>
      tpu.wait_dma2 semaphore(%dma_wait3A_485 : memref<!tpu.dma_semaphore, #tpu.memory_space<semaphore_mem>>) src(%arg5 : memref<1x131072xf32, #tpu.memory_space<vmem>>) dst(%dma_wait3A_488 : memref<1x131072xf32, #tpu.memory_space<any>>)
      %dma_wait3A_489 = arith.constant 1 : i32
      %dma_wait3A_490 = tpu.memref_slice %arg7[%dma_wait3A_489] : memref<8x!tpu.dma_semaphore, #tpu.memory_space<semaphore_mem>> -> memref<1x!tpu.dma_semaphore, #tpu.memory_space<semaphore_mem>>
      %dma_wait3A_491 = tpu.memref_squeeze %dma_wait3A_490 : memref<1x!tpu.dma_semaphore, #tpu.memory_space<semaphore_mem>> -> memref<!tpu.dma_semaphore, #tpu.memory_space<semaphore_mem>>
      %dma_wait3A_492 = arith.constant 41 : i32
      %dma_wait3A_493 = arith.constant 0 : i32
      %dma_wait3A_494 = tpu.memref_slice %arg4[%dma_wait3A_492, %dma_wait3A_493] : memref<128x131072xf32, #tpu.memory_space<any>> -> memref<1x131072xf32, #tpu.memory_space<any>>
      tpu.wait_dma2 semaphore(%dma_wait3A_491 : memref<!tpu.dma_semaphore, #tpu.memory_space<semaphore_mem>>) src(%arg5 : memref<1x131072xf32, #tpu.memory_space<vmem>>) dst(%dma_wait3A_494 : memref<1x131072xf32, #tpu.memory_space<any>>)
      %dma_wait3A_495 = arith.constant 2 : i32
      %dma_wait3A_496 = tpu.memref_slice %arg7[%dma_wait3A_495] : memref<8x!tpu.dma_semaphore, #tpu.memory_space<semaphore_mem>> -> memref<1x!tpu.dma_semaphore, #tpu.memory_space<semaphore_mem>>
      %dma_wait3A_497 = tpu.memref_squeeze %dma_wait3A_496 : memref<1x!tpu.dma_semaphore, #tpu.memory_space<semaphore_mem>> -> memref<!tpu.dma_semaphore, #tpu.memory_space<semaphore_mem>>
      %dma_wait3A_498 = arith.constant 42 : i32
      %dma_wait3A_499 = arith.constant 0 : i32
      %dma_wait3A_500 = tpu.memref_slice %arg4[%dma_wait3A_498, %dma_wait3A_499] : memref<128x131072xf32, #tpu.memory_space<any>> -> memref<1x131072xf32, #tpu.memory_space<any>>
      tpu.wait_dma2 semaphore(%dma_wait3A_497 : memref<!tpu.dma_semaphore, #tpu.memory_space<semaphore_mem>>) src(%arg5 : memref<1x131072xf32, #tpu.memory_space<vmem>>) dst(%dma_wait3A_500 : memref<1x131072xf32, #tpu.memory_space<any>>)
      %dma_wait3A_501 = arith.constant 3 : i32
      %dma_wait3A_502 = tpu.memref_slice %arg7[%dma_wait3A_501] : memref<8x!tpu.dma_semaphore, #tpu.memory_space<semaphore_mem>> -> memref<1x!tpu.dma_semaphore, #tpu.memory_space<semaphore_mem>>
      %dma_wait3A_503 = tpu.memref_squeeze %dma_wait3A_502 : memref<1x!tpu.dma_semaphore, #tpu.memory_space<semaphore_mem>> -> memref<!tpu.dma_semaphore, #tpu.memory_space<semaphore_mem>>
      %dma_wait3A_504 = arith.constant 43 : i32
      %dma_wait3A_505 = arith.constant 0 : i32
      %dma_wait3A_506 = tpu.memref_slice %arg4[%dma_wait3A_504, %dma_wait3A_505] : memref<128x131072xf32, #tpu.memory_space<any>> -> memref<1x131072xf32, #tpu.memory_space<any>>
      tpu.wait_dma2 semaphore(%dma_wait3A_503 : memref<!tpu.dma_semaphore, #tpu.memory_space<semaphore_mem>>) src(%arg5 : memref<1x131072xf32, #tpu.memory_space<vmem>>) dst(%dma_wait3A_506 : memref<1x131072xf32, #tpu.memory_space<any>>)
      %dma_wait3A_507 = arith.constant 4 : i32
      %dma_wait3A_508 = tpu.memref_slice %arg7[%dma_wait3A_507] : memref<8x!tpu.dma_semaphore, #tpu.memory_space<semaphore_mem>> -> memref<1x!tpu.dma_semaphore, #tpu.memory_space<semaphore_mem>>
      %dma_wait3A_509 = tpu.memref_squeeze %dma_wait3A_508 : memref<1x!tpu.dma_semaphore, #tpu.memory_space<semaphore_mem>> -> memref<!tpu.dma_semaphore, #tpu.memory_space<semaphore_mem>>
      %dma_wait3A_510 = arith.constant 44 : i32
      %dma_wait3A_511 = arith.constant 0 : i32
      %dma_wait3A_512 = tpu.memref_slice %arg4[%dma_wait3A_510, %dma_wait3A_511] : memref<128x131072xf32, #tpu.memory_space<any>> -> memref<1x131072xf32, #tpu.memory_space<any>>
      tpu.wait_dma2 semaphore(%dma_wait3A_509 : memref<!tpu.dma_semaphore, #tpu.memory_space<semaphore_mem>>) src(%arg5 : memref<1x131072xf32, #tpu.memory_space<vmem>>) dst(%dma_wait3A_512 : memref<1x131072xf32, #tpu.memory_space<any>>)
      %dma_wait3A_513 = arith.constant 5 : i32
      %dma_wait3A_514 = tpu.memref_slice %arg7[%dma_wait3A_513] : memref<8x!tpu.dma_semaphore, #tpu.memory_space<semaphore_mem>> -> memref<1x!tpu.dma_semaphore, #tpu.memory_space<semaphore_mem>>
      %dma_wait3A_515 = tpu.memref_squeeze %dma_wait3A_514 : memref<1x!tpu.dma_semaphore, #tpu.memory_space<semaphore_mem>> -> memref<!tpu.dma_semaphore, #tpu.memory_space<semaphore_mem>>
      %dma_wait3A_516 = arith.constant 45 : i32
      %dma_wait3A_517 = arith.constant 0 : i32
      %dma_wait3A_518 = tpu.memref_slice %arg4[%dma_wait3A_516, %dma_wait3A_517] : memref<128x131072xf32, #tpu.memory_space<any>> -> memref<1x131072xf32, #tpu.memory_space<any>>
      tpu.wait_dma2 semaphore(%dma_wait3A_515 : memref<!tpu.dma_semaphore, #tpu.memory_space<semaphore_mem>>) src(%arg5 : memref<1x131072xf32, #tpu.memory_space<vmem>>) dst(%dma_wait3A_518 : memref<1x131072xf32, #tpu.memory_space<any>>)
      %dma_wait3A_519 = arith.constant 6 : i32
      %dma_wait3A_520 = tpu.memref_slice %arg7[%dma_wait3A_519] : memref<8x!tpu.dma_semaphore, #tpu.memory_space<semaphore_mem>> -> memref<1x!tpu.dma_semaphore, #tpu.memory_space<semaphore_mem>>
      %dma_wait3A_521 = tpu.memref_squeeze %dma_wait3A_520 : memref<1x!tpu.dma_semaphore, #tpu.memory_space<semaphore_mem>> -> memref<!tpu.dma_semaphore, #tpu.memory_space<semaphore_mem>>
      %dma_wait3A_522 = arith.constant 46 : i32
      %dma_wait3A_523 = arith.constant 0 : i32
      %dma_wait3A_524 = tpu.memref_slice %arg4[%dma_wait3A_522, %dma_wait3A_523] : memref<128x131072xf32, #tpu.memory_space<any>> -> memref<1x131072xf32, #tpu.memory_space<any>>
      tpu.wait_dma2 semaphore(%dma_wait3A_521 : memref<!tpu.dma_semaphore, #tpu.memory_space<semaphore_mem>>) src(%arg5 : memref<1x131072xf32, #tpu.memory_space<vmem>>) dst(%dma_wait3A_524 : memref<1x131072xf32, #tpu.memory_space<any>>)
      %dma_wait3A_525 = arith.constant 7 : i32
      %dma_wait3A_526 = tpu.memref_slice %arg7[%dma_wait3A_525] : memref<8x!tpu.dma_semaphore, #tpu.memory_space<semaphore_mem>> -> memref<1x!tpu.dma_semaphore, #tpu.memory_space<semaphore_mem>>
      %dma_wait3A_527 = tpu.memref_squeeze %dma_wait3A_526 : memref<1x!tpu.dma_semaphore, #tpu.memory_space<semaphore_mem>> -> memref<!tpu.dma_semaphore, #tpu.memory_space<semaphore_mem>>
      %dma_wait3A_528 = arith.constant 47 : i32
      %dma_wait3A_529 = arith.constant 0 : i32
      %dma_wait3A_530 = tpu.memref_slice %arg4[%dma_wait3A_528, %dma_wait3A_529] : memref<128x131072xf32, #tpu.memory_space<any>> -> memref<1x131072xf32, #tpu.memory_space<any>>
      tpu.wait_dma2 semaphore(%dma_wait3A_527 : memref<!tpu.dma_semaphore, #tpu.memory_space<semaphore_mem>>) src(%arg5 : memref<1x131072xf32, #tpu.memory_space<vmem>>) dst(%dma_wait3A_530 : memref<1x131072xf32, #tpu.memory_space<any>>)
      %dma_wait3A_531 = arith.constant 0 : i32
      %dma_wait3A_532 = tpu.memref_slice %arg7[%dma_wait3A_531] : memref<8x!tpu.dma_semaphore, #tpu.memory_space<semaphore_mem>> -> memref<1x!tpu.dma_semaphore, #tpu.memory_space<semaphore_mem>>
      %dma_wait3A_533 = tpu.memref_squeeze %dma_wait3A_532 : memref<1x!tpu.dma_semaphore, #tpu.memory_space<semaphore_mem>> -> memref<!tpu.dma_semaphore, #tpu.memory_space<semaphore_mem>>
      %dma_wait3A_534 = arith.constant 48 : i32
      %dma_wait3A_535 = arith.constant 0 : i32
      %dma_wait3A_536 = tpu.memref_slice %arg4[%dma_wait3A_534, %dma_wait3A_535] : memref<128x131072xf32, #tpu.memory_space<any>> -> memref<1x131072xf32, #tpu.memory_space<any>>
      tpu.wait_dma2 semaphore(%dma_wait3A_533 : memref<!tpu.dma_semaphore, #tpu.memory_space<semaphore_mem>>) src(%arg5 : memref<1x131072xf32, #tpu.memory_space<vmem>>) dst(%dma_wait3A_536 : memref<1x131072xf32, #tpu.memory_space<any>>)
      %dma_wait3A_537 = arith.constant 1 : i32
      %dma_wait3A_538 = tpu.memref_slice %arg7[%dma_wait3A_537] : memref<8x!tpu.dma_semaphore, #tpu.memory_space<semaphore_mem>> -> memref<1x!tpu.dma_semaphore, #tpu.memory_space<semaphore_mem>>
      %dma_wait3A_539 = tpu.memref_squeeze %dma_wait3A_538 : memref<1x!tpu.dma_semaphore, #tpu.memory_space<semaphore_mem>> -> memref<!tpu.dma_semaphore, #tpu.memory_space<semaphore_mem>>
      %dma_wait3A_540 = arith.constant 49 : i32
      %dma_wait3A_541 = arith.constant 0 : i32
      %dma_wait3A_542 = tpu.memref_slice %arg4[%dma_wait3A_540, %dma_wait3A_541] : memref<128x131072xf32, #tpu.memory_space<any>> -> memref<1x131072xf32, #tpu.memory_space<any>>
      tpu.wait_dma2 semaphore(%dma_wait3A_539 : memref<!tpu.dma_semaphore, #tpu.memory_space<semaphore_mem>>) src(%arg5 : memref<1x131072xf32, #tpu.memory_space<vmem>>) dst(%dma_wait3A_542 : memref<1x131072xf32, #tpu.memory_space<any>>)
      %dma_wait3A_543 = arith.constant 2 : i32
      %dma_wait3A_544 = tpu.memref_slice %arg7[%dma_wait3A_543] : memref<8x!tpu.dma_semaphore, #tpu.memory_space<semaphore_mem>> -> memref<1x!tpu.dma_semaphore, #tpu.memory_space<semaphore_mem>>
      %dma_wait3A_545 = tpu.memref_squeeze %dma_wait3A_544 : memref<1x!tpu.dma_semaphore, #tpu.memory_space<semaphore_mem>> -> memref<!tpu.dma_semaphore, #tpu.memory_space<semaphore_mem>>
      %dma_wait3A_546 = arith.constant 50 : i32
      %dma_wait3A_547 = arith.constant 0 : i32
      %dma_wait3A_548 = tpu.memref_slice %arg4[%dma_wait3A_546, %dma_wait3A_547] : memref<128x131072xf32, #tpu.memory_space<any>> -> memref<1x131072xf32, #tpu.memory_space<any>>
      tpu.wait_dma2 semaphore(%dma_wait3A_545 : memref<!tpu.dma_semaphore, #tpu.memory_space<semaphore_mem>>) src(%arg5 : memref<1x131072xf32, #tpu.memory_space<vmem>>) dst(%dma_wait3A_548 : memref<1x131072xf32, #tpu.memory_space<any>>)
      %dma_wait3A_549 = arith.constant 3 : i32
      %dma_wait3A_550 = tpu.memref_slice %arg7[%dma_wait3A_549] : memref<8x!tpu.dma_semaphore, #tpu.memory_space<semaphore_mem>> -> memref<1x!tpu.dma_semaphore, #tpu.memory_space<semaphore_mem>>
      %dma_wait3A_551 = tpu.memref_squeeze %dma_wait3A_550 : memref<1x!tpu.dma_semaphore, #tpu.memory_space<semaphore_mem>> -> memref<!tpu.dma_semaphore, #tpu.memory_space<semaphore_mem>>
      %dma_wait3A_552 = arith.constant 51 : i32
      %dma_wait3A_553 = arith.constant 0 : i32
      %dma_wait3A_554 = tpu.memref_slice %arg4[%dma_wait3A_552, %dma_wait3A_553] : memref<128x131072xf32, #tpu.memory_space<any>> -> memref<1x131072xf32, #tpu.memory_space<any>>
      tpu.wait_dma2 semaphore(%dma_wait3A_551 : memref<!tpu.dma_semaphore, #tpu.memory_space<semaphore_mem>>) src(%arg5 : memref<1x131072xf32, #tpu.memory_space<vmem>>) dst(%dma_wait3A_554 : memref<1x131072xf32, #tpu.memory_space<any>>)
      %dma_wait3A_555 = arith.constant 4 : i32
      %dma_wait3A_556 = tpu.memref_slice %arg7[%dma_wait3A_555] : memref<8x!tpu.dma_semaphore, #tpu.memory_space<semaphore_mem>> -> memref<1x!tpu.dma_semaphore, #tpu.memory_space<semaphore_mem>>
      %dma_wait3A_557 = tpu.memref_squeeze %dma_wait3A_556 : memref<1x!tpu.dma_semaphore, #tpu.memory_space<semaphore_mem>> -> memref<!tpu.dma_semaphore, #tpu.memory_space<semaphore_mem>>
      %dma_wait3A_558 = arith.constant 52 : i32
      %dma_wait3A_559 = arith.constant 0 : i32
      %dma_wait3A_560 = tpu.memref_slice %arg4[%dma_wait3A_558, %dma_wait3A_559] : memref<128x131072xf32, #tpu.memory_space<any>> -> memref<1x131072xf32, #tpu.memory_space<any>>
      tpu.wait_dma2 semaphore(%dma_wait3A_557 : memref<!tpu.dma_semaphore, #tpu.memory_space<semaphore_mem>>) src(%arg5 : memref<1x131072xf32, #tpu.memory_space<vmem>>) dst(%dma_wait3A_560 : memref<1x131072xf32, #tpu.memory_space<any>>)
      %dma_wait3A_561 = arith.constant 5 : i32
      %dma_wait3A_562 = tpu.memref_slice %arg7[%dma_wait3A_561] : memref<8x!tpu.dma_semaphore, #tpu.memory_space<semaphore_mem>> -> memref<1x!tpu.dma_semaphore, #tpu.memory_space<semaphore_mem>>
      %dma_wait3A_563 = tpu.memref_squeeze %dma_wait3A_562 : memref<1x!tpu.dma_semaphore, #tpu.memory_space<semaphore_mem>> -> memref<!tpu.dma_semaphore, #tpu.memory_space<semaphore_mem>>
      %dma_wait3A_564 = arith.constant 53 : i32
      %dma_wait3A_565 = arith.constant 0 : i32
      %dma_wait3A_566 = tpu.memref_slice %arg4[%dma_wait3A_564, %dma_wait3A_565] : memref<128x131072xf32, #tpu.memory_space<any>> -> memref<1x131072xf32, #tpu.memory_space<any>>
      tpu.wait_dma2 semaphore(%dma_wait3A_563 : memref<!tpu.dma_semaphore, #tpu.memory_space<semaphore_mem>>) src(%arg5 : memref<1x131072xf32, #tpu.memory_space<vmem>>) dst(%dma_wait3A_566 : memref<1x131072xf32, #tpu.memory_space<any>>)
      %dma_wait3A_567 = arith.constant 6 : i32
      %dma_wait3A_568 = tpu.memref_slice %arg7[%dma_wait3A_567] : memref<8x!tpu.dma_semaphore, #tpu.memory_space<semaphore_mem>> -> memref<1x!tpu.dma_semaphore, #tpu.memory_space<semaphore_mem>>
      %dma_wait3A_569 = tpu.memref_squeeze %dma_wait3A_568 : memref<1x!tpu.dma_semaphore, #tpu.memory_space<semaphore_mem>> -> memref<!tpu.dma_semaphore, #tpu.memory_space<semaphore_mem>>
      %dma_wait3A_570 = arith.constant 54 : i32
      %dma_wait3A_571 = arith.constant 0 : i32
      %dma_wait3A_572 = tpu.memref_slice %arg4[%dma_wait3A_570, %dma_wait3A_571] : memref<128x131072xf32, #tpu.memory_space<any>> -> memref<1x131072xf32, #tpu.memory_space<any>>
      tpu.wait_dma2 semaphore(%dma_wait3A_569 : memref<!tpu.dma_semaphore, #tpu.memory_space<semaphore_mem>>) src(%arg5 : memref<1x131072xf32, #tpu.memory_space<vmem>>) dst(%dma_wait3A_572 : memref<1x131072xf32, #tpu.memory_space<any>>)
      %dma_wait3A_573 = arith.constant 7 : i32
      %dma_wait3A_574 = tpu.memref_slice %arg7[%dma_wait3A_573] : memref<8x!tpu.dma_semaphore, #tpu.memory_space<semaphore_mem>> -> memref<1x!tpu.dma_semaphore, #tpu.memory_space<semaphore_mem>>
      %dma_wait3A_575 = tpu.memref_squeeze %dma_wait3A_574 : memref<1x!tpu.dma_semaphore, #tpu.memory_space<semaphore_mem>> -> memref<!tpu.dma_semaphore, #tpu.memory_space<semaphore_mem>>
      %dma_wait3A_576 = arith.constant 55 : i32
      %dma_wait3A_577 = arith.constant 0 : i32
      %dma_wait3A_578 = tpu.memref_slice %arg4[%dma_wait3A_576, %dma_wait3A_577] : memref<128x131072xf32, #tpu.memory_space<any>> -> memref<1x131072xf32, #tpu.memory_space<any>>
      tpu.wait_dma2 semaphore(%dma_wait3A_575 : memref<!tpu.dma_semaphore, #tpu.memory_space<semaphore_mem>>) src(%arg5 : memref<1x131072xf32, #tpu.memory_space<vmem>>) dst(%dma_wait3A_578 : memref<1x131072xf32, #tpu.memory_space<any>>)
      %dma_wait3A_579 = arith.constant 0 : i32
      %dma_wait3A_580 = tpu.memref_slice %arg7[%dma_wait3A_579] : memref<8x!tpu.dma_semaphore, #tpu.memory_space<semaphore_mem>> -> memref<1x!tpu.dma_semaphore, #tpu.memory_space<semaphore_mem>>
      %dma_wait3A_581 = tpu.memref_squeeze %dma_wait3A_580 : memref<1x!tpu.dma_semaphore, #tpu.memory_space<semaphore_mem>> -> memref<!tpu.dma_semaphore, #tpu.memory_space<semaphore_mem>>
      %dma_wait3A_582 = arith.constant 56 : i32
      %dma_wait3A_583 = arith.constant 0 : i32
      %dma_wait3A_584 = tpu.memref_slice %arg4[%dma_wait3A_582, %dma_wait3A_583] : memref<128x131072xf32, #tpu.memory_space<any>> -> memref<1x131072xf32, #tpu.memory_space<any>>
      tpu.wait_dma2 semaphore(%dma_wait3A_581 : memref<!tpu.dma_semaphore, #tpu.memory_space<semaphore_mem>>) src(%arg5 : memref<1x131072xf32, #tpu.memory_space<vmem>>) dst(%dma_wait3A_584 : memref<1x131072xf32, #tpu.memory_space<any>>)
      %dma_wait3A_585 = arith.constant 1 : i32
      %dma_wait3A_586 = tpu.memref_slice %arg7[%dma_wait3A_585] : memref<8x!tpu.dma_semaphore, #tpu.memory_space<semaphore_mem>> -> memref<1x!tpu.dma_semaphore, #tpu.memory_space<semaphore_mem>>
      %dma_wait3A_587 = tpu.memref_squeeze %dma_wait3A_586 : memref<1x!tpu.dma_semaphore, #tpu.memory_space<semaphore_mem>> -> memref<!tpu.dma_semaphore, #tpu.memory_space<semaphore_mem>>
      %dma_wait3A_588 = arith.constant 57 : i32
      %dma_wait3A_589 = arith.constant 0 : i32
      %dma_wait3A_590 = tpu.memref_slice %arg4[%dma_wait3A_588, %dma_wait3A_589] : memref<128x131072xf32, #tpu.memory_space<any>> -> memref<1x131072xf32, #tpu.memory_space<any>>
      tpu.wait_dma2 semaphore(%dma_wait3A_587 : memref<!tpu.dma_semaphore, #tpu.memory_space<semaphore_mem>>) src(%arg5 : memref<1x131072xf32, #tpu.memory_space<vmem>>) dst(%dma_wait3A_590 : memref<1x131072xf32, #tpu.memory_space<any>>)
      %dma_wait3A_591 = arith.constant 2 : i32
      %dma_wait3A_592 = tpu.memref_slice %arg7[%dma_wait3A_591] : memref<8x!tpu.dma_semaphore, #tpu.memory_space<semaphore_mem>> -> memref<1x!tpu.dma_semaphore, #tpu.memory_space<semaphore_mem>>
      %dma_wait3A_593 = tpu.memref_squeeze %dma_wait3A_592 : memref<1x!tpu.dma_semaphore, #tpu.memory_space<semaphore_mem>> -> memref<!tpu.dma_semaphore, #tpu.memory_space<semaphore_mem>>
      %dma_wait3A_594 = arith.constant 58 : i32
      %dma_wait3A_595 = arith.constant 0 : i32
      %dma_wait3A_596 = tpu.memref_slice %arg4[%dma_wait3A_594, %dma_wait3A_595] : memref<128x131072xf32, #tpu.memory_space<any>> -> memref<1x131072xf32, #tpu.memory_space<any>>
      tpu.wait_dma2 semaphore(%dma_wait3A_593 : memref<!tpu.dma_semaphore, #tpu.memory_space<semaphore_mem>>) src(%arg5 : memref<1x131072xf32, #tpu.memory_space<vmem>>) dst(%dma_wait3A_596 : memref<1x131072xf32, #tpu.memory_space<any>>)
      %dma_wait3A_597 = arith.constant 3 : i32
      %dma_wait3A_598 = tpu.memref_slice %arg7[%dma_wait3A_597] : memref<8x!tpu.dma_semaphore, #tpu.memory_space<semaphore_mem>> -> memref<1x!tpu.dma_semaphore, #tpu.memory_space<semaphore_mem>>
      %dma_wait3A_599 = tpu.memref_squeeze %dma_wait3A_598 : memref<1x!tpu.dma_semaphore, #tpu.memory_space<semaphore_mem>> -> memref<!tpu.dma_semaphore, #tpu.memory_space<semaphore_mem>>
      %dma_wait3A_600 = arith.constant 59 : i32
      %dma_wait3A_601 = arith.constant 0 : i32
      %dma_wait3A_602 = tpu.memref_slice %arg4[%dma_wait3A_600, %dma_wait3A_601] : memref<128x131072xf32, #tpu.memory_space<any>> -> memref<1x131072xf32, #tpu.memory_space<any>>
      tpu.wait_dma2 semaphore(%dma_wait3A_599 : memref<!tpu.dma_semaphore, #tpu.memory_space<semaphore_mem>>) src(%arg5 : memref<1x131072xf32, #tpu.memory_space<vmem>>) dst(%dma_wait3A_602 : memref<1x131072xf32, #tpu.memory_space<any>>)
      %dma_wait3A_603 = arith.constant 4 : i32
      %dma_wait3A_604 = tpu.memref_slice %arg7[%dma_wait3A_603] : memref<8x!tpu.dma_semaphore, #tpu.memory_space<semaphore_mem>> -> memref<1x!tpu.dma_semaphore, #tpu.memory_space<semaphore_mem>>
      %dma_wait3A_605 = tpu.memref_squeeze %dma_wait3A_604 : memref<1x!tpu.dma_semaphore, #tpu.memory_space<semaphore_mem>> -> memref<!tpu.dma_semaphore, #tpu.memory_space<semaphore_mem>>
      %dma_wait3A_606 = arith.constant 60 : i32
      %dma_wait3A_607 = arith.constant 0 : i32
      %dma_wait3A_608 = tpu.memref_slice %arg4[%dma_wait3A_606, %dma_wait3A_607] : memref<128x131072xf32, #tpu.memory_space<any>> -> memref<1x131072xf32, #tpu.memory_space<any>>
      tpu.wait_dma2 semaphore(%dma_wait3A_605 : memref<!tpu.dma_semaphore, #tpu.memory_space<semaphore_mem>>) src(%arg5 : memref<1x131072xf32, #tpu.memory_space<vmem>>) dst(%dma_wait3A_608 : memref<1x131072xf32, #tpu.memory_space<any>>)
      %dma_wait3A_609 = arith.constant 5 : i32
      %dma_wait3A_610 = tpu.memref_slice %arg7[%dma_wait3A_609] : memref<8x!tpu.dma_semaphore, #tpu.memory_space<semaphore_mem>> -> memref<1x!tpu.dma_semaphore, #tpu.memory_space<semaphore_mem>>
      %dma_wait3A_611 = tpu.memref_squeeze %dma_wait3A_610 : memref<1x!tpu.dma_semaphore, #tpu.memory_space<semaphore_mem>> -> memref<!tpu.dma_semaphore, #tpu.memory_space<semaphore_mem>>
      %dma_wait3A_612 = arith.constant 61 : i32
      %dma_wait3A_613 = arith.constant 0 : i32
      %dma_wait3A_614 = tpu.memref_slice %arg4[%dma_wait3A_612, %dma_wait3A_613] : memref<128x131072xf32, #tpu.memory_space<any>> -> memref<1x131072xf32, #tpu.memory_space<any>>
      tpu.wait_dma2 semaphore(%dma_wait3A_611 : memref<!tpu.dma_semaphore, #tpu.memory_space<semaphore_mem>>) src(%arg5 : memref<1x131072xf32, #tpu.memory_space<vmem>>) dst(%dma_wait3A_614 : memref<1x131072xf32, #tpu.memory_space<any>>)
      %dma_wait3A_615 = arith.constant 6 : i32
      %dma_wait3A_616 = tpu.memref_slice %arg7[%dma_wait3A_615] : memref<8x!tpu.dma_semaphore, #tpu.memory_space<semaphore_mem>> -> memref<1x!tpu.dma_semaphore, #tpu.memory_space<semaphore_mem>>
      %dma_wait3A_617 = tpu.memref_squeeze %dma_wait3A_616 : memref<1x!tpu.dma_semaphore, #tpu.memory_space<semaphore_mem>> -> memref<!tpu.dma_semaphore, #tpu.memory_space<semaphore_mem>>
      %dma_wait3A_618 = arith.constant 62 : i32
      %dma_wait3A_619 = arith.constant 0 : i32
      %dma_wait3A_620 = tpu.memref_slice %arg4[%dma_wait3A_618, %dma_wait3A_619] : memref<128x131072xf32, #tpu.memory_space<any>> -> memref<1x131072xf32, #tpu.memory_space<any>>
      tpu.wait_dma2 semaphore(%dma_wait3A_617 : memref<!tpu.dma_semaphore, #tpu.memory_space<semaphore_mem>>) src(%arg5 : memref<1x131072xf32, #tpu.memory_space<vmem>>) dst(%dma_wait3A_620 : memref<1x131072xf32, #tpu.memory_space<any>>)
      %dma_wait3A_621 = arith.constant 7 : i32
      %dma_wait3A_622 = tpu.memref_slice %arg7[%dma_wait3A_621] : memref<8x!tpu.dma_semaphore, #tpu.memory_space<semaphore_mem>> -> memref<1x!tpu.dma_semaphore, #tpu.memory_space<semaphore_mem>>
      %dma_wait3A_623 = tpu.memref_squeeze %dma_wait3A_622 : memref<1x!tpu.dma_semaphore, #tpu.memory_space<semaphore_mem>> -> memref<!tpu.dma_semaphore, #tpu.memory_space<semaphore_mem>>
      %dma_wait3A_624 = arith.constant 63 : i32
      %dma_wait3A_625 = arith.constant 0 : i32
      %dma_wait3A_626 = tpu.memref_slice %arg4[%dma_wait3A_624, %dma_wait3A_625] : memref<128x131072xf32, #tpu.memory_space<any>> -> memref<1x131072xf32, #tpu.memory_space<any>>
      tpu.wait_dma2 semaphore(%dma_wait3A_623 : memref<!tpu.dma_semaphore, #tpu.memory_space<semaphore_mem>>) src(%arg5 : memref<1x131072xf32, #tpu.memory_space<vmem>>) dst(%dma_wait3A_626 : memref<1x131072xf32, #tpu.memory_space<any>>)
      %dma_wait3A_627 = arith.constant 0 : i32
      %dma_wait3A_628 = tpu.memref_slice %arg7[%dma_wait3A_627] : memref<8x!tpu.dma_semaphore, #tpu.memory_space<semaphore_mem>> -> memref<1x!tpu.dma_semaphore, #tpu.memory_space<semaphore_mem>>
      %dma_wait3A_629 = tpu.memref_squeeze %dma_wait3A_628 : memref<1x!tpu.dma_semaphore, #tpu.memory_space<semaphore_mem>> -> memref<!tpu.dma_semaphore, #tpu.memory_space<semaphore_mem>>
      %dma_wait3A_630 = arith.constant 64 : i32
      %dma_wait3A_631 = arith.constant 0 : i32
      %dma_wait3A_632 = tpu.memref_slice %arg4[%dma_wait3A_630, %dma_wait3A_631] : memref<128x131072xf32, #tpu.memory_space<any>> -> memref<1x131072xf32, #tpu.memory_space<any>>
      tpu.wait_dma2 semaphore(%dma_wait3A_629 : memref<!tpu.dma_semaphore, #tpu.memory_space<semaphore_mem>>) src(%arg5 : memref<1x131072xf32, #tpu.memory_space<vmem>>) dst(%dma_wait3A_632 : memref<1x131072xf32, #tpu.memory_space<any>>)
      %dma_wait3A_633 = arith.constant 1 : i32
      %dma_wait3A_634 = tpu.memref_slice %arg7[%dma_wait3A_633] : memref<8x!tpu.dma_semaphore, #tpu.memory_space<semaphore_mem>> -> memref<1x!tpu.dma_semaphore, #tpu.memory_space<semaphore_mem>>
      %dma_wait3A_635 = tpu.memref_squeeze %dma_wait3A_634 : memref<1x!tpu.dma_semaphore, #tpu.memory_space<semaphore_mem>> -> memref<!tpu.dma_semaphore, #tpu.memory_space<semaphore_mem>>
      %dma_wait3A_636 = arith.constant 65 : i32
      %dma_wait3A_637 = arith.constant 0 : i32
      %dma_wait3A_638 = tpu.memref_slice %arg4[%dma_wait3A_636, %dma_wait3A_637] : memref<128x131072xf32, #tpu.memory_space<any>> -> memref<1x131072xf32, #tpu.memory_space<any>>
      tpu.wait_dma2 semaphore(%dma_wait3A_635 : memref<!tpu.dma_semaphore, #tpu.memory_space<semaphore_mem>>) src(%arg5 : memref<1x131072xf32, #tpu.memory_space<vmem>>) dst(%dma_wait3A_638 : memref<1x131072xf32, #tpu.memory_space<any>>)
      %dma_wait3A_639 = arith.constant 2 : i32
      %dma_wait3A_640 = tpu.memref_slice %arg7[%dma_wait3A_639] : memref<8x!tpu.dma_semaphore, #tpu.memory_space<semaphore_mem>> -> memref<1x!tpu.dma_semaphore, #tpu.memory_space<semaphore_mem>>
      %dma_wait3A_641 = tpu.memref_squeeze %dma_wait3A_640 : memref<1x!tpu.dma_semaphore, #tpu.memory_space<semaphore_mem>> -> memref<!tpu.dma_semaphore, #tpu.memory_space<semaphore_mem>>
      %dma_wait3A_642 = arith.constant 66 : i32
      %dma_wait3A_643 = arith.constant 0 : i32
      %dma_wait3A_644 = tpu.memref_slice %arg4[%dma_wait3A_642, %dma_wait3A_643] : memref<128x131072xf32, #tpu.memory_space<any>> -> memref<1x131072xf32, #tpu.memory_space<any>>
      tpu.wait_dma2 semaphore(%dma_wait3A_641 : memref<!tpu.dma_semaphore, #tpu.memory_space<semaphore_mem>>) src(%arg5 : memref<1x131072xf32, #tpu.memory_space<vmem>>) dst(%dma_wait3A_644 : memref<1x131072xf32, #tpu.memory_space<any>>)
      %dma_wait3A_645 = arith.constant 3 : i32
      %dma_wait3A_646 = tpu.memref_slice %arg7[%dma_wait3A_645] : memref<8x!tpu.dma_semaphore, #tpu.memory_space<semaphore_mem>> -> memref<1x!tpu.dma_semaphore, #tpu.memory_space<semaphore_mem>>
      %dma_wait3A_647 = tpu.memref_squeeze %dma_wait3A_646 : memref<1x!tpu.dma_semaphore, #tpu.memory_space<semaphore_mem>> -> memref<!tpu.dma_semaphore, #tpu.memory_space<semaphore_mem>>
      %dma_wait3A_648 = arith.constant 67 : i32
      %dma_wait3A_649 = arith.constant 0 : i32
      %dma_wait3A_650 = tpu.memref_slice %arg4[%dma_wait3A_648, %dma_wait3A_649] : memref<128x131072xf32, #tpu.memory_space<any>> -> memref<1x131072xf32, #tpu.memory_space<any>>
      tpu.wait_dma2 semaphore(%dma_wait3A_647 : memref<!tpu.dma_semaphore, #tpu.memory_space<semaphore_mem>>) src(%arg5 : memref<1x131072xf32, #tpu.memory_space<vmem>>) dst(%dma_wait3A_650 : memref<1x131072xf32, #tpu.memory_space<any>>)
      %dma_wait3A_651 = arith.constant 4 : i32
      %dma_wait3A_652 = tpu.memref_slice %arg7[%dma_wait3A_651] : memref<8x!tpu.dma_semaphore, #tpu.memory_space<semaphore_mem>> -> memref<1x!tpu.dma_semaphore, #tpu.memory_space<semaphore_mem>>
      %dma_wait3A_653 = tpu.memref_squeeze %dma_wait3A_652 : memref<1x!tpu.dma_semaphore, #tpu.memory_space<semaphore_mem>> -> memref<!tpu.dma_semaphore, #tpu.memory_space<semaphore_mem>>
      %dma_wait3A_654 = arith.constant 68 : i32
      %dma_wait3A_655 = arith.constant 0 : i32
      %dma_wait3A_656 = tpu.memref_slice %arg4[%dma_wait3A_654, %dma_wait3A_655] : memref<128x131072xf32, #tpu.memory_space<any>> -> memref<1x131072xf32, #tpu.memory_space<any>>
      tpu.wait_dma2 semaphore(%dma_wait3A_653 : memref<!tpu.dma_semaphore, #tpu.memory_space<semaphore_mem>>) src(%arg5 : memref<1x131072xf32, #tpu.memory_space<vmem>>) dst(%dma_wait3A_656 : memref<1x131072xf32, #tpu.memory_space<any>>)
      %dma_wait3A_657 = arith.constant 5 : i32
      %dma_wait3A_658 = tpu.memref_slice %arg7[%dma_wait3A_657] : memref<8x!tpu.dma_semaphore, #tpu.memory_space<semaphore_mem>> -> memref<1x!tpu.dma_semaphore, #tpu.memory_space<semaphore_mem>>
      %dma_wait3A_659 = tpu.memref_squeeze %dma_wait3A_658 : memref<1x!tpu.dma_semaphore, #tpu.memory_space<semaphore_mem>> -> memref<!tpu.dma_semaphore, #tpu.memory_space<semaphore_mem>>
      %dma_wait3A_660 = arith.constant 69 : i32
      %dma_wait3A_661 = arith.constant 0 : i32
      %dma_wait3A_662 = tpu.memref_slice %arg4[%dma_wait3A_660, %dma_wait3A_661] : memref<128x131072xf32, #tpu.memory_space<any>> -> memref<1x131072xf32, #tpu.memory_space<any>>
      tpu.wait_dma2 semaphore(%dma_wait3A_659 : memref<!tpu.dma_semaphore, #tpu.memory_space<semaphore_mem>>) src(%arg5 : memref<1x131072xf32, #tpu.memory_space<vmem>>) dst(%dma_wait3A_662 : memref<1x131072xf32, #tpu.memory_space<any>>)
      %dma_wait3A_663 = arith.constant 6 : i32
      %dma_wait3A_664 = tpu.memref_slice %arg7[%dma_wait3A_663] : memref<8x!tpu.dma_semaphore, #tpu.memory_space<semaphore_mem>> -> memref<1x!tpu.dma_semaphore, #tpu.memory_space<semaphore_mem>>
      %dma_wait3A_665 = tpu.memref_squeeze %dma_wait3A_664 : memref<1x!tpu.dma_semaphore, #tpu.memory_space<semaphore_mem>> -> memref<!tpu.dma_semaphore, #tpu.memory_space<semaphore_mem>>
      %dma_wait3A_666 = arith.constant 70 : i32
      %dma_wait3A_667 = arith.constant 0 : i32
      %dma_wait3A_668 = tpu.memref_slice %arg4[%dma_wait3A_666, %dma_wait3A_667] : memref<128x131072xf32, #tpu.memory_space<any>> -> memref<1x131072xf32, #tpu.memory_space<any>>
      tpu.wait_dma2 semaphore(%dma_wait3A_665 : memref<!tpu.dma_semaphore, #tpu.memory_space<semaphore_mem>>) src(%arg5 : memref<1x131072xf32, #tpu.memory_space<vmem>>) dst(%dma_wait3A_668 : memref<1x131072xf32, #tpu.memory_space<any>>)
      %dma_wait3A_669 = arith.constant 7 : i32
      %dma_wait3A_670 = tpu.memref_slice %arg7[%dma_wait3A_669] : memref<8x!tpu.dma_semaphore, #tpu.memory_space<semaphore_mem>> -> memref<1x!tpu.dma_semaphore, #tpu.memory_space<semaphore_mem>>
      %dma_wait3A_671 = tpu.memref_squeeze %dma_wait3A_670 : memref<1x!tpu.dma_semaphore, #tpu.memory_space<semaphore_mem>> -> memref<!tpu.dma_semaphore, #tpu.memory_space<semaphore_mem>>
      %dma_wait3A_672 = arith.constant 71 : i32
      %dma_wait3A_673 = arith.constant 0 : i32
      %dma_wait3A_674 = tpu.memref_slice %arg4[%dma_wait3A_672, %dma_wait3A_673] : memref<128x131072xf32, #tpu.memory_space<any>> -> memref<1x131072xf32, #tpu.memory_space<any>>
      tpu.wait_dma2 semaphore(%dma_wait3A_671 : memref<!tpu.dma_semaphore, #tpu.memory_space<semaphore_mem>>) src(%arg5 : memref<1x131072xf32, #tpu.memory_space<vmem>>) dst(%dma_wait3A_674 : memref<1x131072xf32, #tpu.memory_space<any>>)
      %dma_wait3A_675 = arith.constant 0 : i32
      %dma_wait3A_676 = tpu.memref_slice %arg7[%dma_wait3A_675] : memref<8x!tpu.dma_semaphore, #tpu.memory_space<semaphore_mem>> -> memref<1x!tpu.dma_semaphore, #tpu.memory_space<semaphore_mem>>
      %dma_wait3A_677 = tpu.memref_squeeze %dma_wait3A_676 : memref<1x!tpu.dma_semaphore, #tpu.memory_space<semaphore_mem>> -> memref<!tpu.dma_semaphore, #tpu.memory_space<semaphore_mem>>
      %dma_wait3A_678 = arith.constant 72 : i32
      %dma_wait3A_679 = arith.constant 0 : i32
      %dma_wait3A_680 = tpu.memref_slice %arg4[%dma_wait3A_678, %dma_wait3A_679] : memref<128x131072xf32, #tpu.memory_space<any>> -> memref<1x131072xf32, #tpu.memory_space<any>>
      tpu.wait_dma2 semaphore(%dma_wait3A_677 : memref<!tpu.dma_semaphore, #tpu.memory_space<semaphore_mem>>) src(%arg5 : memref<1x131072xf32, #tpu.memory_space<vmem>>) dst(%dma_wait3A_680 : memref<1x131072xf32, #tpu.memory_space<any>>)
      %dma_wait3A_681 = arith.constant 1 : i32
      %dma_wait3A_682 = tpu.memref_slice %arg7[%dma_wait3A_681] : memref<8x!tpu.dma_semaphore, #tpu.memory_space<semaphore_mem>> -> memref<1x!tpu.dma_semaphore, #tpu.memory_space<semaphore_mem>>
      %dma_wait3A_683 = tpu.memref_squeeze %dma_wait3A_682 : memref<1x!tpu.dma_semaphore, #tpu.memory_space<semaphore_mem>> -> memref<!tpu.dma_semaphore, #tpu.memory_space<semaphore_mem>>
      %dma_wait3A_684 = arith.constant 73 : i32
      %dma_wait3A_685 = arith.constant 0 : i32
      %dma_wait3A_686 = tpu.memref_slice %arg4[%dma_wait3A_684, %dma_wait3A_685] : memref<128x131072xf32, #tpu.memory_space<any>> -> memref<1x131072xf32, #tpu.memory_space<any>>
      tpu.wait_dma2 semaphore(%dma_wait3A_683 : memref<!tpu.dma_semaphore, #tpu.memory_space<semaphore_mem>>) src(%arg5 : memref<1x131072xf32, #tpu.memory_space<vmem>>) dst(%dma_wait3A_686 : memref<1x131072xf32, #tpu.memory_space<any>>)
      %dma_wait3A_687 = arith.constant 2 : i32
      %dma_wait3A_688 = tpu.memref_slice %arg7[%dma_wait3A_687] : memref<8x!tpu.dma_semaphore, #tpu.memory_space<semaphore_mem>> -> memref<1x!tpu.dma_semaphore, #tpu.memory_space<semaphore_mem>>
      %dma_wait3A_689 = tpu.memref_squeeze %dma_wait3A_688 : memref<1x!tpu.dma_semaphore, #tpu.memory_space<semaphore_mem>> -> memref<!tpu.dma_semaphore, #tpu.memory_space<semaphore_mem>>
      %dma_wait3A_690 = arith.constant 74 : i32
      %dma_wait3A_691 = arith.constant 0 : i32
      %dma_wait3A_692 = tpu.memref_slice %arg4[%dma_wait3A_690, %dma_wait3A_691] : memref<128x131072xf32, #tpu.memory_space<any>> -> memref<1x131072xf32, #tpu.memory_space<any>>
      tpu.wait_dma2 semaphore(%dma_wait3A_689 : memref<!tpu.dma_semaphore, #tpu.memory_space<semaphore_mem>>) src(%arg5 : memref<1x131072xf32, #tpu.memory_space<vmem>>) dst(%dma_wait3A_692 : memref<1x131072xf32, #tpu.memory_space<any>>)
      %dma_wait3A_693 = arith.constant 3 : i32
      %dma_wait3A_694 = tpu.memref_slice %arg7[%dma_wait3A_693] : memref<8x!tpu.dma_semaphore, #tpu.memory_space<semaphore_mem>> -> memref<1x!tpu.dma_semaphore, #tpu.memory_space<semaphore_mem>>
      %dma_wait3A_695 = tpu.memref_squeeze %dma_wait3A_694 : memref<1x!tpu.dma_semaphore, #tpu.memory_space<semaphore_mem>> -> memref<!tpu.dma_semaphore, #tpu.memory_space<semaphore_mem>>
      %dma_wait3A_696 = arith.constant 75 : i32
      %dma_wait3A_697 = arith.constant 0 : i32
      %dma_wait3A_698 = tpu.memref_slice %arg4[%dma_wait3A_696, %dma_wait3A_697] : memref<128x131072xf32, #tpu.memory_space<any>> -> memref<1x131072xf32, #tpu.memory_space<any>>
      tpu.wait_dma2 semaphore(%dma_wait3A_695 : memref<!tpu.dma_semaphore, #tpu.memory_space<semaphore_mem>>) src(%arg5 : memref<1x131072xf32, #tpu.memory_space<vmem>>) dst(%dma_wait3A_698 : memref<1x131072xf32, #tpu.memory_space<any>>)
      %dma_wait3A_699 = arith.constant 4 : i32
      %dma_wait3A_700 = tpu.memref_slice %arg7[%dma_wait3A_699] : memref<8x!tpu.dma_semaphore, #tpu.memory_space<semaphore_mem>> -> memref<1x!tpu.dma_semaphore, #tpu.memory_space<semaphore_mem>>
      %dma_wait3A_701 = tpu.memref_squeeze %dma_wait3A_700 : memref<1x!tpu.dma_semaphore, #tpu.memory_space<semaphore_mem>> -> memref<!tpu.dma_semaphore, #tpu.memory_space<semaphore_mem>>
      %dma_wait3A_702 = arith.constant 76 : i32
      %dma_wait3A_703 = arith.constant 0 : i32
      %dma_wait3A_704 = tpu.memref_slice %arg4[%dma_wait3A_702, %dma_wait3A_703] : memref<128x131072xf32, #tpu.memory_space<any>> -> memref<1x131072xf32, #tpu.memory_space<any>>
      tpu.wait_dma2 semaphore(%dma_wait3A_701 : memref<!tpu.dma_semaphore, #tpu.memory_space<semaphore_mem>>) src(%arg5 : memref<1x131072xf32, #tpu.memory_space<vmem>>) dst(%dma_wait3A_704 : memref<1x131072xf32, #tpu.memory_space<any>>)
      %dma_wait3A_705 = arith.constant 5 : i32
      %dma_wait3A_706 = tpu.memref_slice %arg7[%dma_wait3A_705] : memref<8x!tpu.dma_semaphore, #tpu.memory_space<semaphore_mem>> -> memref<1x!tpu.dma_semaphore, #tpu.memory_space<semaphore_mem>>
      %dma_wait3A_707 = tpu.memref_squeeze %dma_wait3A_706 : memref<1x!tpu.dma_semaphore, #tpu.memory_space<semaphore_mem>> -> memref<!tpu.dma_semaphore, #tpu.memory_space<semaphore_mem>>
      %dma_wait3A_708 = arith.constant 77 : i32
      %dma_wait3A_709 = arith.constant 0 : i32
      %dma_wait3A_710 = tpu.memref_slice %arg4[%dma_wait3A_708, %dma_wait3A_709] : memref<128x131072xf32, #tpu.memory_space<any>> -> memref<1x131072xf32, #tpu.memory_space<any>>
      tpu.wait_dma2 semaphore(%dma_wait3A_707 : memref<!tpu.dma_semaphore, #tpu.memory_space<semaphore_mem>>) src(%arg5 : memref<1x131072xf32, #tpu.memory_space<vmem>>) dst(%dma_wait3A_710 : memref<1x131072xf32, #tpu.memory_space<any>>)
      %dma_wait3A_711 = arith.constant 6 : i32
      %dma_wait3A_712 = tpu.memref_slice %arg7[%dma_wait3A_711] : memref<8x!tpu.dma_semaphore, #tpu.memory_space<semaphore_mem>> -> memref<1x!tpu.dma_semaphore, #tpu.memory_space<semaphore_mem>>
      %dma_wait3A_713 = tpu.memref_squeeze %dma_wait3A_712 : memref<1x!tpu.dma_semaphore, #tpu.memory_space<semaphore_mem>> -> memref<!tpu.dma_semaphore, #tpu.memory_space<semaphore_mem>>
      %dma_wait3A_714 = arith.constant 78 : i32
      %dma_wait3A_715 = arith.constant 0 : i32
      %dma_wait3A_716 = tpu.memref_slice %arg4[%dma_wait3A_714, %dma_wait3A_715] : memref<128x131072xf32, #tpu.memory_space<any>> -> memref<1x131072xf32, #tpu.memory_space<any>>
      tpu.wait_dma2 semaphore(%dma_wait3A_713 : memref<!tpu.dma_semaphore, #tpu.memory_space<semaphore_mem>>) src(%arg5 : memref<1x131072xf32, #tpu.memory_space<vmem>>) dst(%dma_wait3A_716 : memref<1x131072xf32, #tpu.memory_space<any>>)
      %dma_wait3A_717 = arith.constant 7 : i32
      %dma_wait3A_718 = tpu.memref_slice %arg7[%dma_wait3A_717] : memref<8x!tpu.dma_semaphore, #tpu.memory_space<semaphore_mem>> -> memref<1x!tpu.dma_semaphore, #tpu.memory_space<semaphore_mem>>
      %dma_wait3A_719 = tpu.memref_squeeze %dma_wait3A_718 : memref<1x!tpu.dma_semaphore, #tpu.memory_space<semaphore_mem>> -> memref<!tpu.dma_semaphore, #tpu.memory_space<semaphore_mem>>
      %dma_wait3A_720 = arith.constant 79 : i32
      %dma_wait3A_721 = arith.constant 0 : i32
      %dma_wait3A_722 = tpu.memref_slice %arg4[%dma_wait3A_720, %dma_wait3A_721] : memref<128x131072xf32, #tpu.memory_space<any>> -> memref<1x131072xf32, #tpu.memory_space<any>>
      tpu.wait_dma2 semaphore(%dma_wait3A_719 : memref<!tpu.dma_semaphore, #tpu.memory_space<semaphore_mem>>) src(%arg5 : memref<1x131072xf32, #tpu.memory_space<vmem>>) dst(%dma_wait3A_722 : memref<1x131072xf32, #tpu.memory_space<any>>)
      %dma_wait3A_723 = arith.constant 0 : i32
      %dma_wait3A_724 = tpu.memref_slice %arg7[%dma_wait3A_723] : memref<8x!tpu.dma_semaphore, #tpu.memory_space<semaphore_mem>> -> memref<1x!tpu.dma_semaphore, #tpu.memory_space<semaphore_mem>>
      %dma_wait3A_725 = tpu.memref_squeeze %dma_wait3A_724 : memref<1x!tpu.dma_semaphore, #tpu.memory_space<semaphore_mem>> -> memref<!tpu.dma_semaphore, #tpu.memory_space<semaphore_mem>>
      %dma_wait3A_726 = arith.constant 80 : i32
      %dma_wait3A_727 = arith.constant 0 : i32
      %dma_wait3A_728 = tpu.memref_slice %arg4[%dma_wait3A_726, %dma_wait3A_727] : memref<128x131072xf32, #tpu.memory_space<any>> -> memref<1x131072xf32, #tpu.memory_space<any>>
      tpu.wait_dma2 semaphore(%dma_wait3A_725 : memref<!tpu.dma_semaphore, #tpu.memory_space<semaphore_mem>>) src(%arg5 : memref<1x131072xf32, #tpu.memory_space<vmem>>) dst(%dma_wait3A_728 : memref<1x131072xf32, #tpu.memory_space<any>>)
      %dma_wait3A_729 = arith.constant 1 : i32
      %dma_wait3A_730 = tpu.memref_slice %arg7[%dma_wait3A_729] : memref<8x!tpu.dma_semaphore, #tpu.memory_space<semaphore_mem>> -> memref<1x!tpu.dma_semaphore, #tpu.memory_space<semaphore_mem>>
      %dma_wait3A_731 = tpu.memref_squeeze %dma_wait3A_730 : memref<1x!tpu.dma_semaphore, #tpu.memory_space<semaphore_mem>> -> memref<!tpu.dma_semaphore, #tpu.memory_space<semaphore_mem>>
      %dma_wait3A_732 = arith.constant 81 : i32
      %dma_wait3A_733 = arith.constant 0 : i32
      %dma_wait3A_734 = tpu.memref_slice %arg4[%dma_wait3A_732, %dma_wait3A_733] : memref<128x131072xf32, #tpu.memory_space<any>> -> memref<1x131072xf32, #tpu.memory_space<any>>
      tpu.wait_dma2 semaphore(%dma_wait3A_731 : memref<!tpu.dma_semaphore, #tpu.memory_space<semaphore_mem>>) src(%arg5 : memref<1x131072xf32, #tpu.memory_space<vmem>>) dst(%dma_wait3A_734 : memref<1x131072xf32, #tpu.memory_space<any>>)
      %dma_wait3A_735 = arith.constant 2 : i32
      %dma_wait3A_736 = tpu.memref_slice %arg7[%dma_wait3A_735] : memref<8x!tpu.dma_semaphore, #tpu.memory_space<semaphore_mem>> -> memref<1x!tpu.dma_semaphore, #tpu.memory_space<semaphore_mem>>
      %dma_wait3A_737 = tpu.memref_squeeze %dma_wait3A_736 : memref<1x!tpu.dma_semaphore, #tpu.memory_space<semaphore_mem>> -> memref<!tpu.dma_semaphore, #tpu.memory_space<semaphore_mem>>
      %dma_wait3A_738 = arith.constant 82 : i32
      %dma_wait3A_739 = arith.constant 0 : i32
      %dma_wait3A_740 = tpu.memref_slice %arg4[%dma_wait3A_738, %dma_wait3A_739] : memref<128x131072xf32, #tpu.memory_space<any>> -> memref<1x131072xf32, #tpu.memory_space<any>>
      tpu.wait_dma2 semaphore(%dma_wait3A_737 : memref<!tpu.dma_semaphore, #tpu.memory_space<semaphore_mem>>) src(%arg5 : memref<1x131072xf32, #tpu.memory_space<vmem>>) dst(%dma_wait3A_740 : memref<1x131072xf32, #tpu.memory_space<any>>)
      %dma_wait3A_741 = arith.constant 3 : i32
      %dma_wait3A_742 = tpu.memref_slice %arg7[%dma_wait3A_741] : memref<8x!tpu.dma_semaphore, #tpu.memory_space<semaphore_mem>> -> memref<1x!tpu.dma_semaphore, #tpu.memory_space<semaphore_mem>>
      %dma_wait3A_743 = tpu.memref_squeeze %dma_wait3A_742 : memref<1x!tpu.dma_semaphore, #tpu.memory_space<semaphore_mem>> -> memref<!tpu.dma_semaphore, #tpu.memory_space<semaphore_mem>>
      %dma_wait3A_744 = arith.constant 83 : i32
      %dma_wait3A_745 = arith.constant 0 : i32
      %dma_wait3A_746 = tpu.memref_slice %arg4[%dma_wait3A_744, %dma_wait3A_745] : memref<128x131072xf32, #tpu.memory_space<any>> -> memref<1x131072xf32, #tpu.memory_space<any>>
      tpu.wait_dma2 semaphore(%dma_wait3A_743 : memref<!tpu.dma_semaphore, #tpu.memory_space<semaphore_mem>>) src(%arg5 : memref<1x131072xf32, #tpu.memory_space<vmem>>) dst(%dma_wait3A_746 : memref<1x131072xf32, #tpu.memory_space<any>>)
      %dma_wait3A_747 = arith.constant 4 : i32
      %dma_wait3A_748 = tpu.memref_slice %arg7[%dma_wait3A_747] : memref<8x!tpu.dma_semaphore, #tpu.memory_space<semaphore_mem>> -> memref<1x!tpu.dma_semaphore, #tpu.memory_space<semaphore_mem>>
      %dma_wait3A_749 = tpu.memref_squeeze %dma_wait3A_748 : memref<1x!tpu.dma_semaphore, #tpu.memory_space<semaphore_mem>> -> memref<!tpu.dma_semaphore, #tpu.memory_space<semaphore_mem>>
      %dma_wait3A_750 = arith.constant 84 : i32
      %dma_wait3A_751 = arith.constant 0 : i32
      %dma_wait3A_752 = tpu.memref_slice %arg4[%dma_wait3A_750, %dma_wait3A_751] : memref<128x131072xf32, #tpu.memory_space<any>> -> memref<1x131072xf32, #tpu.memory_space<any>>
      tpu.wait_dma2 semaphore(%dma_wait3A_749 : memref<!tpu.dma_semaphore, #tpu.memory_space<semaphore_mem>>) src(%arg5 : memref<1x131072xf32, #tpu.memory_space<vmem>>) dst(%dma_wait3A_752 : memref<1x131072xf32, #tpu.memory_space<any>>)
      %dma_wait3A_753 = arith.constant 5 : i32
      %dma_wait3A_754 = tpu.memref_slice %arg7[%dma_wait3A_753] : memref<8x!tpu.dma_semaphore, #tpu.memory_space<semaphore_mem>> -> memref<1x!tpu.dma_semaphore, #tpu.memory_space<semaphore_mem>>
      %dma_wait3A_755 = tpu.memref_squeeze %dma_wait3A_754 : memref<1x!tpu.dma_semaphore, #tpu.memory_space<semaphore_mem>> -> memref<!tpu.dma_semaphore, #tpu.memory_space<semaphore_mem>>
      %dma_wait3A_756 = arith.constant 85 : i32
      %dma_wait3A_757 = arith.constant 0 : i32
      %dma_wait3A_758 = tpu.memref_slice %arg4[%dma_wait3A_756, %dma_wait3A_757] : memref<128x131072xf32, #tpu.memory_space<any>> -> memref<1x131072xf32, #tpu.memory_space<any>>
      tpu.wait_dma2 semaphore(%dma_wait3A_755 : memref<!tpu.dma_semaphore, #tpu.memory_space<semaphore_mem>>) src(%arg5 : memref<1x131072xf32, #tpu.memory_space<vmem>>) dst(%dma_wait3A_758 : memref<1x131072xf32, #tpu.memory_space<any>>)
      %dma_wait3A_759 = arith.constant 6 : i32
      %dma_wait3A_760 = tpu.memref_slice %arg7[%dma_wait3A_759] : memref<8x!tpu.dma_semaphore, #tpu.memory_space<semaphore_mem>> -> memref<1x!tpu.dma_semaphore, #tpu.memory_space<semaphore_mem>>
      %dma_wait3A_761 = tpu.memref_squeeze %dma_wait3A_760 : memref<1x!tpu.dma_semaphore, #tpu.memory_space<semaphore_mem>> -> memref<!tpu.dma_semaphore, #tpu.memory_space<semaphore_mem>>
      %dma_wait3A_762 = arith.constant 86 : i32
      %dma_wait3A_763 = arith.constant 0 : i32
      %dma_wait3A_764 = tpu.memref_slice %arg4[%dma_wait3A_762, %dma_wait3A_763] : memref<128x131072xf32, #tpu.memory_space<any>> -> memref<1x131072xf32, #tpu.memory_space<any>>
      tpu.wait_dma2 semaphore(%dma_wait3A_761 : memref<!tpu.dma_semaphore, #tpu.memory_space<semaphore_mem>>) src(%arg5 : memref<1x131072xf32, #tpu.memory_space<vmem>>) dst(%dma_wait3A_764 : memref<1x131072xf32, #tpu.memory_space<any>>)
      %dma_wait3A_765 = arith.constant 7 : i32
      %dma_wait3A_766 = tpu.memref_slice %arg7[%dma_wait3A_765] : memref<8x!tpu.dma_semaphore, #tpu.memory_space<semaphore_mem>> -> memref<1x!tpu.dma_semaphore, #tpu.memory_space<semaphore_mem>>
      %dma_wait3A_767 = tpu.memref_squeeze %dma_wait3A_766 : memref<1x!tpu.dma_semaphore, #tpu.memory_space<semaphore_mem>> -> memref<!tpu.dma_semaphore, #tpu.memory_space<semaphore_mem>>
      %dma_wait3A_768 = arith.constant 87 : i32
      %dma_wait3A_769 = arith.constant 0 : i32
      %dma_wait3A_770 = tpu.memref_slice %arg4[%dma_wait3A_768, %dma_wait3A_769] : memref<128x131072xf32, #tpu.memory_space<any>> -> memref<1x131072xf32, #tpu.memory_space<any>>
      tpu.wait_dma2 semaphore(%dma_wait3A_767 : memref<!tpu.dma_semaphore, #tpu.memory_space<semaphore_mem>>) src(%arg5 : memref<1x131072xf32, #tpu.memory_space<vmem>>) dst(%dma_wait3A_770 : memref<1x131072xf32, #tpu.memory_space<any>>)
      %dma_wait3A_771 = arith.constant 0 : i32
      %dma_wait3A_772 = tpu.memref_slice %arg7[%dma_wait3A_771] : memref<8x!tpu.dma_semaphore, #tpu.memory_space<semaphore_mem>> -> memref<1x!tpu.dma_semaphore, #tpu.memory_space<semaphore_mem>>
      %dma_wait3A_773 = tpu.memref_squeeze %dma_wait3A_772 : memref<1x!tpu.dma_semaphore, #tpu.memory_space<semaphore_mem>> -> memref<!tpu.dma_semaphore, #tpu.memory_space<semaphore_mem>>
      %dma_wait3A_774 = arith.constant 88 : i32
      %dma_wait3A_775 = arith.constant 0 : i32
      %dma_wait3A_776 = tpu.memref_slice %arg4[%dma_wait3A_774, %dma_wait3A_775] : memref<128x131072xf32, #tpu.memory_space<any>> -> memref<1x131072xf32, #tpu.memory_space<any>>
      tpu.wait_dma2 semaphore(%dma_wait3A_773 : memref<!tpu.dma_semaphore, #tpu.memory_space<semaphore_mem>>) src(%arg5 : memref<1x131072xf32, #tpu.memory_space<vmem>>) dst(%dma_wait3A_776 : memref<1x131072xf32, #tpu.memory_space<any>>)
      %dma_wait3A_777 = arith.constant 1 : i32
      %dma_wait3A_778 = tpu.memref_slice %arg7[%dma_wait3A_777] : memref<8x!tpu.dma_semaphore, #tpu.memory_space<semaphore_mem>> -> memref<1x!tpu.dma_semaphore, #tpu.memory_space<semaphore_mem>>
      %dma_wait3A_779 = tpu.memref_squeeze %dma_wait3A_778 : memref<1x!tpu.dma_semaphore, #tpu.memory_space<semaphore_mem>> -> memref<!tpu.dma_semaphore, #tpu.memory_space<semaphore_mem>>
      %dma_wait3A_780 = arith.constant 89 : i32
      %dma_wait3A_781 = arith.constant 0 : i32
      %dma_wait3A_782 = tpu.memref_slice %arg4[%dma_wait3A_780, %dma_wait3A_781] : memref<128x131072xf32, #tpu.memory_space<any>> -> memref<1x131072xf32, #tpu.memory_space<any>>
      tpu.wait_dma2 semaphore(%dma_wait3A_779 : memref<!tpu.dma_semaphore, #tpu.memory_space<semaphore_mem>>) src(%arg5 : memref<1x131072xf32, #tpu.memory_space<vmem>>) dst(%dma_wait3A_782 : memref<1x131072xf32, #tpu.memory_space<any>>)
      %dma_wait3A_783 = arith.constant 2 : i32
      %dma_wait3A_784 = tpu.memref_slice %arg7[%dma_wait3A_783] : memref<8x!tpu.dma_semaphore, #tpu.memory_space<semaphore_mem>> -> memref<1x!tpu.dma_semaphore, #tpu.memory_space<semaphore_mem>>
      %dma_wait3A_785 = tpu.memref_squeeze %dma_wait3A_784 : memref<1x!tpu.dma_semaphore, #tpu.memory_space<semaphore_mem>> -> memref<!tpu.dma_semaphore, #tpu.memory_space<semaphore_mem>>
      %dma_wait3A_786 = arith.constant 90 : i32
      %dma_wait3A_787 = arith.constant 0 : i32
      %dma_wait3A_788 = tpu.memref_slice %arg4[%dma_wait3A_786, %dma_wait3A_787] : memref<128x131072xf32, #tpu.memory_space<any>> -> memref<1x131072xf32, #tpu.memory_space<any>>
      tpu.wait_dma2 semaphore(%dma_wait3A_785 : memref<!tpu.dma_semaphore, #tpu.memory_space<semaphore_mem>>) src(%arg5 : memref<1x131072xf32, #tpu.memory_space<vmem>>) dst(%dma_wait3A_788 : memref<1x131072xf32, #tpu.memory_space<any>>)
      %dma_wait3A_789 = arith.constant 3 : i32
      %dma_wait3A_790 = tpu.memref_slice %arg7[%dma_wait3A_789] : memref<8x!tpu.dma_semaphore, #tpu.memory_space<semaphore_mem>> -> memref<1x!tpu.dma_semaphore, #tpu.memory_space<semaphore_mem>>
      %dma_wait3A_791 = tpu.memref_squeeze %dma_wait3A_790 : memref<1x!tpu.dma_semaphore, #tpu.memory_space<semaphore_mem>> -> memref<!tpu.dma_semaphore, #tpu.memory_space<semaphore_mem>>
      %dma_wait3A_792 = arith.constant 91 : i32
      %dma_wait3A_793 = arith.constant 0 : i32
      %dma_wait3A_794 = tpu.memref_slice %arg4[%dma_wait3A_792, %dma_wait3A_793] : memref<128x131072xf32, #tpu.memory_space<any>> -> memref<1x131072xf32, #tpu.memory_space<any>>
      tpu.wait_dma2 semaphore(%dma_wait3A_791 : memref<!tpu.dma_semaphore, #tpu.memory_space<semaphore_mem>>) src(%arg5 : memref<1x131072xf32, #tpu.memory_space<vmem>>) dst(%dma_wait3A_794 : memref<1x131072xf32, #tpu.memory_space<any>>)
      %dma_wait3A_795 = arith.constant 4 : i32
      %dma_wait3A_796 = tpu.memref_slice %arg7[%dma_wait3A_795] : memref<8x!tpu.dma_semaphore, #tpu.memory_space<semaphore_mem>> -> memref<1x!tpu.dma_semaphore, #tpu.memory_space<semaphore_mem>>
      %dma_wait3A_797 = tpu.memref_squeeze %dma_wait3A_796 : memref<1x!tpu.dma_semaphore, #tpu.memory_space<semaphore_mem>> -> memref<!tpu.dma_semaphore, #tpu.memory_space<semaphore_mem>>
      %dma_wait3A_798 = arith.constant 92 : i32
      %dma_wait3A_799 = arith.constant 0 : i32
      %dma_wait3A_800 = tpu.memref_slice %arg4[%dma_wait3A_798, %dma_wait3A_799] : memref<128x131072xf32, #tpu.memory_space<any>> -> memref<1x131072xf32, #tpu.memory_space<any>>
      tpu.wait_dma2 semaphore(%dma_wait3A_797 : memref<!tpu.dma_semaphore, #tpu.memory_space<semaphore_mem>>) src(%arg5 : memref<1x131072xf32, #tpu.memory_space<vmem>>) dst(%dma_wait3A_800 : memref<1x131072xf32, #tpu.memory_space<any>>)
      %dma_wait3A_801 = arith.constant 5 : i32
      %dma_wait3A_802 = tpu.memref_slice %arg7[%dma_wait3A_801] : memref<8x!tpu.dma_semaphore, #tpu.memory_space<semaphore_mem>> -> memref<1x!tpu.dma_semaphore, #tpu.memory_space<semaphore_mem>>
      %dma_wait3A_803 = tpu.memref_squeeze %dma_wait3A_802 : memref<1x!tpu.dma_semaphore, #tpu.memory_space<semaphore_mem>> -> memref<!tpu.dma_semaphore, #tpu.memory_space<semaphore_mem>>
      %dma_wait3A_804 = arith.constant 93 : i32
      %dma_wait3A_805 = arith.constant 0 : i32
      %dma_wait3A_806 = tpu.memref_slice %arg4[%dma_wait3A_804, %dma_wait3A_805] : memref<128x131072xf32, #tpu.memory_space<any>> -> memref<1x131072xf32, #tpu.memory_space<any>>
      tpu.wait_dma2 semaphore(%dma_wait3A_803 : memref<!tpu.dma_semaphore, #tpu.memory_space<semaphore_mem>>) src(%arg5 : memref<1x131072xf32, #tpu.memory_space<vmem>>) dst(%dma_wait3A_806 : memref<1x131072xf32, #tpu.memory_space<any>>)
      %dma_wait3A_807 = arith.constant 6 : i32
      %dma_wait3A_808 = tpu.memref_slice %arg7[%dma_wait3A_807] : memref<8x!tpu.dma_semaphore, #tpu.memory_space<semaphore_mem>> -> memref<1x!tpu.dma_semaphore, #tpu.memory_space<semaphore_mem>>
      %dma_wait3A_809 = tpu.memref_squeeze %dma_wait3A_808 : memref<1x!tpu.dma_semaphore, #tpu.memory_space<semaphore_mem>> -> memref<!tpu.dma_semaphore, #tpu.memory_space<semaphore_mem>>
      %dma_wait3A_810 = arith.constant 94 : i32
      %dma_wait3A_811 = arith.constant 0 : i32
      %dma_wait3A_812 = tpu.memref_slice %arg4[%dma_wait3A_810, %dma_wait3A_811] : memref<128x131072xf32, #tpu.memory_space<any>> -> memref<1x131072xf32, #tpu.memory_space<any>>
      tpu.wait_dma2 semaphore(%dma_wait3A_809 : memref<!tpu.dma_semaphore, #tpu.memory_space<semaphore_mem>>) src(%arg5 : memref<1x131072xf32, #tpu.memory_space<vmem>>) dst(%dma_wait3A_812 : memref<1x131072xf32, #tpu.memory_space<any>>)
      %dma_wait3A_813 = arith.constant 7 : i32
      %dma_wait3A_814 = tpu.memref_slice %arg7[%dma_wait3A_813] : memref<8x!tpu.dma_semaphore, #tpu.memory_space<semaphore_mem>> -> memref<1x!tpu.dma_semaphore, #tpu.memory_space<semaphore_mem>>
      %dma_wait3A_815 = tpu.memref_squeeze %dma_wait3A_814 : memref<1x!tpu.dma_semaphore, #tpu.memory_space<semaphore_mem>> -> memref<!tpu.dma_semaphore, #tpu.memory_space<semaphore_mem>>
      %dma_wait3A_816 = arith.constant 95 : i32
      %dma_wait3A_817 = arith.constant 0 : i32
      %dma_wait3A_818 = tpu.memref_slice %arg4[%dma_wait3A_816, %dma_wait3A_817] : memref<128x131072xf32, #tpu.memory_space<any>> -> memref<1x131072xf32, #tpu.memory_space<any>>
      tpu.wait_dma2 semaphore(%dma_wait3A_815 : memref<!tpu.dma_semaphore, #tpu.memory_space<semaphore_mem>>) src(%arg5 : memref<1x131072xf32, #tpu.memory_space<vmem>>) dst(%dma_wait3A_818 : memref<1x131072xf32, #tpu.memory_space<any>>)
      %dma_wait3A_819 = arith.constant 0 : i32
      %dma_wait3A_820 = tpu.memref_slice %arg7[%dma_wait3A_819] : memref<8x!tpu.dma_semaphore, #tpu.memory_space<semaphore_mem>> -> memref<1x!tpu.dma_semaphore, #tpu.memory_space<semaphore_mem>>
      %dma_wait3A_821 = tpu.memref_squeeze %dma_wait3A_820 : memref<1x!tpu.dma_semaphore, #tpu.memory_space<semaphore_mem>> -> memref<!tpu.dma_semaphore, #tpu.memory_space<semaphore_mem>>
      %dma_wait3A_822 = arith.constant 96 : i32
      %dma_wait3A_823 = arith.constant 0 : i32
      %dma_wait3A_824 = tpu.memref_slice %arg4[%dma_wait3A_822, %dma_wait3A_823] : memref<128x131072xf32, #tpu.memory_space<any>> -> memref<1x131072xf32, #tpu.memory_space<any>>
      tpu.wait_dma2 semaphore(%dma_wait3A_821 : memref<!tpu.dma_semaphore, #tpu.memory_space<semaphore_mem>>) src(%arg5 : memref<1x131072xf32, #tpu.memory_space<vmem>>) dst(%dma_wait3A_824 : memref<1x131072xf32, #tpu.memory_space<any>>)
      %dma_wait3A_825 = arith.constant 1 : i32
      %dma_wait3A_826 = tpu.memref_slice %arg7[%dma_wait3A_825] : memref<8x!tpu.dma_semaphore, #tpu.memory_space<semaphore_mem>> -> memref<1x!tpu.dma_semaphore, #tpu.memory_space<semaphore_mem>>
      %dma_wait3A_827 = tpu.memref_squeeze %dma_wait3A_826 : memref<1x!tpu.dma_semaphore, #tpu.memory_space<semaphore_mem>> -> memref<!tpu.dma_semaphore, #tpu.memory_space<semaphore_mem>>
      %dma_wait3A_828 = arith.constant 97 : i32
      %dma_wait3A_829 = arith.constant 0 : i32
      %dma_wait3A_830 = tpu.memref_slice %arg4[%dma_wait3A_828, %dma_wait3A_829] : memref<128x131072xf32, #tpu.memory_space<any>> -> memref<1x131072xf32, #tpu.memory_space<any>>
      tpu.wait_dma2 semaphore(%dma_wait3A_827 : memref<!tpu.dma_semaphore, #tpu.memory_space<semaphore_mem>>) src(%arg5 : memref<1x131072xf32, #tpu.memory_space<vmem>>) dst(%dma_wait3A_830 : memref<1x131072xf32, #tpu.memory_space<any>>)
      %dma_wait3A_831 = arith.constant 2 : i32
      %dma_wait3A_832 = tpu.memref_slice %arg7[%dma_wait3A_831] : memref<8x!tpu.dma_semaphore, #tpu.memory_space<semaphore_mem>> -> memref<1x!tpu.dma_semaphore, #tpu.memory_space<semaphore_mem>>
      %dma_wait3A_833 = tpu.memref_squeeze %dma_wait3A_832 : memref<1x!tpu.dma_semaphore, #tpu.memory_space<semaphore_mem>> -> memref<!tpu.dma_semaphore, #tpu.memory_space<semaphore_mem>>
      %dma_wait3A_834 = arith.constant 98 : i32
      %dma_wait3A_835 = arith.constant 0 : i32
      %dma_wait3A_836 = tpu.memref_slice %arg4[%dma_wait3A_834, %dma_wait3A_835] : memref<128x131072xf32, #tpu.memory_space<any>> -> memref<1x131072xf32, #tpu.memory_space<any>>
      tpu.wait_dma2 semaphore(%dma_wait3A_833 : memref<!tpu.dma_semaphore, #tpu.memory_space<semaphore_mem>>) src(%arg5 : memref<1x131072xf32, #tpu.memory_space<vmem>>) dst(%dma_wait3A_836 : memref<1x131072xf32, #tpu.memory_space<any>>)
      %dma_wait3A_837 = arith.constant 3 : i32
      %dma_wait3A_838 = tpu.memref_slice %arg7[%dma_wait3A_837] : memref<8x!tpu.dma_semaphore, #tpu.memory_space<semaphore_mem>> -> memref<1x!tpu.dma_semaphore, #tpu.memory_space<semaphore_mem>>
      %dma_wait3A_839 = tpu.memref_squeeze %dma_wait3A_838 : memref<1x!tpu.dma_semaphore, #tpu.memory_space<semaphore_mem>> -> memref<!tpu.dma_semaphore, #tpu.memory_space<semaphore_mem>>
      %dma_wait3A_840 = arith.constant 99 : i32
      %dma_wait3A_841 = arith.constant 0 : i32
      %dma_wait3A_842 = tpu.memref_slice %arg4[%dma_wait3A_840, %dma_wait3A_841] : memref<128x131072xf32, #tpu.memory_space<any>> -> memref<1x131072xf32, #tpu.memory_space<any>>
      tpu.wait_dma2 semaphore(%dma_wait3A_839 : memref<!tpu.dma_semaphore, #tpu.memory_space<semaphore_mem>>) src(%arg5 : memref<1x131072xf32, #tpu.memory_space<vmem>>) dst(%dma_wait3A_842 : memref<1x131072xf32, #tpu.memory_space<any>>)
      %dma_wait3A_843 = arith.constant 4 : i32
      %dma_wait3A_844 = tpu.memref_slice %arg7[%dma_wait3A_843] : memref<8x!tpu.dma_semaphore, #tpu.memory_space<semaphore_mem>> -> memref<1x!tpu.dma_semaphore, #tpu.memory_space<semaphore_mem>>
      %dma_wait3A_845 = tpu.memref_squeeze %dma_wait3A_844 : memref<1x!tpu.dma_semaphore, #tpu.memory_space<semaphore_mem>> -> memref<!tpu.dma_semaphore, #tpu.memory_space<semaphore_mem>>
      %dma_wait3A_846 = arith.constant 100 : i32
      %dma_wait3A_847 = arith.constant 0 : i32
      %dma_wait3A_848 = tpu.memref_slice %arg4[%dma_wait3A_846, %dma_wait3A_847] : memref<128x131072xf32, #tpu.memory_space<any>> -> memref<1x131072xf32, #tpu.memory_space<any>>
      tpu.wait_dma2 semaphore(%dma_wait3A_845 : memref<!tpu.dma_semaphore, #tpu.memory_space<semaphore_mem>>) src(%arg5 : memref<1x131072xf32, #tpu.memory_space<vmem>>) dst(%dma_wait3A_848 : memref<1x131072xf32, #tpu.memory_space<any>>)
      %dma_wait3A_849 = arith.constant 5 : i32
      %dma_wait3A_850 = tpu.memref_slice %arg7[%dma_wait3A_849] : memref<8x!tpu.dma_semaphore, #tpu.memory_space<semaphore_mem>> -> memref<1x!tpu.dma_semaphore, #tpu.memory_space<semaphore_mem>>
      %dma_wait3A_851 = tpu.memref_squeeze %dma_wait3A_850 : memref<1x!tpu.dma_semaphore, #tpu.memory_space<semaphore_mem>> -> memref<!tpu.dma_semaphore, #tpu.memory_space<semaphore_mem>>
      %dma_wait3A_852 = arith.constant 101 : i32
      %dma_wait3A_853 = arith.constant 0 : i32
      %dma_wait3A_854 = tpu.memref_slice %arg4[%dma_wait3A_852, %dma_wait3A_853] : memref<128x131072xf32, #tpu.memory_space<any>> -> memref<1x131072xf32, #tpu.memory_space<any>>
      tpu.wait_dma2 semaphore(%dma_wait3A_851 : memref<!tpu.dma_semaphore, #tpu.memory_space<semaphore_mem>>) src(%arg5 : memref<1x131072xf32, #tpu.memory_space<vmem>>) dst(%dma_wait3A_854 : memref<1x131072xf32, #tpu.memory_space<any>>)
      %dma_wait3A_855 = arith.constant 6 : i32
      %dma_wait3A_856 = tpu.memref_slice %arg7[%dma_wait3A_855] : memref<8x!tpu.dma_semaphore, #tpu.memory_space<semaphore_mem>> -> memref<1x!tpu.dma_semaphore, #tpu.memory_space<semaphore_mem>>
      %dma_wait3A_857 = tpu.memref_squeeze %dma_wait3A_856 : memref<1x!tpu.dma_semaphore, #tpu.memory_space<semaphore_mem>> -> memref<!tpu.dma_semaphore, #tpu.memory_space<semaphore_mem>>
      %dma_wait3A_858 = arith.constant 102 : i32
      %dma_wait3A_859 = arith.constant 0 : i32
      %dma_wait3A_860 = tpu.memref_slice %arg4[%dma_wait3A_858, %dma_wait3A_859] : memref<128x131072xf32, #tpu.memory_space<any>> -> memref<1x131072xf32, #tpu.memory_space<any>>
      tpu.wait_dma2 semaphore(%dma_wait3A_857 : memref<!tpu.dma_semaphore, #tpu.memory_space<semaphore_mem>>) src(%arg5 : memref<1x131072xf32, #tpu.memory_space<vmem>>) dst(%dma_wait3A_860 : memref<1x131072xf32, #tpu.memory_space<any>>)
      %dma_wait3A_861 = arith.constant 7 : i32
      %dma_wait3A_862 = tpu.memref_slice %arg7[%dma_wait3A_861] : memref<8x!tpu.dma_semaphore, #tpu.memory_space<semaphore_mem>> -> memref<1x!tpu.dma_semaphore, #tpu.memory_space<semaphore_mem>>
      %dma_wait3A_863 = tpu.memref_squeeze %dma_wait3A_862 : memref<1x!tpu.dma_semaphore, #tpu.memory_space<semaphore_mem>> -> memref<!tpu.dma_semaphore, #tpu.memory_space<semaphore_mem>>
      %dma_wait3A_864 = arith.constant 103 : i32
      %dma_wait3A_865 = arith.constant 0 : i32
      %dma_wait3A_866 = tpu.memref_slice %arg4[%dma_wait3A_864, %dma_wait3A_865] : memref<128x131072xf32, #tpu.memory_space<any>> -> memref<1x131072xf32, #tpu.memory_space<any>>
      tpu.wait_dma2 semaphore(%dma_wait3A_863 : memref<!tpu.dma_semaphore, #tpu.memory_space<semaphore_mem>>) src(%arg5 : memref<1x131072xf32, #tpu.memory_space<vmem>>) dst(%dma_wait3A_866 : memref<1x131072xf32, #tpu.memory_space<any>>)
      %dma_wait3A_867 = arith.constant 0 : i32
      %dma_wait3A_868 = tpu.memref_slice %arg7[%dma_wait3A_867] : memref<8x!tpu.dma_semaphore, #tpu.memory_space<semaphore_mem>> -> memref<1x!tpu.dma_semaphore, #tpu.memory_space<semaphore_mem>>
      %dma_wait3A_869 = tpu.memref_squeeze %dma_wait3A_868 : memref<1x!tpu.dma_semaphore, #tpu.memory_space<semaphore_mem>> -> memref<!tpu.dma_semaphore, #tpu.memory_space<semaphore_mem>>
      %dma_wait3A_870 = arith.constant 104 : i32
      %dma_wait3A_871 = arith.constant 0 : i32
      %dma_wait3A_872 = tpu.memref_slice %arg4[%dma_wait3A_870, %dma_wait3A_871] : memref<128x131072xf32, #tpu.memory_space<any>> -> memref<1x131072xf32, #tpu.memory_space<any>>
      tpu.wait_dma2 semaphore(%dma_wait3A_869 : memref<!tpu.dma_semaphore, #tpu.memory_space<semaphore_mem>>) src(%arg5 : memref<1x131072xf32, #tpu.memory_space<vmem>>) dst(%dma_wait3A_872 : memref<1x131072xf32, #tpu.memory_space<any>>)
      %dma_wait3A_873 = arith.constant 1 : i32
      %dma_wait3A_874 = tpu.memref_slice %arg7[%dma_wait3A_873] : memref<8x!tpu.dma_semaphore, #tpu.memory_space<semaphore_mem>> -> memref<1x!tpu.dma_semaphore, #tpu.memory_space<semaphore_mem>>
      %dma_wait3A_875 = tpu.memref_squeeze %dma_wait3A_874 : memref<1x!tpu.dma_semaphore, #tpu.memory_space<semaphore_mem>> -> memref<!tpu.dma_semaphore, #tpu.memory_space<semaphore_mem>>
      %dma_wait3A_876 = arith.constant 105 : i32
      %dma_wait3A_877 = arith.constant 0 : i32
      %dma_wait3A_878 = tpu.memref_slice %arg4[%dma_wait3A_876, %dma_wait3A_877] : memref<128x131072xf32, #tpu.memory_space<any>> -> memref<1x131072xf32, #tpu.memory_space<any>>
      tpu.wait_dma2 semaphore(%dma_wait3A_875 : memref<!tpu.dma_semaphore, #tpu.memory_space<semaphore_mem>>) src(%arg5 : memref<1x131072xf32, #tpu.memory_space<vmem>>) dst(%dma_wait3A_878 : memref<1x131072xf32, #tpu.memory_space<any>>)
      %dma_wait3A_879 = arith.constant 2 : i32
      %dma_wait3A_880 = tpu.memref_slice %arg7[%dma_wait3A_879] : memref<8x!tpu.dma_semaphore, #tpu.memory_space<semaphore_mem>> -> memref<1x!tpu.dma_semaphore, #tpu.memory_space<semaphore_mem>>
      %dma_wait3A_881 = tpu.memref_squeeze %dma_wait3A_880 : memref<1x!tpu.dma_semaphore, #tpu.memory_space<semaphore_mem>> -> memref<!tpu.dma_semaphore, #tpu.memory_space<semaphore_mem>>
      %dma_wait3A_882 = arith.constant 106 : i32
      %dma_wait3A_883 = arith.constant 0 : i32
      %dma_wait3A_884 = tpu.memref_slice %arg4[%dma_wait3A_882, %dma_wait3A_883] : memref<128x131072xf32, #tpu.memory_space<any>> -> memref<1x131072xf32, #tpu.memory_space<any>>
      tpu.wait_dma2 semaphore(%dma_wait3A_881 : memref<!tpu.dma_semaphore, #tpu.memory_space<semaphore_mem>>) src(%arg5 : memref<1x131072xf32, #tpu.memory_space<vmem>>) dst(%dma_wait3A_884 : memref<1x131072xf32, #tpu.memory_space<any>>)
      %dma_wait3A_885 = arith.constant 3 : i32
      %dma_wait3A_886 = tpu.memref_slice %arg7[%dma_wait3A_885] : memref<8x!tpu.dma_semaphore, #tpu.memory_space<semaphore_mem>> -> memref<1x!tpu.dma_semaphore, #tpu.memory_space<semaphore_mem>>
      %dma_wait3A_887 = tpu.memref_squeeze %dma_wait3A_886 : memref<1x!tpu.dma_semaphore, #tpu.memory_space<semaphore_mem>> -> memref<!tpu.dma_semaphore, #tpu.memory_space<semaphore_mem>>
      %dma_wait3A_888 = arith.constant 107 : i32
      %dma_wait3A_889 = arith.constant 0 : i32
      %dma_wait3A_890 = tpu.memref_slice %arg4[%dma_wait3A_888, %dma_wait3A_889] : memref<128x131072xf32, #tpu.memory_space<any>> -> memref<1x131072xf32, #tpu.memory_space<any>>
      tpu.wait_dma2 semaphore(%dma_wait3A_887 : memref<!tpu.dma_semaphore, #tpu.memory_space<semaphore_mem>>) src(%arg5 : memref<1x131072xf32, #tpu.memory_space<vmem>>) dst(%dma_wait3A_890 : memref<1x131072xf32, #tpu.memory_space<any>>)
      %dma_wait3A_891 = arith.constant 4 : i32
      %dma_wait3A_892 = tpu.memref_slice %arg7[%dma_wait3A_891] : memref<8x!tpu.dma_semaphore, #tpu.memory_space<semaphore_mem>> -> memref<1x!tpu.dma_semaphore, #tpu.memory_space<semaphore_mem>>
      %dma_wait3A_893 = tpu.memref_squeeze %dma_wait3A_892 : memref<1x!tpu.dma_semaphore, #tpu.memory_space<semaphore_mem>> -> memref<!tpu.dma_semaphore, #tpu.memory_space<semaphore_mem>>
      %dma_wait3A_894 = arith.constant 108 : i32
      %dma_wait3A_895 = arith.constant 0 : i32
      %dma_wait3A_896 = tpu.memref_slice %arg4[%dma_wait3A_894, %dma_wait3A_895] : memref<128x131072xf32, #tpu.memory_space<any>> -> memref<1x131072xf32, #tpu.memory_space<any>>
      tpu.wait_dma2 semaphore(%dma_wait3A_893 : memref<!tpu.dma_semaphore, #tpu.memory_space<semaphore_mem>>) src(%arg5 : memref<1x131072xf32, #tpu.memory_space<vmem>>) dst(%dma_wait3A_896 : memref<1x131072xf32, #tpu.memory_space<any>>)
      %dma_wait3A_897 = arith.constant 5 : i32
      %dma_wait3A_898 = tpu.memref_slice %arg7[%dma_wait3A_897] : memref<8x!tpu.dma_semaphore, #tpu.memory_space<semaphore_mem>> -> memref<1x!tpu.dma_semaphore, #tpu.memory_space<semaphore_mem>>
      %dma_wait3A_899 = tpu.memref_squeeze %dma_wait3A_898 : memref<1x!tpu.dma_semaphore, #tpu.memory_space<semaphore_mem>> -> memref<!tpu.dma_semaphore, #tpu.memory_space<semaphore_mem>>
      %dma_wait3A_900 = arith.constant 109 : i32
      %dma_wait3A_901 = arith.constant 0 : i32
      %dma_wait3A_902 = tpu.memref_slice %arg4[%dma_wait3A_900, %dma_wait3A_901] : memref<128x131072xf32, #tpu.memory_space<any>> -> memref<1x131072xf32, #tpu.memory_space<any>>
      tpu.wait_dma2 semaphore(%dma_wait3A_899 : memref<!tpu.dma_semaphore, #tpu.memory_space<semaphore_mem>>) src(%arg5 : memref<1x131072xf32, #tpu.memory_space<vmem>>) dst(%dma_wait3A_902 : memref<1x131072xf32, #tpu.memory_space<any>>)
      %dma_wait3A_903 = arith.constant 6 : i32
      %dma_wait3A_904 = tpu.memref_slice %arg7[%dma_wait3A_903] : memref<8x!tpu.dma_semaphore, #tpu.memory_space<semaphore_mem>> -> memref<1x!tpu.dma_semaphore, #tpu.memory_space<semaphore_mem>>
      %dma_wait3A_905 = tpu.memref_squeeze %dma_wait3A_904 : memref<1x!tpu.dma_semaphore, #tpu.memory_space<semaphore_mem>> -> memref<!tpu.dma_semaphore, #tpu.memory_space<semaphore_mem>>
      %dma_wait3A_906 = arith.constant 110 : i32
      %dma_wait3A_907 = arith.constant 0 : i32
      %dma_wait3A_908 = tpu.memref_slice %arg4[%dma_wait3A_906, %dma_wait3A_907] : memref<128x131072xf32, #tpu.memory_space<any>> -> memref<1x131072xf32, #tpu.memory_space<any>>
      tpu.wait_dma2 semaphore(%dma_wait3A_905 : memref<!tpu.dma_semaphore, #tpu.memory_space<semaphore_mem>>) src(%arg5 : memref<1x131072xf32, #tpu.memory_space<vmem>>) dst(%dma_wait3A_908 : memref<1x131072xf32, #tpu.memory_space<any>>)
      %dma_wait3A_909 = arith.constant 7 : i32
      %dma_wait3A_910 = tpu.memref_slice %arg7[%dma_wait3A_909] : memref<8x!tpu.dma_semaphore, #tpu.memory_space<semaphore_mem>> -> memref<1x!tpu.dma_semaphore, #tpu.memory_space<semaphore_mem>>
      %dma_wait3A_911 = tpu.memref_squeeze %dma_wait3A_910 : memref<1x!tpu.dma_semaphore, #tpu.memory_space<semaphore_mem>> -> memref<!tpu.dma_semaphore, #tpu.memory_space<semaphore_mem>>
      %dma_wait3A_912 = arith.constant 111 : i32
      %dma_wait3A_913 = arith.constant 0 : i32
      %dma_wait3A_914 = tpu.memref_slice %arg4[%dma_wait3A_912, %dma_wait3A_913] : memref<128x131072xf32, #tpu.memory_space<any>> -> memref<1x131072xf32, #tpu.memory_space<any>>
      tpu.wait_dma2 semaphore(%dma_wait3A_911 : memref<!tpu.dma_semaphore, #tpu.memory_space<semaphore_mem>>) src(%arg5 : memref<1x131072xf32, #tpu.memory_space<vmem>>) dst(%dma_wait3A_914 : memref<1x131072xf32, #tpu.memory_space<any>>)
      %dma_wait3A_915 = arith.constant 0 : i32
      %dma_wait3A_916 = tpu.memref_slice %arg7[%dma_wait3A_915] : memref<8x!tpu.dma_semaphore, #tpu.memory_space<semaphore_mem>> -> memref<1x!tpu.dma_semaphore, #tpu.memory_space<semaphore_mem>>
      %dma_wait3A_917 = tpu.memref_squeeze %dma_wait3A_916 : memref<1x!tpu.dma_semaphore, #tpu.memory_space<semaphore_mem>> -> memref<!tpu.dma_semaphore, #tpu.memory_space<semaphore_mem>>
      %dma_wait3A_918 = arith.constant 112 : i32
      %dma_wait3A_919 = arith.constant 0 : i32
      %dma_wait3A_920 = tpu.memref_slice %arg4[%dma_wait3A_918, %dma_wait3A_919] : memref<128x131072xf32, #tpu.memory_space<any>> -> memref<1x131072xf32, #tpu.memory_space<any>>
      tpu.wait_dma2 semaphore(%dma_wait3A_917 : memref<!tpu.dma_semaphore, #tpu.memory_space<semaphore_mem>>) src(%arg5 : memref<1x131072xf32, #tpu.memory_space<vmem>>) dst(%dma_wait3A_920 : memref<1x131072xf32, #tpu.memory_space<any>>)
      %dma_wait3A_921 = arith.constant 1 : i32
      %dma_wait3A_922 = tpu.memref_slice %arg7[%dma_wait3A_921] : memref<8x!tpu.dma_semaphore, #tpu.memory_space<semaphore_mem>> -> memref<1x!tpu.dma_semaphore, #tpu.memory_space<semaphore_mem>>
      %dma_wait3A_923 = tpu.memref_squeeze %dma_wait3A_922 : memref<1x!tpu.dma_semaphore, #tpu.memory_space<semaphore_mem>> -> memref<!tpu.dma_semaphore, #tpu.memory_space<semaphore_mem>>
      %dma_wait3A_924 = arith.constant 113 : i32
      %dma_wait3A_925 = arith.constant 0 : i32
      %dma_wait3A_926 = tpu.memref_slice %arg4[%dma_wait3A_924, %dma_wait3A_925] : memref<128x131072xf32, #tpu.memory_space<any>> -> memref<1x131072xf32, #tpu.memory_space<any>>
      tpu.wait_dma2 semaphore(%dma_wait3A_923 : memref<!tpu.dma_semaphore, #tpu.memory_space<semaphore_mem>>) src(%arg5 : memref<1x131072xf32, #tpu.memory_space<vmem>>) dst(%dma_wait3A_926 : memref<1x131072xf32, #tpu.memory_space<any>>)
      %dma_wait3A_927 = arith.constant 2 : i32
      %dma_wait3A_928 = tpu.memref_slice %arg7[%dma_wait3A_927] : memref<8x!tpu.dma_semaphore, #tpu.memory_space<semaphore_mem>> -> memref<1x!tpu.dma_semaphore, #tpu.memory_space<semaphore_mem>>
      %dma_wait3A_929 = tpu.memref_squeeze %dma_wait3A_928 : memref<1x!tpu.dma_semaphore, #tpu.memory_space<semaphore_mem>> -> memref<!tpu.dma_semaphore, #tpu.memory_space<semaphore_mem>>
      %dma_wait3A_930 = arith.constant 114 : i32
      %dma_wait3A_931 = arith.constant 0 : i32
      %dma_wait3A_932 = tpu.memref_slice %arg4[%dma_wait3A_930, %dma_wait3A_931] : memref<128x131072xf32, #tpu.memory_space<any>> -> memref<1x131072xf32, #tpu.memory_space<any>>
      tpu.wait_dma2 semaphore(%dma_wait3A_929 : memref<!tpu.dma_semaphore, #tpu.memory_space<semaphore_mem>>) src(%arg5 : memref<1x131072xf32, #tpu.memory_space<vmem>>) dst(%dma_wait3A_932 : memref<1x131072xf32, #tpu.memory_space<any>>)
      %dma_wait3A_933 = arith.constant 3 : i32
      %dma_wait3A_934 = tpu.memref_slice %arg7[%dma_wait3A_933] : memref<8x!tpu.dma_semaphore, #tpu.memory_space<semaphore_mem>> -> memref<1x!tpu.dma_semaphore, #tpu.memory_space<semaphore_mem>>
      %dma_wait3A_935 = tpu.memref_squeeze %dma_wait3A_934 : memref<1x!tpu.dma_semaphore, #tpu.memory_space<semaphore_mem>> -> memref<!tpu.dma_semaphore, #tpu.memory_space<semaphore_mem>>
      %dma_wait3A_936 = arith.constant 115 : i32
      %dma_wait3A_937 = arith.constant 0 : i32
      %dma_wait3A_938 = tpu.memref_slice %arg4[%dma_wait3A_936, %dma_wait3A_937] : memref<128x131072xf32, #tpu.memory_space<any>> -> memref<1x131072xf32, #tpu.memory_space<any>>
      tpu.wait_dma2 semaphore(%dma_wait3A_935 : memref<!tpu.dma_semaphore, #tpu.memory_space<semaphore_mem>>) src(%arg5 : memref<1x131072xf32, #tpu.memory_space<vmem>>) dst(%dma_wait3A_938 : memref<1x131072xf32, #tpu.memory_space<any>>)
      %dma_wait3A_939 = arith.constant 4 : i32
      %dma_wait3A_940 = tpu.memref_slice %arg7[%dma_wait3A_939] : memref<8x!tpu.dma_semaphore, #tpu.memory_space<semaphore_mem>> -> memref<1x!tpu.dma_semaphore, #tpu.memory_space<semaphore_mem>>
      %dma_wait3A_941 = tpu.memref_squeeze %dma_wait3A_940 : memref<1x!tpu.dma_semaphore, #tpu.memory_space<semaphore_mem>> -> memref<!tpu.dma_semaphore, #tpu.memory_space<semaphore_mem>>
      %dma_wait3A_942 = arith.constant 116 : i32
      %dma_wait3A_943 = arith.constant 0 : i32
      %dma_wait3A_944 = tpu.memref_slice %arg4[%dma_wait3A_942, %dma_wait3A_943] : memref<128x131072xf32, #tpu.memory_space<any>> -> memref<1x131072xf32, #tpu.memory_space<any>>
      tpu.wait_dma2 semaphore(%dma_wait3A_941 : memref<!tpu.dma_semaphore, #tpu.memory_space<semaphore_mem>>) src(%arg5 : memref<1x131072xf32, #tpu.memory_space<vmem>>) dst(%dma_wait3A_944 : memref<1x131072xf32, #tpu.memory_space<any>>)
      %dma_wait3A_945 = arith.constant 5 : i32
      %dma_wait3A_946 = tpu.memref_slice %arg7[%dma_wait3A_945] : memref<8x!tpu.dma_semaphore, #tpu.memory_space<semaphore_mem>> -> memref<1x!tpu.dma_semaphore, #tpu.memory_space<semaphore_mem>>
      %dma_wait3A_947 = tpu.memref_squeeze %dma_wait3A_946 : memref<1x!tpu.dma_semaphore, #tpu.memory_space<semaphore_mem>> -> memref<!tpu.dma_semaphore, #tpu.memory_space<semaphore_mem>>
      %dma_wait3A_948 = arith.constant 117 : i32
      %dma_wait3A_949 = arith.constant 0 : i32
      %dma_wait3A_950 = tpu.memref_slice %arg4[%dma_wait3A_948, %dma_wait3A_949] : memref<128x131072xf32, #tpu.memory_space<any>> -> memref<1x131072xf32, #tpu.memory_space<any>>
      tpu.wait_dma2 semaphore(%dma_wait3A_947 : memref<!tpu.dma_semaphore, #tpu.memory_space<semaphore_mem>>) src(%arg5 : memref<1x131072xf32, #tpu.memory_space<vmem>>) dst(%dma_wait3A_950 : memref<1x131072xf32, #tpu.memory_space<any>>)
      %dma_wait3A_951 = arith.constant 6 : i32
      %dma_wait3A_952 = tpu.memref_slice %arg7[%dma_wait3A_951] : memref<8x!tpu.dma_semaphore, #tpu.memory_space<semaphore_mem>> -> memref<1x!tpu.dma_semaphore, #tpu.memory_space<semaphore_mem>>
      %dma_wait3A_953 = tpu.memref_squeeze %dma_wait3A_952 : memref<1x!tpu.dma_semaphore, #tpu.memory_space<semaphore_mem>> -> memref<!tpu.dma_semaphore, #tpu.memory_space<semaphore_mem>>
      %dma_wait3A_954 = arith.constant 118 : i32
      %dma_wait3A_955 = arith.constant 0 : i32
      %dma_wait3A_956 = tpu.memref_slice %arg4[%dma_wait3A_954, %dma_wait3A_955] : memref<128x131072xf32, #tpu.memory_space<any>> -> memref<1x131072xf32, #tpu.memory_space<any>>
      tpu.wait_dma2 semaphore(%dma_wait3A_953 : memref<!tpu.dma_semaphore, #tpu.memory_space<semaphore_mem>>) src(%arg5 : memref<1x131072xf32, #tpu.memory_space<vmem>>) dst(%dma_wait3A_956 : memref<1x131072xf32, #tpu.memory_space<any>>)
      %dma_wait3A_957 = arith.constant 7 : i32
      %dma_wait3A_958 = tpu.memref_slice %arg7[%dma_wait3A_957] : memref<8x!tpu.dma_semaphore, #tpu.memory_space<semaphore_mem>> -> memref<1x!tpu.dma_semaphore, #tpu.memory_space<semaphore_mem>>
      %dma_wait3A_959 = tpu.memref_squeeze %dma_wait3A_958 : memref<1x!tpu.dma_semaphore, #tpu.memory_space<semaphore_mem>> -> memref<!tpu.dma_semaphore, #tpu.memory_space<semaphore_mem>>
      %dma_wait3A_960 = arith.constant 119 : i32
      %dma_wait3A_961 = arith.constant 0 : i32
      %dma_wait3A_962 = tpu.memref_slice %arg4[%dma_wait3A_960, %dma_wait3A_961] : memref<128x131072xf32, #tpu.memory_space<any>> -> memref<1x131072xf32, #tpu.memory_space<any>>
      tpu.wait_dma2 semaphore(%dma_wait3A_959 : memref<!tpu.dma_semaphore, #tpu.memory_space<semaphore_mem>>) src(%arg5 : memref<1x131072xf32, #tpu.memory_space<vmem>>) dst(%dma_wait3A_962 : memref<1x131072xf32, #tpu.memory_space<any>>)
      %dma_wait3A_963 = arith.constant 0 : i32
      %dma_wait3A_964 = tpu.memref_slice %arg7[%dma_wait3A_963] : memref<8x!tpu.dma_semaphore, #tpu.memory_space<semaphore_mem>> -> memref<1x!tpu.dma_semaphore, #tpu.memory_space<semaphore_mem>>
      %dma_wait3A_965 = tpu.memref_squeeze %dma_wait3A_964 : memref<1x!tpu.dma_semaphore, #tpu.memory_space<semaphore_mem>> -> memref<!tpu.dma_semaphore, #tpu.memory_space<semaphore_mem>>
      %dma_wait3A_966 = arith.constant 120 : i32
      %dma_wait3A_967 = arith.constant 0 : i32
      %dma_wait3A_968 = tpu.memref_slice %arg4[%dma_wait3A_966, %dma_wait3A_967] : memref<128x131072xf32, #tpu.memory_space<any>> -> memref<1x131072xf32, #tpu.memory_space<any>>
      tpu.wait_dma2 semaphore(%dma_wait3A_965 : memref<!tpu.dma_semaphore, #tpu.memory_space<semaphore_mem>>) src(%arg5 : memref<1x131072xf32, #tpu.memory_space<vmem>>) dst(%dma_wait3A_968 : memref<1x131072xf32, #tpu.memory_space<any>>)
      %dma_wait3A_969 = arith.constant 1 : i32
      %dma_wait3A_970 = tpu.memref_slice %arg7[%dma_wait3A_969] : memref<8x!tpu.dma_semaphore, #tpu.memory_space<semaphore_mem>> -> memref<1x!tpu.dma_semaphore, #tpu.memory_space<semaphore_mem>>
      %dma_wait3A_971 = tpu.memref_squeeze %dma_wait3A_970 : memref<1x!tpu.dma_semaphore, #tpu.memory_space<semaphore_mem>> -> memref<!tpu.dma_semaphore, #tpu.memory_space<semaphore_mem>>
      %dma_wait3A_972 = arith.constant 121 : i32
      %dma_wait3A_973 = arith.constant 0 : i32
      %dma_wait3A_974 = tpu.memref_slice %arg4[%dma_wait3A_972, %dma_wait3A_973] : memref<128x131072xf32, #tpu.memory_space<any>> -> memref<1x131072xf32, #tpu.memory_space<any>>
      tpu.wait_dma2 semaphore(%dma_wait3A_971 : memref<!tpu.dma_semaphore, #tpu.memory_space<semaphore_mem>>) src(%arg5 : memref<1x131072xf32, #tpu.memory_space<vmem>>) dst(%dma_wait3A_974 : memref<1x131072xf32, #tpu.memory_space<any>>)
      %dma_wait3A_975 = arith.constant 2 : i32
      %dma_wait3A_976 = tpu.memref_slice %arg7[%dma_wait3A_975] : memref<8x!tpu.dma_semaphore, #tpu.memory_space<semaphore_mem>> -> memref<1x!tpu.dma_semaphore, #tpu.memory_space<semaphore_mem>>
      %dma_wait3A_977 = tpu.memref_squeeze %dma_wait3A_976 : memref<1x!tpu.dma_semaphore, #tpu.memory_space<semaphore_mem>> -> memref<!tpu.dma_semaphore, #tpu.memory_space<semaphore_mem>>
      %dma_wait3A_978 = arith.constant 122 : i32
      %dma_wait3A_979 = arith.constant 0 : i32
      %dma_wait3A_980 = tpu.memref_slice %arg4[%dma_wait3A_978, %dma_wait3A_979] : memref<128x131072xf32, #tpu.memory_space<any>> -> memref<1x131072xf32, #tpu.memory_space<any>>
      tpu.wait_dma2 semaphore(%dma_wait3A_977 : memref<!tpu.dma_semaphore, #tpu.memory_space<semaphore_mem>>) src(%arg5 : memref<1x131072xf32, #tpu.memory_space<vmem>>) dst(%dma_wait3A_980 : memref<1x131072xf32, #tpu.memory_space<any>>)
      %dma_wait3A_981 = arith.constant 3 : i32
      %dma_wait3A_982 = tpu.memref_slice %arg7[%dma_wait3A_981] : memref<8x!tpu.dma_semaphore, #tpu.memory_space<semaphore_mem>> -> memref<1x!tpu.dma_semaphore, #tpu.memory_space<semaphore_mem>>
      %dma_wait3A_983 = tpu.memref_squeeze %dma_wait3A_982 : memref<1x!tpu.dma_semaphore, #tpu.memory_space<semaphore_mem>> -> memref<!tpu.dma_semaphore, #tpu.memory_space<semaphore_mem>>
      %dma_wait3A_984 = arith.constant 123 : i32
      %dma_wait3A_985 = arith.constant 0 : i32
      %dma_wait3A_986 = tpu.memref_slice %arg4[%dma_wait3A_984, %dma_wait3A_985] : memref<128x131072xf32, #tpu.memory_space<any>> -> memref<1x131072xf32, #tpu.memory_space<any>>
      tpu.wait_dma2 semaphore(%dma_wait3A_983 : memref<!tpu.dma_semaphore, #tpu.memory_space<semaphore_mem>>) src(%arg5 : memref<1x131072xf32, #tpu.memory_space<vmem>>) dst(%dma_wait3A_986 : memref<1x131072xf32, #tpu.memory_space<any>>)
      %dma_wait3A_987 = arith.constant 4 : i32
      %dma_wait3A_988 = tpu.memref_slice %arg7[%dma_wait3A_987] : memref<8x!tpu.dma_semaphore, #tpu.memory_space<semaphore_mem>> -> memref<1x!tpu.dma_semaphore, #tpu.memory_space<semaphore_mem>>
      %dma_wait3A_989 = tpu.memref_squeeze %dma_wait3A_988 : memref<1x!tpu.dma_semaphore, #tpu.memory_space<semaphore_mem>> -> memref<!tpu.dma_semaphore, #tpu.memory_space<semaphore_mem>>
      %dma_wait3A_990 = arith.constant 124 : i32
      %dma_wait3A_991 = arith.constant 0 : i32
      %dma_wait3A_992 = tpu.memref_slice %arg4[%dma_wait3A_990, %dma_wait3A_991] : memref<128x131072xf32, #tpu.memory_space<any>> -> memref<1x131072xf32, #tpu.memory_space<any>>
      tpu.wait_dma2 semaphore(%dma_wait3A_989 : memref<!tpu.dma_semaphore, #tpu.memory_space<semaphore_mem>>) src(%arg5 : memref<1x131072xf32, #tpu.memory_space<vmem>>) dst(%dma_wait3A_992 : memref<1x131072xf32, #tpu.memory_space<any>>)
      %dma_wait3A_993 = arith.constant 5 : i32
      %dma_wait3A_994 = tpu.memref_slice %arg7[%dma_wait3A_993] : memref<8x!tpu.dma_semaphore, #tpu.memory_space<semaphore_mem>> -> memref<1x!tpu.dma_semaphore, #tpu.memory_space<semaphore_mem>>
      %dma_wait3A_995 = tpu.memref_squeeze %dma_wait3A_994 : memref<1x!tpu.dma_semaphore, #tpu.memory_space<semaphore_mem>> -> memref<!tpu.dma_semaphore, #tpu.memory_space<semaphore_mem>>
      %dma_wait3A_996 = arith.constant 125 : i32
      %dma_wait3A_997 = arith.constant 0 : i32
      %dma_wait3A_998 = tpu.memref_slice %arg4[%dma_wait3A_996, %dma_wait3A_997] : memref<128x131072xf32, #tpu.memory_space<any>> -> memref<1x131072xf32, #tpu.memory_space<any>>
      tpu.wait_dma2 semaphore(%dma_wait3A_995 : memref<!tpu.dma_semaphore, #tpu.memory_space<semaphore_mem>>) src(%arg5 : memref<1x131072xf32, #tpu.memory_space<vmem>>) dst(%dma_wait3A_998 : memref<1x131072xf32, #tpu.memory_space<any>>)
      %dma_wait3A_999 = arith.constant 6 : i32
      %dma_wait3A_1000 = tpu.memref_slice %arg7[%dma_wait3A_999] : memref<8x!tpu.dma_semaphore, #tpu.memory_space<semaphore_mem>> -> memref<1x!tpu.dma_semaphore, #tpu.memory_space<semaphore_mem>>
      %dma_wait3A_1001 = tpu.memref_squeeze %dma_wait3A_1000 : memref<1x!tpu.dma_semaphore, #tpu.memory_space<semaphore_mem>> -> memref<!tpu.dma_semaphore, #tpu.memory_space<semaphore_mem>>
      %dma_wait3A_1002 = arith.constant 126 : i32
      %dma_wait3A_1003 = arith.constant 0 : i32
      %dma_wait3A_1004 = tpu.memref_slice %arg4[%dma_wait3A_1002, %dma_wait3A_1003] : memref<128x131072xf32, #tpu.memory_space<any>> -> memref<1x131072xf32, #tpu.memory_space<any>>
      tpu.wait_dma2 semaphore(%dma_wait3A_1001 : memref<!tpu.dma_semaphore, #tpu.memory_space<semaphore_mem>>) src(%arg5 : memref<1x131072xf32, #tpu.memory_space<vmem>>) dst(%dma_wait3A_1004 : memref<1x131072xf32, #tpu.memory_space<any>>)
      %dma_wait3A_1005 = arith.constant 7 : i32
      %dma_wait3A_1006 = tpu.memref_slice %arg7[%dma_wait3A_1005] : memref<8x!tpu.dma_semaphore, #tpu.memory_space<semaphore_mem>> -> memref<1x!tpu.dma_semaphore, #tpu.memory_space<semaphore_mem>>
      %dma_wait3A_1007 = tpu.memref_squeeze %dma_wait3A_1006 : memref<1x!tpu.dma_semaphore, #tpu.memory_space<semaphore_mem>> -> memref<!tpu.dma_semaphore, #tpu.memory_space<semaphore_mem>>
      %dma_wait3A_1008 = arith.constant 127 : i32
      %dma_wait3A_1009 = arith.constant 0 : i32
      %dma_wait3A_1010 = tpu.memref_slice %arg4[%dma_wait3A_1008, %dma_wait3A_1009] : memref<128x131072xf32, #tpu.memory_space<any>> -> memref<1x131072xf32, #tpu.memory_space<any>>
      tpu.wait_dma2 semaphore(%dma_wait3A_1007 : memref<!tpu.dma_semaphore, #tpu.memory_space<semaphore_mem>>) src(%arg5 : memref<1x131072xf32, #tpu.memory_space<vmem>>) dst(%dma_wait3A_1010 : memref<1x131072xf32, #tpu.memory_space<any>>)
    } else {
    }
    return
  }
  func.func @transform_0(%arg0: i32) -> (i32, i32) {
    %c0_i32 = arith.constant 0 : i32
    %c0_i32_0 = arith.constant 0 : i32
    return %c0_i32, %arg0 : i32, i32
  }
  func.func @transform_2(%arg0: i32) -> (i32, i32) {
    %c0_i32 = arith.constant 0 : i32
    %c0_i32_0 = arith.constant 0 : i32
    return %c0_i32, %arg0 : i32, i32
  }
}

</mosaic_0001>

<sc_bundles>
// kernel: sparse-core-data-format-call.cloned.1.call-start
scs
called_computation_lowered:
.L_overlay_start_0:
0x0: {  	s2 =	sld [smem:$0x3FD9]  }
0x1: {  	s3 =	sld [smem:$0x3FFE];
	_ =	sdelay $0x1  }
0x2: {  	s1 =	srdreg.scid  }
0x3: {  	s0 =	sand.u32 $0x1, s1  }
0x4: {  	s15 =	sshll.u32 s0, $0xA;
	s2 =	sadd.s32 s3, s2  }
0x5: {  	s2 =	sadd.s32 s2, s15  }
0x6: {  	[smem:$0x3FC6] =	sst s2  }
0x7: {  	_ = 	snop  }
0x8: {  	s2 =	sld [smem:$0x3FD0];
	_ =	sdelay $0x2  }
0x9: {  	s16 =	simm.s32 $0xA;
	s4 =	simm.s32 $0x10  }
0xa: {  	[smem:s4], [sflag:s16] =	dma.local [hbm:s2], $0x1  }
0xb: {  	_ =	swait.eq [sflag:s16], $0x1  }
0xc: {  	[sflag:s16] =	ssyncset.done $0x0  }
0xd: {  	[sflag:s16] =	ssyncadd.s32 $0xFFFFFFFF  }
0xe: {  	s17 =	sld [smem:$0x11];
	(tm) =	ssettm $0x1  }
0xf: {  	s18 =	sld [smem:$0x3FFB];
	_ =	sdelay $0x3  }
0x10: {  	_ =	strace s18  }
0x11: {  	s3 =	sld [smem:$0x3FFC];
	_ =	sdelay $0x3  }
0x12: {  	_ =	strace s3  }
0x13: {  	s3 =	sld [smem:$0x3FFD];
	_ =	sdelay $0x3  }
0x14: {  	_ =	strace s3  }
0x15: {  	_ =	strace $0x8FFFFFFF  }
0x16: {  	s19 =	sld [smem:$0x3FDB];
	_ =	sdelay $0x1  }
0x17: {  	s20 =	simm.s32 $_scs_section_size  }
0x18: {  	s5 =	simm.s32 $_size__tile_overlayer_lowered;
	s6 =	simm.s32 $_tile_overlayer_lowered  }
0x19: {  	s23 =	simm.s32 $0x1BFF;
	s22 =	sshll.u32 s6, $0x1;
	s3 =	sadd.s32 s20, s19  }
0x1a: {  	s7 =	simm.s32 $0x0;
	s21 =	sshll.u32 s5, $0x1;
	s5 =	sadd.s32 s22, s3  }
0x1b: {  	[timem:s7], [sflag:s23] =	dma.local [hbm:s5], s21  }
0x1c: {  	_ =	swait.ge [sflag:s23], s21  }
0x1d: {  	s4 =	ssub.s32 $0x0, s21;
	[sflag:s23] =	ssyncset.done $0x0  }
0x1e: {  	[sflag:s23] =	ssyncadd.s32 s4;
	_ =	sdelay $0x1  }
0x1f: {  	s24 =	simm.s32 $0x1B8B  }
0x20: {  	_ =	swait.ge [sflag:s24], $0x1  }
0x21: {  	[sflag:s24] =	ssyncset.done $0x0  }
0x22: {  	s26 =	simm.s32 $0x1B8E;
	s25 =	sld [smem:$0x3FFE];
	[sflag:s24] =	ssyncadd.s32 $0xFFFFFFFF  }
0x23: {  	s27 =	simm.s32 $execute0_lowered;
	[smem:$0x3FD2] =	sst s26  }
0x24: {  	s5 =	sshll.u32 s27, $0x1;
	_ =	strace $0x80000046;
	[dreg:$0x1] =	wrdreg $0xFFFFFFFF  }
0x25: {  	s28 =	simm.s32 $_size_execute0_lowered;
	s3 =	sadd.s32 s3, s5;
	[dreg:$0x0] =	wrdreg $0x0  }
0x26: {  	s5 =	sshll.u32 s28, $0x1;
	[dreg:$0x2] =	wrdreg s3  }
0x27: {  	[dreg:$0x3] =	wrdreg s5  }
0x28: {  	[dreg:$0x4] =	wrdreg $0xC0  }
0x29: {  	_ =	task [dreg:s7], $0x5FFFF  }
0x2a: {  	[dreg:$0x1] =	wrdreg $0xFFFFFFFF  }
0x2b: {  	[dreg:$0x0] =	wrdreg $0x60  }
0x2c: {  	[dreg:$0x2] =	wrdreg s25  }
0x2d: {  	[dreg:$0x3] =	wrdreg s17  }
0x2e: {  	[dreg:$0x4] =	wrdreg $0x9  }
0x2f: {  	_ =	task.clear_ibuf [dreg:s7], $0x5FFFF;
	_ =	strace $0x90000046  }
0x30: {  	s29 =	simm.s32 $0x9;
	_ =	strace $0x80000048  }
0x31: {  	_ =	swait.ge [sflag:s29], $0x1  }
0x32: {  	[sflag:s29] =	ssyncadd.s32 $0xFFFFFFFF  }
0x33: {  	_ =	strace $0x90000048  }
0x34: {  	_ =	sfence  }
0x35: {  	s30 =	sld [smem:$0x0];
	_ =	sdelay $0x2  }
0x36: {  	s31 =	sshll.u32 s1, $0xD;
	s1 =	sshrl.u32 s1, $0x2  }
0x37: {  	s3 =	sand.u32 $0x4000, s31;
	s1 =	sadd.s32 s1, s30  }
0x38: {  	s0 =	sor.u32 s3, s0;
	s1 =	sshll.u32 s1, $0x11  }
0x39: {  	s0 =	sor.u32 s1, s0  }
0x3a: {  	s0 =	sadd.s32 $0x8F2B, s0  }
0x3b: {  	[sflag:s0] =	ssyncadd.remote.s32 $0x1  }
0x3c: {  	_ =	sfence.sel $0xFFFF  }
0x3d: {  	[dreg:$0x0] =	wrdreg $0xFFFFFFFF;
	(pc) =	sbr.abs _section_cstart, $3  }
0x3e: {  	[dreg:$0x1] =	wrdreg $0xFFFFFFFF  }
0x3f: {  	_ =	task.clear_ibuf [dreg:s7], $0x2FFFF;
	_ =	strace $0x9FFFFFFF  }
0x40: {  	(tm) =	ssettm $0x7FFFFFFF  }
0x41: {  	_ =	shalt  }
tec
execute0_lowered:
.L_overlay_start_1:
0x0: {  	(tag) =	ssettag $0x1  }
0x1: {  	s0 =	srdreg.scid  }
0x2: {  	s1 =	sshll.u32 s0, $0x4  }
0x3: {  	s6 =	rddreg [dreg:$0x0];
	s0 =	stileid.u32;
	s1 =	sand.u32 $0x10, s1  }
0x4: {  	s3 =	rddreg [dreg:$0x1];
	s5 =	simm.s32 $0x1;
	s1 =	sor.u32 s0, s1  }
0x5: {  	s31 =	simm.s32 $0x2;
	s13 =	simm.s32 $0x0;
	s2 =	sshll.u32 s1, $0x7  }
0x6: {  	s8 =	simm.s32 $0x20000;
	s12 =	simm.s32 $0x0;
	s4 =	ssub.s32 $0x4000, s2  }
0x7: {  	s9 =	simm.s32 $0x0;
	s11 =	simm.s32 $0x0;
	s30 =	sand.u32 $0xF80, s4  }
.Ltmp0:
0x8: {  	s6 =	sadd.s32 $0x40A00, s6;
	p0 =	sne.s32 s30, $0x0;
	(pc) =	sbr.rel .LBB1_1-.Ltmp0, $4  }
0x9: {  	s1 =	rddreg [dreg:$0x2];
	s7 =	sshrl.u32 s4, $0xC;
	s5 =	simm.s32 @!p0 $0x0  }
0xa: {  	_ =	strace $0x80000047;
	s4 =	simm.s32 $0x1;
	s5 =	sadd.s32 s5, s7  }
0xb: {  	s10 =	smov.u32 s2;
	[sflag:s4] =	ssyncpa.u1 $0x0;
	s5 =	sshll.u32 s5, $0x3  }
0xc: {  	[sflag:s31] =	ssyncpa.u1 $0x0;
	p0 =	por $0x0, $0x0;
	s7 =	sor.u32 $0x1, s5  }
.LBB1_4:
0xd: {  	v5 =	vld [tilespmem:s17+$0xFFFFFFD0];
	[tilespmem:s16+$0x2040 ss:$0x81] =	vst.msk $0xffff, v1  }
0xe: {  	v58 =	vld [tilespmem:s17+$0xFFFFFFE0];
	[tilespmem:s16+$0x2850 ss:$0x81] =	vst.msk $0xffff, v2  }
0xf: {  	s18 =	sshra.s32 s18, $0x2;
	v59 =	vld [tilespmem:s17+$0xFFFFFFF0];
	[tilespmem:s16+$0x3060 ss:$0x81] =	vst.msk $0xffff, v3  }
0x10: {  	v60 =	vld [tilespmem:s17+$0x0];
	[tilespmem:s16+$0x0 ss:$0x81] =	vst.msk $0xffff, v0;
	s15 =	sadd.s32 s18, s15  }
0x11: {  	v61 =	vld [tilespmem:s17+$0x10];
	[tilespmem:s15+$0x3870 ss:$0x81] =	vst.msk $0xffff, v4  }
0x12: {  	v62 =	vld [tilespmem:s17+$0x20];
	[tilespmem:s15+$0x810 ss:$0x81] =	vst.msk $0xffff, v5  }
0x13: {  	v63 =	vld [tilespmem:s17+$0xFFFFFFC0];
	s28 =	sshll.u32 s12, $0x3;
	[tilespmem:s15+$0x1020 ss:$0x81] =	vst.msk $0xffff, v58  }
0x14: {  	s29 =	sand.u32 $0x78, s12;
	s13 =	sshll.u32 s13, $0x7;
	s16 =	sand.u32 $0x3C00, s28;
	[tilespmem:s15+$0x1830 ss:$0x81] =	vst.msk $0xffff, v59  }
0x15: {  	s13 =	sand.u32 $0x380, s13;
	s16 =	sor.u32 s29, s16;
	[tilespmem:s15+$0x2040 ss:$0x81] =	vst.msk $0xffff, v60  }
0x16: {  	s30 =	sand.u32 $0x3800, s12;
	s31 =	sand.u32 $0x7, s12;
	s13 =	sor.u32 s13, s16;
	[tilespmem:s15+$0x2850 ss:$0x81] =	vst.msk $0xffff, v61  }
0x17: {  	s12 =	sshll.u32 s31, $0x12;
	s16 =	sadd.s32 s3, s30;
	s13 =	sshrl.u32 s13, $0x3;
	[tilespmem:s15+$0x3060 ss:$0x81] =	vst.msk $0xffff, v62  }
0x18: {  	s12 =	sor.u32 $0x80, s12;
	[tilespmem:s15+$0x0 ss:$0x81] =	vst.msk $0xffff, v63;
	s13 =	sadd.s32 s13, s16  }
0x19: {  	[hbm4b:s13+s12] =	stream.strided.scatter [tilespmem:s14], [sflag:$0x2], $0x4000, s8, s12, $0x20;
	[tilespmem:$0x10100] =	vst v63  }
.LBB1_5:
0x1a: {  	s14 =	sadd.s32 $0x1, s9  }
0x1b: {  	s12 =	sadd.s32 $0x1000, s10;
	s16 =	smov.u32 s10;
	p2 =	sgt.s32 s14, $0x7  }
0x1c: {  	s16 =	smov.u32 @p2 s12  }
0x1d: {  	s14 =	simm.s32 @p2 $0x0;
	p2 =	sgt.s32 s16, $0x3FFF  }
0x1e: {  	s16 =	smov.u32 @p2 s2;
	p2 =	sne.s32 s11, s7  }
.Ltmp1:
0x1f: {  	p1 =	slt.u32 s11, $0x2;
	(pc) =	sbr.rel @!p2 .LBB1_6-.Ltmp1, $4  }
0x20: {  	s15 =	simm.s32 @!p1 $0x2  }
0x21: {  	s13 =	smov.u32 s9;
	p0 =	por !p0, !p0;
	_ =	swait.ge @!p1 [sflag:s15], $0x4000  }
0x22: {  	s12 =	smov.u32 s10;
	[sflag:s15] =	ssyncset.done @!p1 $0x0;
	s9 =	smov.u32 s14  }
0x23: {  	s11 =	sadd.s32 $0x1, s11;
	[sflag:s15] =	ssyncadd.s32 @!p1 $0xFFFFC000;
	s10 =	smov.u32 s16  }
.LBB1_1:
0x24: {  	p1 =	sge.u32 s11, s5  }
0x25: {  	s31 =	sadd.s32 $0xFFFFFFFF, s11;
	s14 =	sxor.u32 @!p1 $0xFFFFFFFF, s11  }
0x26: {  	s15 =	sshll.u32 @!p1 s10, $0x7;
	s16 =	sshll.u32 @!p1 s9, $0x4;
	s17 =	simm.s32 @!p1 $0x400  }
0x27: {  	s14 =	sshll.u32 @!p1 s14, $0xE;
	s16 =	sand.u32 @!p1 $0x70, s16;
	s15 =	sadd.s32 @!p1 s6, s15  }
0x28: {  	s14 =	sand.u32 @!p1 $0x4000, s14;
	s15 =	sadd.s32 @!p1 s16, s15;
	s16 =	simm.s32 @!p1 $0x80  }
0x29: {  	[tilespmem:s14], [sflag:$0x1] =	stream.strided.gather @!p1 [hbm4b:s15+s16], $0x4000, s17, s16, $0x38;
	[tilespmem:$0x10100] =	vst v63  }
0x2a: {  	p1 =	sge.u32 s31, s5  }
.Ltmp2:
0x2b: {  	_ = 	snop;
	(pc) =	sbr.rel @p1 .LBB1_5-.Ltmp2, $1  }
0x2c: {  	_ =	sdelay $0x3  }
0x2d: {  	s14 =	simm.s32 $0x1  }
0x2e: {  	_ =	swait.ge [sflag:s4], $0x4000;
	s14 =	simm.s32 @!p0 $0x0  }
0x2f: {  	[sflag:s4] =	ssyncset.done $0x0;
	s15 =	sshll.u32 s14, $0xE  }
0x30: {  	[sflag:s4] =	ssyncadd.s32 $0xFFFFC000;
	s17 =	sor.u32 $0x40, s15  }
0x31: {  	s14 =	smul.u32 $0x10200, s14;
	v0 =	vld [tilespmem:s17+$0x30]  }
0x32: {  	v3 =	vld [tilespmem:s17+$0xFFFFFFD0]  }
0x33: {  	s14 =	sshrl.u32 s14, $0x2;
	v4 =	vld [tilespmem:s17+$0xFFFFFFE0]  }
0x34: {  	v5 =	vld [tilespmem:s17+$0xFFFFFFF0];
	s15 =	sor.u32 $0x8000, s14  }
0x35: {  	s31 =	sand.u32 $0x1, s11;
	v1 =	vld [tilespmem:s17+$0x0];
	s16 =	sadd.s32 $0x0, s15  }
0x36: {  	v2 =	vld [tilespmem:s17+$0x10];
	s14 =	smul.u32 $0x10200, s31;
	[tilespmem:s16+$0x3870 ss:$0x81] =	vst.msk $0xffff, v0  }
0x37: {  	[tilespmem:s16+$0x810 ss:$0x81] =	vst.msk $0xffff, v3;
	v3 =	vld [tilespmem:s17+$0x20]  }
0x38: {  	s14 =	sshrl.u32 s14, $0x2;
	v0 =	vld [tilespmem:s17+$0xFFFFFFC0];
	[tilespmem:s16+$0x1020 ss:$0x81] =	vst.msk $0xffff, v4;
	s17 =	sadd.s32 $0x80, s17  }
0x39: {  	s18 =	simm.s32 $0x4;
	s19 =	simm.s32 $0x8;
	s14 =	sor.u32 $0x8000, s14;
	[tilespmem:s16+$0x1830 ss:$0x81] =	vst.msk $0xffff, v5;
	v4 =	vld [tilespmem:s17+$0x30]  }
.LBB1_3:
0x3a: {  	p1 =	sne.s32 s19, $0x1FC;
	v5 =	vld [tilespmem:s17+$0xFFFFFFD0];
	[tilespmem:s16+$0x2040 ss:$0x81] =	vst.msk $0xffff, v1  }
0x3b: {  	v6 =	vld [tilespmem:s17+$0xFFFFFFE0];
	[tilespmem:s16+$0x2850 ss:$0x81] =	vst.msk $0xffff, v2  }
0x3c: {  	s20 =	sshra.s32 s18, $0x2;
	s18 =	smov.u32 s19;
	v7 =	vld [tilespmem:s17+$0xFFFFFFF0];
	[tilespmem:s16+$0x3060 ss:$0x81] =	vst.msk $0xffff, v3  }
.Ltmp3:
0x3d: {  	v1 =	vld [tilespmem:s17+$0x0];
	[tilespmem:s16+$0x0 ss:$0x81] =	vst.msk $0xffff, v0;
	s16 =	sadd.s32 s20, s15;
	(pc) =	sbr.rel @p1 .LBB1_3-.Ltmp3, $4  }
0x3e: {  	v2 =	vld [tilespmem:s17+$0x10];
	[tilespmem:s16+$0x3870 ss:$0x81] =	vst.msk $0xffff, v4  }
0x3f: {  	[tilespmem:s16+$0x810 ss:$0x81] =	vst.msk $0xffff, v5;
	v3 =	vld [tilespmem:s17+$0x20]  }
0x40: {  	v0 =	vld [tilespmem:s17+$0xFFFFFFC0];
	[tilespmem:s16+$0x1020 ss:$0x81] =	vst.msk $0xffff, v6;
	s17 =	sadd.s32 $0x80, s17  }
0x41: {  	s19 =	sadd.s32 $0x4, s19;
	v4 =	vld [tilespmem:s17+$0x30];
	[tilespmem:s16+$0x1830 ss:$0x81] =	vst.msk $0xffff, v7  }
.Ltmp4:
0x42: {  	_ = 	snop;
	(pc) =	sbr.rel .LBB1_4-.Ltmp4, $1  }
0x43: {  	_ =	sdelay $0x3  }
.LBB1_6:
0x44: {  	_ =	sfence.sel $0x180000  }
0x45: {  	s2 =	simm.s32 $0x1;
	[bflag:$0x0] =	sbarrier.arrive $0xFFFF  }
0x46: {  	s31 =	simm.s32 $0x2;
	[sflag:s2] =	ssyncpa.u1 $0x1  }
0x47: {  	[sflag:s31] =	ssyncpa.u1 $0x1  }
0x48: {  	p0 =	sne.s32 s0, $0x0;
	_ =	strace $0x90000047  }
0x49: {  	s0 =	sadd.s32 @!p0 $0x100000, s1;
	[bflag:$0x2] =	sbarrier.arrive $0xFFFF  }
0x4a: {  	[sflag:s0] =	ssyncadd.tile.s32 @!p0 $0x1;
	_ =	shalt  }
.Lfunc_end1:
_tile_overlayer_lowered:
.L_overlay_start_2:
0x4b: {  	(tag) =	ssettag $0x2  }
0x4c: {  	s0 =	rddreg [dreg:$0x0];
	s2 =	stileid.u32  }
0x4d: {  	s1 =	rddreg [dreg:$0x1];
	p0 =	sne.s32 s2, $0x0  }
0x4e: {  	s3 =	rddreg [dreg:$0x2];
	[bflag:$0x3] =	sbarrier.arrive $0xFFFF;
	s2 =	simm.s32 @!p0 $0x1C01  }
0x4f: {  	[timem:s3], [sflag:s2] =	dma.local @!p0 [hbm:s0], s1  }
0x50: {  	s0 =	simm.s32 @!p0 $0x1  }
0x51: {  	_ =	swait.ge @!p0 [sflag:s0], s1  }
0x52: {  	s1 =	ssub.s32 @!p0 $0x0, s1;
	[sflag:s0] =	ssyncset.done @!p0 $0x0  }
0x53: {  	[sflag:s0] =	ssyncadd.s32 @!p0 s1  }
0x54: {  	[bflag:$0x3] =	sbarrier.arrive $0xFFFF  }
0x55: {  	_ =	shalt  }

</sc_bundles>
